<compile_context>
chip_gen: v7x
topology: tpu7x:2x2x1
jax: 0.10.2.dev20260603
libtpu: 0.0.44.dev20260713+nightly
codegen_flags: <defaults>
</compile_context>

<pallas_src>
import functools
import math

import jax
import jax.numpy as jnp
from jax import lax
from jax.experimental import pallas as pl
from jax.experimental.pallas import tpu as pltpu
from jax.experimental.pallas import tpu_sc as plsc

D_MODEL = 1024
LANES = 16
NUM_WORKERS = 32
CHUNK = 16
NBUF = 3


def _sc_embed(idx_flat, table, pe, s_len, batch):
    n = s_len * batch
    n_per_w = n // NUM_WORKERS
    nchunks = n_per_w // CHUNK
    pe_chunk = CHUNK // batch
    scale = jnp.float32(math.sqrt(D_MODEL))
    mesh = plsc.VectorSubcoreMesh(core_axis_name="c", subcore_axis_name="s")

    @functools.partial(
        pl.kernel,
        mesh=mesh,
        out_type=jax.ShapeDtypeStruct((s_len, batch, D_MODEL), jnp.float32),
        scratch_types=[pltpu.VMEM((n_per_w,), jnp.int32)]
        + [pltpu.VMEM((CHUNK, D_MODEL), jnp.float32)] * NBUF
        + [pltpu.VMEM((pe_chunk, batch, D_MODEL), jnp.float32)] * NBUF
        + [pltpu.VMEM((pe_chunk, 1, D_MODEL), jnp.float32)] * NBUF
        + [pltpu.SemaphoreType.DMA] * (3 * NBUF),
    )
    def k(tbl_hbm, idx_hbm, pe_hbm, out_hbm, idx_v, *scratch):
        ins = scratch[:NBUF]
        outs = scratch[NBUF:2 * NBUF]
        pes = scratch[2 * NBUF:3 * NBUF]
        gsems = scratch[3 * NBUF:4 * NBUF]
        ssems = scratch[4 * NBUF:5 * NBUF]
        psems = scratch[5 * NBUF:6 * NBUF]

        wid = lax.axis_index("s") * 2 + lax.axis_index("c")
        base = wid * n_per_w
        sbase = base // batch
        pltpu.sync_copy(idx_hbm.at[pl.ds(base, n_per_w)], idx_v)

        def issue_gather(g, p):
            off = pl.multiple_of(g * CHUNK, CHUNK)
            pltpu.async_copy(
                tbl_hbm.at[idx_v.at[pl.ds(off, CHUNK)]], ins[p], gsems[p]
            )
            pe_off = pl.multiple_of(sbase + g * pe_chunk, pe_chunk)
            pltpu.async_copy(
                pe_hbm.at[pl.ds(pe_off, pe_chunk)], pes[p], psems[p]
            )

        def wait_gather(g, p):
            off = pl.multiple_of(g * CHUNK, CHUNK)
            pltpu.make_async_copy(
                tbl_hbm.at[idx_v.at[pl.ds(off, CHUNK)]], ins[p], gsems[p]
            ).wait()
            pe_off = pl.multiple_of(sbase + g * pe_chunk, pe_chunk)
            pltpu.make_async_copy(
                pe_hbm.at[pl.ds(pe_off, pe_chunk)], pes[p], psems[p]
            ).wait()

        def issue_store(g, p):
            s0 = pl.multiple_of(sbase + g * pe_chunk, pe_chunk)
            pltpu.async_copy(outs[p], out_hbm.at[pl.ds(s0, pe_chunk)], ssems[p])

        def wait_store(g, p):
            s0 = pl.multiple_of(sbase + g * pe_chunk, pe_chunk)
            pltpu.make_async_copy(
                outs[p], out_hbm.at[pl.ds(s0, pe_chunk)], ssems[p]
            ).wait()

        def compute(p):
            @plsc.parallel_loop(0, D_MODEL, step=LANES, unroll=8)
            def _(c):
                for srow in range(pe_chunk):
                    pev = pes[p].at[
                        pl.ds(srow, 1), pl.ds(0, 1), pl.ds(c, LANES)
                    ][...]
                    for b in range(batch):
                        src = (pl.ds(srow * batch + b, 1), pl.ds(c, LANES))
                        dst = (pl.ds(srow, 1), pl.ds(b, 1), pl.ds(c, LANES))
                        outs[p].at[dst][...] = (
                            ins[p].at[src][...] * scale
                        ).reshape(1, 1, LANES) + pev

        for g in range(NBUF):
            issue_gather(g, g)

        @pl.loop(0, nchunks + NBUF - (nchunks % NBUF or NBUF), step=NBUF)
        def _(g0):
            for p in range(NBUF):
                g = g0 + p

                @pl.when(g < nchunks)
                def _():
                    @pl.when(g >= NBUF)
                    def _():
                        wait_store(g - NBUF, p)

                    wait_gather(g, p)
                    compute(p)
                    issue_store(g, p)

                    @pl.when(g + NBUF < nchunks)
                    def _():
                        issue_gather(g + NBUF, p)

        for g in range(nchunks - NBUF, nchunks):
            wait_store(g, g % NBUF)

    return k(table, idx_flat, pe)


@jax.jit
def kernel(x, table, pe):
    s_len, batch = x.shape
    idx_flat = x.reshape(s_len * batch)
    return _sc_embed(idx_flat, table, pe, s_len, batch)

# --- scband reference (transcript-rebuilt; emitter-appended) ---
"""Pipeline reference for scband-embeddings-with-learned-positional-encoding-14534169329914 (READ-ONLY COPY).

The authoritative reference and input builder live on the scoring server;
editing this copy changes nothing except your own understanding.
"""

import math
import jax, jax.numpy as jnp
import numpy as np

D_MODEL = 1024
N_VOCAB = 100000
MAX_LEN = 8192
SEQ_LEN = 4096
BATCH = 4


def setup_inputs(seed: int = 0) -> dict:
    key = jax.random.key(seed)
    k1, k2 = jax.random.split(key, 2)
    x = jax.random.randint(k1, (SEQ_LEN, BATCH), 0, N_VOCAB, dtype=jnp.int64 if jax.config.jax_enable_x64 else jnp.int32).astype(jnp.int32)
    # learned parameters
    table = jax.random.normal(k2, (N_VOCAB, D_MODEL), dtype=jnp.float32)
    pe = jnp.zeros((MAX_LEN, 1, D_MODEL), dtype=jnp.float32)
    return {"x": x, "table": table, "pe": pe}


def reference(x, table, pe):
    # pe slice up to sequence length (x.shape[0])
    pe_slice = pe[: x.shape[0]]  # [S, 1, d_model]
    emb = jnp.take(table, x, axis=0)  # [S, B, d_model]
    return emb * math.sqrt(D_MODEL) + pe_slice

if __name__ == "__main__":
    import jax
    _d = setup_inputs()
    print(jax.jit(kernel)(*tuple(_d.values())))

</pallas_src>

<mosaic_0001>
#map = affine_map<(d0, d1) -> (0, 0)>
#map1 = affine_map<(d0, d1) -> (0)>
#map2 = affine_map<(d0, d1) -> (0, 0, 0)>
module attributes {stable_mosaic.version = 14 : i64} {
  func.func @_rewritten_body(%arg0: i32, %arg1: i32, %arg2: memref<100000x1024xf32, #tpu.memory_space<hbm>>, %arg3: memref<16384xi32, #tpu.memory_space<hbm>>, %arg4: memref<8192x1x1024xf32, #tpu.memory_space<hbm>>, %arg5: memref<1xf32, #tpu.memory_space<hbm>>, %arg6: memref<4096x4x1024xf32, #tpu.memory_space<hbm>>, %arg7: memref<512xi32, #tpu.memory_space<vmem>>, %arg8: memref<16x1024xf32, #tpu.memory_space<vmem>>, %arg9: memref<16x1024xf32, #tpu.memory_space<vmem>>, %arg10: memref<16x1024xf32, #tpu.memory_space<vmem>>, %arg11: memref<4x4x1024xf32, #tpu.memory_space<vmem>>, %arg12: memref<4x4x1024xf32, #tpu.memory_space<vmem>>, %arg13: memref<4x4x1024xf32, #tpu.memory_space<vmem>>, %arg14: memref<4x1x1024xf32, #tpu.memory_space<vmem>>, %arg15: memref<4x1x1024xf32, #tpu.memory_space<vmem>>, %arg16: memref<4x1x1024xf32, #tpu.memory_space<vmem>>, %arg17: memref<!tpu.dma_semaphore, #tpu.memory_space<semaphore_mem>>, %arg18: memref<!tpu.dma_semaphore, #tpu.memory_space<semaphore_mem>>, %arg19: memref<!tpu.dma_semaphore, #tpu.memory_space<semaphore_mem>>, %arg20: memref<!tpu.dma_semaphore, #tpu.memory_space<semaphore_mem>>, %arg21: memref<!tpu.dma_semaphore, #tpu.memory_space<semaphore_mem>>, %arg22: memref<!tpu.dma_semaphore, #tpu.memory_space<semaphore_mem>>, %arg23: memref<!tpu.dma_semaphore, #tpu.memory_space<semaphore_mem>>, %arg24: memref<!tpu.dma_semaphore, #tpu.memory_space<semaphore_mem>>, %arg25: memref<!tpu.dma_semaphore, #tpu.memory_space<semaphore_mem>>) attributes {dimension_semantics = [#tpu.dimension_semantics<core_parallel>, #tpu.dimension_semantics<subcore_parallel>], iteration_bounds = array<i64: 2, 16>, scalar_prefetch = 0 : i64, scratch_operands = 19 : i64, tpu.core_type = #tpu.core_type<sc_vector_subcore>, window_params = [{transform_indices = #map}, {transform_indices = #map1}, {transform_indices = #map2}, {transform_indices = #map1}, {transform_indices = #map2}]} {
    %empty_ref3A = memref.alloca() : memref<16xf32, #tpu.memory_space<vmem>>
    "tpu.region"() ({
      %run_scoped3A = tpu.sem_alloc : memref<!tpu.dma_semaphore, #tpu.memory_space<semaphore_mem>>
      %dma_start3A_94 = arith.constant 0 : i32
      %dma_start3A_95 = tpu.memref_slice %empty_ref3A[%dma_start3A_94] : memref<16xf32, #tpu.memory_space<vmem>> -> memref<1xf32, #tpu.memory_space<vmem>>
      %dma_start3A_96 = arith.constant 0 : i32
      %dma_start3A_97 = tpu.memref_slice %empty_ref3A[%dma_start3A_96] : memref<16xf32, #tpu.memory_space<vmem>> -> memref<1xf32, #tpu.memory_space<vmem>>
      tpu.enqueue_dma source(%arg5 : memref<1xf32, #tpu.memory_space<hbm>>) target(%dma_start3A_97 : memref<1xf32, #tpu.memory_space<vmem>>) target_semaphore(%run_scoped3A : memref<!tpu.dma_semaphore, #tpu.memory_space<semaphore_mem>>)
      %dma_wait3A_98 = arith.constant 0 : i32
      %dma_wait3A_99 = tpu.memref_slice %empty_ref3A[%dma_wait3A_98] : memref<16xf32, #tpu.memory_space<vmem>> -> memref<1xf32, #tpu.memory_space<vmem>>
      %dma_wait3A_100 = arith.constant 0 : i32
      %dma_wait3A_101 = tpu.memref_slice %empty_ref3A[%dma_wait3A_100] : memref<16xf32, #tpu.memory_space<vmem>> -> memref<1xf32, #tpu.memory_space<vmem>>
      tpu.wait_dma2 semaphore(%run_scoped3A : memref<!tpu.dma_semaphore, #tpu.memory_space<semaphore_mem>>) src(%arg5 : memref<1xf32, #tpu.memory_space<hbm>>) dst(%dma_wait3A_101 : memref<1xf32, #tpu.memory_space<vmem>>)
      tpu.yield
    }) : () -> ()
    %get3A = arith.constant 0 : index
    %get3A_0 = tpu.vector_load %empty_ref3A[%get3A] {strides = array<i32>} : memref<16xf32, #tpu.memory_space<vmem>>, vector<16xf32>,
    %get3A_1 = vector.shape_cast %get3A_0 : vector<16xf32> to vector<16xf32>
    %slice3A = vector.extract_strided_slice %get3A_1 {offsets = [0], sizes = [1], strides = [1]} : vector<16xf32> to vector<1xf32>
    %squeeze3A = vector.extract %slice3A[0] : f32 from vector<1xf32>
    %mul3A = arith.constant 2 : i32
    %mul3A_2 = arith.muli %arg1, %mul3A : i32
    %add3A = arith.addi %mul3A_2, %arg0 : i32
    %mul3A_3 = arith.constant 512 : i32
    %mul3A_4 = arith.muli %add3A, %mul3A_3 : i32
    %jit3A = arith.constant 4 : i32
    %div3A = arith.divsi %mul3A_4, %jit3A : i32
    %sign3A = arith.constant 0 : i32
    %sign3A_5 = arith.cmpi sgt, %mul3A_4, %sign3A : i32
    %sign3A_6 = arith.extui %sign3A_5 : i1 to i32
    %sign3A_7 = arith.constant 0 : i32
    %sign3A_8 = arith.cmpi slt, %mul3A_4, %sign3A_7 : i32
    %sign3A_9 = arith.extui %sign3A_8 : i1 to i32
    %sign3A_10 = arith.subi %sign3A_6, %sign3A_9 : i32
    %sign3A_11 = arith.constant 0 : i32
    %sign3A_12 = arith.cmpi sgt, %jit3A, %sign3A_11 : i32
    %sign3A_13 = arith.extui %sign3A_12 : i1 to i32
    %sign3A_14 = arith.constant 0 : i32
    %sign3A_15 = arith.cmpi slt, %jit3A, %sign3A_14 : i32
    %sign3A_16 = arith.extui %sign3A_15 : i1 to i32
    %sign3A_17 = arith.subi %sign3A_13, %sign3A_16 : i32
    %ne3A = arith.cmpi ne, %sign3A_10, %sign3A_17 : i32
    %rem3A = arith.remsi %mul3A_4, %jit3A : i32
    %ne3A_18 = arith.constant 0 : i32
    %ne3A_19 = arith.cmpi ne, %rem3A, %ne3A_18 : i32
    %and3A = arith.andi %ne3A, %ne3A_19 : i1
    %sub3A = arith.constant 1 : i32
    %sub3A_20 = arith.subi %div3A, %sub3A : i32
    %select_n3A = arith.select %and3A, %sub3A_20, %div3A : i32
    "tpu.region"() ({
      %run_scoped3A = tpu.sem_alloc : memref<!tpu.dma_semaphore, #tpu.memory_space<semaphore_mem>>
      %dma_start3A_94 = tpu.memref_slice %arg3[%mul3A_4] : memref<16384xi32, #tpu.memory_space<hbm>> -> memref<512xi32, #tpu.memory_space<hbm>>
      %dma_start3A_95 = tpu.memref_slice %arg3[%mul3A_4] : memref<16384xi32, #tpu.memory_space<hbm>> -> memref<512xi32, #tpu.memory_space<hbm>>
      tpu.enqueue_dma source(%dma_start3A_95 : memref<512xi32, #tpu.memory_space<hbm>>) target(%arg7 : memref<512xi32, #tpu.memory_space<vmem>>) target_semaphore(%run_scoped3A : memref<!tpu.dma_semaphore, #tpu.memory_space<semaphore_mem>>)
      %dma_wait3A_96 = tpu.memref_slice %arg3[%mul3A_4] : memref<16384xi32, #tpu.memory_space<hbm>> -> memref<512xi32, #tpu.memory_space<hbm>>
      %dma_wait3A_97 = tpu.memref_slice %arg3[%mul3A_4] : memref<16384xi32, #tpu.memory_space<hbm>> -> memref<512xi32, #tpu.memory_space<hbm>>
      tpu.wait_dma2 semaphore(%run_scoped3A : memref<!tpu.dma_semaphore, #tpu.memory_space<semaphore_mem>>) src(%dma_wait3A_97 : memref<512xi32, #tpu.memory_space<hbm>>) dst(%arg7 : memref<512xi32, #tpu.memory_space<vmem>>)
      tpu.yield
    }) : () -> ()
    %multiple_of3A = arith.constant 0 : i32
    %multiple_of3A_21 = tpu.assume_multiple %multiple_of3A, 16 : i32
    %dma_start3A = tpu.memref_slice %arg7[%multiple_of3A_21] : memref<512xi32, #tpu.memory_space<vmem>> -> memref<16xi32, #tpu.memory_space<vmem>>
    %dma_start3A_22 = arith.constant 0 : i32
    %dma_start3A_23 = arith.constant 0 : i32
    %dma_start3A_24 = tpu.memref_slice %arg2[%dma_start3A_22, %dma_start3A_23] : memref<100000x1024xf32, #tpu.memory_space<hbm>> -> memref<100000x1024xf32, #tpu.memory_space<hbm>>
    tpu.enqueue_indirect_dma source(%dma_start3A_24 : memref<100000x1024xf32, #tpu.memory_space<hbm>>) target(%arg8 : memref<16x1024xf32, #tpu.memory_space<vmem>>) offsets(%dma_start3A : memref<16xi32, #tpu.memory_space<vmem>>) semaphore(%arg17 : memref<!tpu.dma_semaphore, #tpu.memory_space<semaphore_mem>>)
    %add3A_25 = arith.constant 0 : i32
    %add3A_26 = arith.addi %select_n3A, %add3A_25 : i32
    %multiple_of3A_27 = tpu.assume_multiple %add3A_26, 4 : i32
    %dma_start3A_28 = arith.constant 0 : i32
    %dma_start3A_29 = arith.constant 0 : i32
    %dma_start3A_30 = tpu.memref_slice %arg4[%multiple_of3A_27, %dma_start3A_28, %dma_start3A_29] : memref<8192x1x1024xf32, #tpu.memory_space<hbm>> -> memref<4x1x1024xf32, #tpu.memory_space<hbm>>
    %dma_start3A_31 = arith.constant 0 : i32
    %dma_start3A_32 = arith.constant 0 : i32
    %dma_start3A_33 = tpu.memref_slice %arg4[%multiple_of3A_27, %dma_start3A_31, %dma_start3A_32] : memref<8192x1x1024xf32, #tpu.memory_space<hbm>> -> memref<4x1x1024xf32, #tpu.memory_space<hbm>>
    tpu.enqueue_dma source(%dma_start3A_33 : memref<4x1x1024xf32, #tpu.memory_space<hbm>>) target(%arg14 : memref<4x1x1024xf32, #tpu.memory_space<vmem>>) target_semaphore(%arg23 : memref<!tpu.dma_semaphore, #tpu.memory_space<semaphore_mem>>)
    %multiple_of3A_34 = arith.constant 16 : i32
    %multiple_of3A_35 = tpu.assume_multiple %multiple_of3A_34, 16 : i32
    %dma_start3A_36 = tpu.memref_slice %arg7[%multiple_of3A_35] : memref<512xi32, #tpu.memory_space<vmem>> -> memref<16xi32, #tpu.memory_space<vmem>>
    %dma_start3A_37 = arith.constant 0 : i32
    %dma_start3A_38 = arith.constant 0 : i32
    %dma_start3A_39 = tpu.memref_slice %arg2[%dma_start3A_37, %dma_start3A_38] : memref<100000x1024xf32, #tpu.memory_space<hbm>> -> memref<100000x1024xf32, #tpu.memory_space<hbm>>
    tpu.enqueue_indirect_dma source(%dma_start3A_39 : memref<100000x1024xf32, #tpu.memory_space<hbm>>) target(%arg9 : memref<16x1024xf32, #tpu.memory_space<vmem>>) offsets(%dma_start3A_36 : memref<16xi32, #tpu.memory_space<vmem>>) semaphore(%arg18 : memref<!tpu.dma_semaphore, #tpu.memory_space<semaphore_mem>>)
    %add3A_40 = arith.constant 4 : i32
    %add3A_41 = arith.addi %select_n3A, %add3A_40 : i32
    %multiple_of3A_42 = tpu.assume_multiple %add3A_41, 4 : i32
    %dma_start3A_43 = arith.constant 0 : i32
    %dma_start3A_44 = arith.constant 0 : i32
    %dma_start3A_45 = tpu.memref_slice %arg4[%multiple_of3A_42, %dma_start3A_43, %dma_start3A_44] : memref<8192x1x1024xf32, #tpu.memory_space<hbm>> -> memref<4x1x1024xf32, #tpu.memory_space<hbm>>
    %dma_start3A_46 = arith.constant 0 : i32
    %dma_start3A_47 = arith.constant 0 : i32
    %dma_start3A_48 = tpu.memref_slice %arg4[%multiple_of3A_42, %dma_start3A_46, %dma_start3A_47] : memref<8192x1x1024xf32, #tpu.memory_space<hbm>> -> memref<4x1x1024xf32, #tpu.memory_space<hbm>>
    tpu.enqueue_dma source(%dma_start3A_48 : memref<4x1x1024xf32, #tpu.memory_space<hbm>>) target(%arg15 : memref<4x1x1024xf32, #tpu.memory_space<vmem>>) target_semaphore(%arg24 : memref<!tpu.dma_semaphore, #tpu.memory_space<semaphore_mem>>)
    %multiple_of3A_49 = arith.constant 32 : i32
    %multiple_of3A_50 = tpu.assume_multiple %multiple_of3A_49, 16 : i32
    %dma_start3A_51 = tpu.memref_slice %arg7[%multiple_of3A_50] : memref<512xi32, #tpu.memory_space<vmem>> -> memref<16xi32, #tpu.memory_space<vmem>>
    %dma_start3A_52 = arith.constant 0 : i32
    %dma_start3A_53 = arith.constant 0 : i32
    %dma_start3A_54 = tpu.memref_slice %arg2[%dma_start3A_52, %dma_start3A_53] : memref<100000x1024xf32, #tpu.memory_space<hbm>> -> memref<100000x1024xf32, #tpu.memory_space<hbm>>
    tpu.enqueue_indirect_dma source(%dma_start3A_54 : memref<100000x1024xf32, #tpu.memory_space<hbm>>) target(%arg10 : memref<16x1024xf32, #tpu.memory_space<vmem>>) offsets(%dma_start3A_51 : memref<16xi32, #tpu.memory_space<vmem>>) semaphore(%arg19 : memref<!tpu.dma_semaphore, #tpu.memory_space<semaphore_mem>>)
    %add3A_55 = arith.constant 8 : i32
    %add3A_56 = arith.addi %select_n3A, %add3A_55 : i32
    %multiple_of3A_57 = tpu.assume_multiple %add3A_56, 4 : i32
    %dma_start3A_58 = arith.constant 0 : i32
    %dma_start3A_59 = arith.constant 0 : i32
    %dma_start3A_60 = tpu.memref_slice %arg4[%multiple_of3A_57, %dma_start3A_58, %dma_start3A_59] : memref<8192x1x1024xf32, #tpu.memory_space<hbm>> -> memref<4x1x1024xf32, #tpu.memory_space<hbm>>
    %dma_start3A_61 = arith.constant 0 : i32
    %dma_start3A_62 = arith.constant 0 : i32
    %dma_start3A_63 = tpu.memref_slice %arg4[%multiple_of3A_57, %dma_start3A_61, %dma_start3A_62] : memref<8192x1x1024xf32, #tpu.memory_space<hbm>> -> memref<4x1x1024xf32, #tpu.memory_space<hbm>>
    tpu.enqueue_dma source(%dma_start3A_63 : memref<4x1x1024xf32, #tpu.memory_space<hbm>>) target(%arg16 : memref<4x1x1024xf32, #tpu.memory_space<vmem>>) target_semaphore(%arg25 : memref<!tpu.dma_semaphore, #tpu.memory_space<semaphore_mem>>)
    %scan3A = arith.constant 0 : i32
    %scan3A_64 = arith.constant 11 : i32
    %scan3A_65 = arith.addi %scan3A, %scan3A_64 : i32
    %scan3A_66 = arith.constant 1 : i32
    scf.for %scan3A_94 = %scan3A to %scan3A_65 step %scan3A_66  : i32 {
      %mul3A_95 = arith.constant 3 : i32
      %mul3A_96 = arith.muli %scan3A_94, %mul3A_95 : i32
      %add3A_97 = arith.constant 0 : i32
      %add3A_98 = arith.addi %add3A_97, %mul3A_96 : i32
      %add3A_99 = arith.constant 0 : i32
      %add3A_100 = arith.addi %add3A_98, %add3A_99 : i32
      %lt3A = arith.constant 32 : i32
      %lt3A_101 = arith.cmpi slt, %add3A_100, %lt3A : i32
      %convert_element_type3A = arith.extui %lt3A_101 : i1 to i32
      %cond3A = arith.constant 0 : i32
      %cond3A_102 = arith.cmpi ne, %convert_element_type3A, %cond3A : i32
      scf.if %cond3A_102 {
        %ge3A = arith.constant 3 : i32
        %ge3A_117 = arith.cmpi sge, %add3A_100, %ge3A : i32
        %convert_element_type3A_118 = arith.extui %ge3A_117 : i1 to i32
        %cond3A_119 = arith.constant 0 : i32
        %cond3A_120 = arith.cmpi ne, %convert_element_type3A_118, %cond3A_119 : i32
        scf.if %cond3A_120 {
          %sub3A_157 = arith.constant 3 : i32
          %sub3A_158 = arith.subi %add3A_100, %sub3A_157 : i32
          %mul3A_159 = arith.constant 4 : i32
          %mul3A_160 = arith.muli %sub3A_158, %mul3A_159 : i32
          %add3A_161 = arith.addi %select_n3A, %mul3A_160 : i32
          %multiple_of3A_162 = tpu.assume_multiple %add3A_161, 4 : i32
          %dma_wait3A_163 = arith.constant 0 : i32
          %dma_wait3A_164 = arith.constant 0 : i32
          %dma_wait3A_165 = tpu.memref_slice %arg6[%multiple_of3A_162, %dma_wait3A_163, %dma_wait3A_164] : memref<4096x4x1024xf32, #tpu.memory_space<hbm>> -> memref<4x4x1024xf32, #tpu.memory_space<hbm>>
          %dma_wait3A_166 = arith.constant 0 : i32
          %dma_wait3A_167 = arith.constant 0 : i32
          %dma_wait3A_168 = tpu.memref_slice %arg6[%multiple_of3A_162, %dma_wait3A_166, %dma_wait3A_167] : memref<4096x4x1024xf32, #tpu.memory_space<hbm>> -> memref<4x4x1024xf32, #tpu.memory_space<hbm>>
          tpu.wait_dma2 semaphore(%arg20 : memref<!tpu.dma_semaphore, #tpu.memory_space<semaphore_mem>>) src(%arg11 : memref<4x4x1024xf32, #tpu.memory_space<vmem>>) dst(%dma_wait3A_168 : memref<4x4x1024xf32, #tpu.memory_space<hbm>>)
        } else {
        }
        %mul3A_121 = arith.constant 16 : i32
        %mul3A_122 = arith.muli %add3A_100, %mul3A_121 : i32
        %multiple_of3A_123 = tpu.assume_multiple %mul3A_122, 16 : i32
        %dma_wait3A_124 = tpu.memref_slice %arg7[%multiple_of3A_123] : memref<512xi32, #tpu.memory_space<vmem>> -> memref<16xi32, #tpu.memory_space<vmem>>
        %dma_wait3A_125 = arith.constant 0 : i32
        %dma_wait3A_126 = arith.constant 0 : i32
        %dma_wait3A_127 = tpu.memref_slice %arg2[%dma_wait3A_125, %dma_wait3A_126] : memref<100000x1024xf32, #tpu.memory_space<hbm>> -> memref<100000x1024xf32, #tpu.memory_space<hbm>>
        tpu.wait_indirect_dma semaphore(%arg17 : memref<!tpu.dma_semaphore, #tpu.memory_space<semaphore_mem>>) src(%dma_wait3A_127 : memref<100000x1024xf32, #tpu.memory_space<hbm>>) dst(%arg8 : memref<16x1024xf32, #tpu.memory_space<vmem>>)
        %mul3A_128 = arith.constant 4 : i32
        %mul3A_129 = arith.muli %add3A_100, %mul3A_128 : i32
        %add3A_130 = arith.addi %select_n3A, %mul3A_129 : i32
        %multiple_of3A_131 = tpu.assume_multiple %add3A_130, 4 : i32
        %dma_wait3A_132 = arith.constant 0 : i32
        %dma_wait3A_133 = arith.constant 0 : i32
        %dma_wait3A_134 = tpu.memref_slice %arg4[%multiple_of3A_131, %dma_wait3A_132, %dma_wait3A_133] : memref<8192x1x1024xf32, #tpu.memory_space<hbm>> -> memref<4x1x1024xf32, #tpu.memory_space<hbm>>
        %dma_wait3A_135 = arith.constant 0 : i32
        %dma_wait3A_136 = arith.constant 0 : i32
        %dma_wait3A_137 = tpu.memref_slice %arg4[%multiple_of3A_131, %dma_wait3A_135, %dma_wait3A_136] : memref<8192x1x1024xf32, #tpu.memory_space<hbm>> -> memref<4x1x1024xf32, #tpu.memory_space<hbm>>
        tpu.wait_dma2 semaphore(%arg23 : memref<!tpu.dma_semaphore, #tpu.memory_space<semaphore_mem>>) src(%dma_wait3A_137 : memref<4x1x1024xf32, #tpu.memory_space<hbm>>) dst(%arg14 : memref<4x1x1024xf32, #tpu.memory_space<vmem>>)
        %parallel_loop3A = arith.constant 0 : i32
        %parallel_loop3A_138 = arith.constant 1024 : i32
        %parallel_loop3A_139 = arith.constant 16 : i32
        scf.for %parallel_loop3A_157 = %parallel_loop3A to %parallel_loop3A_138 step %parallel_loop3A_139  : i32 {
          %parallel_loop3A_158 = arith.constant 0 : index
          %parallel_loop3A_159 = arith.constant 0 : index
          %parallel_loop3A_160 = arith.index_cast %parallel_loop3A_157 : i32 to index
          %parallel_loop3A_161 = tpu.vector_load %arg14[%parallel_loop3A_158, %parallel_loop3A_159, %parallel_loop3A_160] {strides = array<i32>} : memref<4x1x1024xf32, #tpu.memory_space<vmem>>, vector<1x1x16xf32>,
          %parallel_loop3A_162 = vector.shape_cast %parallel_loop3A_161 : vector<1x1x16xf32> to vector<1x1x16xf32>
          %parallel_loop3A_163 = arith.constant 0 : index
          %parallel_loop3A_164 = arith.index_cast %parallel_loop3A_157 : i32 to index
          %parallel_loop3A_165 = tpu.vector_load %arg8[%parallel_loop3A_163, %parallel_loop3A_164] {strides = array<i32>} : memref<16x1024xf32, #tpu.memory_space<vmem>>, vector<1x16xf32>,
          %parallel_loop3A_166 = vector.shape_cast %parallel_loop3A_165 : vector<1x16xf32> to vector<1x16xf32>
          %parallel_loop3A_167 = vector.broadcast %squeeze3A : f32 to vector<1x16xf32>
          %parallel_loop3A_168 = arith.mulf %parallel_loop3A_166, %parallel_loop3A_167 : vector<1x16xf32>
          %parallel_loop3A_169 = vector.shape_cast %parallel_loop3A_168 : vector<1x16xf32> to vector<1x1x16xf32>
          %parallel_loop3A_170 = arith.addf %parallel_loop3A_169, %parallel_loop3A_162 : vector<1x1x16xf32>
          %parallel_loop3A_171 = arith.constant 0 : index
          %parallel_loop3A_172 = arith.constant 0 : index
          %parallel_loop3A_173 = arith.index_cast %parallel_loop3A_157 : i32 to index
          %parallel_loop3A_174 = tpu.vector_load %arg11[%parallel_loop3A_171, %parallel_loop3A_172, %parallel_loop3A_173] {strides = array<i32>} : memref<4x4x1024xf32, #tpu.memory_space<vmem>>, vector<1x1x16xf32>,
          %parallel_loop3A_175 = vector.shape_cast %parallel_loop3A_174 : vector<1x1x16xf32> to vector<1x1x16xf32>
          %parallel_loop3A_176 = vector.shape_cast %parallel_loop3A_170 : vector<1x1x16xf32> to vector<1x1x16xf32>
          tpu.vector_store %arg11[%parallel_loop3A_171, %parallel_loop3A_172, %parallel_loop3A_173], %parallel_loop3A_176 {strides = array<i32>} : memref<4x4x1024xf32, #tpu.memory_space<vmem>>, vector<1x1x16xf32>,
          %parallel_loop3A_177 = arith.constant 1 : index
          %parallel_loop3A_178 = arith.index_cast %parallel_loop3A_157 : i32 to index
          %parallel_loop3A_179 = tpu.vector_load %arg8[%parallel_loop3A_177, %parallel_loop3A_178] {strides = array<i32>} : memref<16x1024xf32, #tpu.memory_space<vmem>>, vector<1x16xf32>,
          %parallel_loop3A_180 = vector.shape_cast %parallel_loop3A_179 : vector<1x16xf32> to vector<1x16xf32>
          %parallel_loop3A_181 = vector.broadcast %squeeze3A : f32 to vector<1x16xf32>
          %parallel_loop3A_182 = arith.mulf %parallel_loop3A_180, %parallel_loop3A_181 : vector<1x16xf32>
          %parallel_loop3A_183 = vector.shape_cast %parallel_loop3A_182 : vector<1x16xf32> to vector<1x1x16xf32>
          %parallel_loop3A_184 = arith.addf %parallel_loop3A_183, %parallel_loop3A_162 : vector<1x1x16xf32>
          %parallel_loop3A_185 = arith.constant 0 : index
          %parallel_loop3A_186 = arith.constant 1 : index
          %parallel_loop3A_187 = arith.index_cast %parallel_loop3A_157 : i32 to index
          %parallel_loop3A_188 = tpu.vector_load %arg11[%parallel_loop3A_185, %parallel_loop3A_186, %parallel_loop3A_187] {strides = array<i32>} : memref<4x4x1024xf32, #tpu.memory_space<vmem>>, vector<1x1x16xf32>,
          %parallel_loop3A_189 = vector.shape_cast %parallel_loop3A_188 : vector<1x1x16xf32> to vector<1x1x16xf32>
          %parallel_loop3A_190 = vector.shape_cast %parallel_loop3A_184 : vector<1x1x16xf32> to vector<1x1x16xf32>
          tpu.vector_store %arg11[%parallel_loop3A_185, %parallel_loop3A_186, %parallel_loop3A_187], %parallel_loop3A_190 {strides = array<i32>} : memref<4x4x1024xf32, #tpu.memory_space<vmem>>, vector<1x1x16xf32>,
          %parallel_loop3A_191 = arith.constant 2 : index
          %parallel_loop3A_192 = arith.index_cast %parallel_loop3A_157 : i32 to index
          %parallel_loop3A_193 = tpu.vector_load %arg8[%parallel_loop3A_191, %parallel_loop3A_192] {strides = array<i32>} : memref<16x1024xf32, #tpu.memory_space<vmem>>, vector<1x16xf32>,
          %parallel_loop3A_194 = vector.shape_cast %parallel_loop3A_193 : vector<1x16xf32> to vector<1x16xf32>
          %parallel_loop3A_195 = vector.broadcast %squeeze3A : f32 to vector<1x16xf32>
          %parallel_loop3A_196 = arith.mulf %parallel_loop3A_194, %parallel_loop3A_195 : vector<1x16xf32>
          %parallel_loop3A_197 = vector.shape_cast %parallel_loop3A_196 : vector<1x16xf32> to vector<1x1x16xf32>
          %parallel_loop3A_198 = arith.addf %parallel_loop3A_197, %parallel_loop3A_162 : vector<1x1x16xf32>
          %parallel_loop3A_199 = arith.constant 0 : index
          %parallel_loop3A_200 = arith.constant 2 : index
          %parallel_loop3A_201 = arith.index_cast %parallel_loop3A_157 : i32 to index
          %parallel_loop3A_202 = tpu.vector_load %arg11[%parallel_loop3A_199, %parallel_loop3A_200, %parallel_loop3A_201] {strides = array<i32>} : memref<4x4x1024xf32, #tpu.memory_space<vmem>>, vector<1x1x16xf32>,
          %parallel_loop3A_203 = vector.shape_cast %parallel_loop3A_202 : vector<1x1x16xf32> to vector<1x1x16xf32>
          %parallel_loop3A_204 = vector.shape_cast %parallel_loop3A_198 : vector<1x1x16xf32> to vector<1x1x16xf32>
          tpu.vector_store %arg11[%parallel_loop3A_199, %parallel_loop3A_200, %parallel_loop3A_201], %parallel_loop3A_204 {strides = array<i32>} : memref<4x4x1024xf32, #tpu.memory_space<vmem>>, vector<1x1x16xf32>,
          %parallel_loop3A_205 = arith.constant 3 : index
          %parallel_loop3A_206 = arith.index_cast %parallel_loop3A_157 : i32 to index
          %parallel_loop3A_207 = tpu.vector_load %arg8[%parallel_loop3A_205, %parallel_loop3A_206] {strides = array<i32>} : memref<16x1024xf32, #tpu.memory_space<vmem>>, vector<1x16xf32>,
          %parallel_loop3A_208 = vector.shape_cast %parallel_loop3A_207 : vector<1x16xf32> to vector<1x16xf32>
          %parallel_loop3A_209 = vector.broadcast %squeeze3A : f32 to vector<1x16xf32>
          %parallel_loop3A_210 = arith.mulf %parallel_loop3A_208, %parallel_loop3A_209 : vector<1x16xf32>
          %parallel_loop3A_211 = vector.shape_cast %parallel_loop3A_210 : vector<1x16xf32> to vector<1x1x16xf32>
          %parallel_loop3A_212 = arith.addf %parallel_loop3A_211, %parallel_loop3A_162 : vector<1x1x16xf32>
          %parallel_loop3A_213 = arith.constant 0 : index
          %parallel_loop3A_214 = arith.constant 3 : index
          %parallel_loop3A_215 = arith.index_cast %parallel_loop3A_157 : i32 to index
          %parallel_loop3A_216 = tpu.vector_load %arg11[%parallel_loop3A_213, %parallel_loop3A_214, %parallel_loop3A_215] {strides = array<i32>} : memref<4x4x1024xf32, #tpu.memory_space<vmem>>, vector<1x1x16xf32>,
          %parallel_loop3A_217 = vector.shape_cast %parallel_loop3A_216 : vector<1x1x16xf32> to vector<1x1x16xf32>
          %parallel_loop3A_218 = vector.shape_cast %parallel_loop3A_212 : vector<1x1x16xf32> to vector<1x1x16xf32>
          tpu.vector_store %arg11[%parallel_loop3A_213, %parallel_loop3A_214, %parallel_loop3A_215], %parallel_loop3A_218 {strides = array<i32>} : memref<4x4x1024xf32, #tpu.memory_space<vmem>>, vector<1x1x16xf32>,
          %parallel_loop3A_219 = arith.constant 1 : index
          %parallel_loop3A_220 = arith.constant 0 : index
          %parallel_loop3A_221 = arith.index_cast %parallel_loop3A_157 : i32 to index
          %parallel_loop3A_222 = tpu.vector_load %arg14[%parallel_loop3A_219, %parallel_loop3A_220, %parallel_loop3A_221] {strides = array<i32>} : memref<4x1x1024xf32, #tpu.memory_space<vmem>>, vector<1x1x16xf32>,
          %parallel_loop3A_223 = vector.shape_cast %parallel_loop3A_222 : vector<1x1x16xf32> to vector<1x1x16xf32>
          %parallel_loop3A_224 = arith.constant 4 : index
          %parallel_loop3A_225 = arith.index_cast %parallel_loop3A_157 : i32 to index
          %parallel_loop3A_226 = tpu.vector_load %arg8[%parallel_loop3A_224, %parallel_loop3A_225] {strides = array<i32>} : memref<16x1024xf32, #tpu.memory_space<vmem>>, vector<1x16xf32>,
          %parallel_loop3A_227 = vector.shape_cast %parallel_loop3A_226 : vector<1x16xf32> to vector<1x16xf32>
          %parallel_loop3A_228 = vector.broadcast %squeeze3A : f32 to vector<1x16xf32>
          %parallel_loop3A_229 = arith.mulf %parallel_loop3A_227, %parallel_loop3A_228 : vector<1x16xf32>
          %parallel_loop3A_230 = vector.shape_cast %parallel_loop3A_229 : vector<1x16xf32> to vector<1x1x16xf32>
          %parallel_loop3A_231 = arith.addf %parallel_loop3A_230, %parallel_loop3A_223 : vector<1x1x16xf32>
          %parallel_loop3A_232 = arith.constant 1 : index
          %parallel_loop3A_233 = arith.constant 0 : index
          %parallel_loop3A_234 = arith.index_cast %parallel_loop3A_157 : i32 to index
          %parallel_loop3A_235 = tpu.vector_load %arg11[%parallel_loop3A_232, %parallel_loop3A_233, %parallel_loop3A_234] {strides = array<i32>} : memref<4x4x1024xf32, #tpu.memory_space<vmem>>, vector<1x1x16xf32>,
          %parallel_loop3A_236 = vector.shape_cast %parallel_loop3A_235 : vector<1x1x16xf32> to vector<1x1x16xf32>
          %parallel_loop3A_237 = vector.shape_cast %parallel_loop3A_231 : vector<1x1x16xf32> to vector<1x1x16xf32>
          tpu.vector_store %arg11[%parallel_loop3A_232, %parallel_loop3A_233, %parallel_loop3A_234], %parallel_loop3A_237 {strides = array<i32>} : memref<4x4x1024xf32, #tpu.memory_space<vmem>>, vector<1x1x16xf32>,
          %parallel_loop3A_238 = arith.constant 5 : index
          %parallel_loop3A_239 = arith.index_cast %parallel_loop3A_157 : i32 to index
          %parallel_loop3A_240 = tpu.vector_load %arg8[%parallel_loop3A_238, %parallel_loop3A_239] {strides = array<i32>} : memref<16x1024xf32, #tpu.memory_space<vmem>>, vector<1x16xf32>,
          %parallel_loop3A_241 = vector.shape_cast %parallel_loop3A_240 : vector<1x16xf32> to vector<1x16xf32>
          %parallel_loop3A_242 = vector.broadcast %squeeze3A : f32 to vector<1x16xf32>
          %parallel_loop3A_243 = arith.mulf %parallel_loop3A_241, %parallel_loop3A_242 : vector<1x16xf32>
          %parallel_loop3A_244 = vector.shape_cast %parallel_loop3A_243 : vector<1x16xf32> to vector<1x1x16xf32>
          %parallel_loop3A_245 = arith.addf %parallel_loop3A_244, %parallel_loop3A_223 : vector<1x1x16xf32>
          %parallel_loop3A_246 = arith.constant 1 : index
          %parallel_loop3A_247 = arith.constant 1 : index
          %parallel_loop3A_248 = arith.index_cast %parallel_loop3A_157 : i32 to index
          %parallel_loop3A_249 = tpu.vector_load %arg11[%parallel_loop3A_246, %parallel_loop3A_247, %parallel_loop3A_248] {strides = array<i32>} : memref<4x4x1024xf32, #tpu.memory_space<vmem>>, vector<1x1x16xf32>,
          %parallel_loop3A_250 = vector.shape_cast %parallel_loop3A_249 : vector<1x1x16xf32> to vector<1x1x16xf32>
          %parallel_loop3A_251 = vector.shape_cast %parallel_loop3A_245 : vector<1x1x16xf32> to vector<1x1x16xf32>
          tpu.vector_store %arg11[%parallel_loop3A_246, %parallel_loop3A_247, %parallel_loop3A_248], %parallel_loop3A_251 {strides = array<i32>} : memref<4x4x1024xf32, #tpu.memory_space<vmem>>, vector<1x1x16xf32>,
          %parallel_loop3A_252 = arith.constant 6 : index
          %parallel_loop3A_253 = arith.index_cast %parallel_loop3A_157 : i32 to index
          %parallel_loop3A_254 = tpu.vector_load %arg8[%parallel_loop3A_252, %parallel_loop3A_253] {strides = array<i32>} : memref<16x1024xf32, #tpu.memory_space<vmem>>, vector<1x16xf32>,
          %parallel_loop3A_255 = vector.shape_cast %parallel_loop3A_254 : vector<1x16xf32> to vector<1x16xf32>
          %parallel_loop3A_256 = vector.broadcast %squeeze3A : f32 to vector<1x16xf32>
          %parallel_loop3A_257 = arith.mulf %parallel_loop3A_255, %parallel_loop3A_256 : vector<1x16xf32>
          %parallel_loop3A_258 = vector.shape_cast %parallel_loop3A_257 : vector<1x16xf32> to vector<1x1x16xf32>
          %parallel_loop3A_259 = arith.addf %parallel_loop3A_258, %parallel_loop3A_223 : vector<1x1x16xf32>
          %parallel_loop3A_260 = arith.constant 1 : index
          %parallel_loop3A_261 = arith.constant 2 : index
          %parallel_loop3A_262 = arith.index_cast %parallel_loop3A_157 : i32 to index
          %parallel_loop3A_263 = tpu.vector_load %arg11[%parallel_loop3A_260, %parallel_loop3A_261, %parallel_loop3A_262] {strides = array<i32>} : memref<4x4x1024xf32, #tpu.memory_space<vmem>>, vector<1x1x16xf32>,
          %parallel_loop3A_264 = vector.shape_cast %parallel_loop3A_263 : vector<1x1x16xf32> to vector<1x1x16xf32>
          %parallel_loop3A_265 = vector.shape_cast %parallel_loop3A_259 : vector<1x1x16xf32> to vector<1x1x16xf32>
          tpu.vector_store %arg11[%parallel_loop3A_260, %parallel_loop3A_261, %parallel_loop3A_262], %parallel_loop3A_265 {strides = array<i32>} : memref<4x4x1024xf32, #tpu.memory_space<vmem>>, vector<1x1x16xf32>,
          %parallel_loop3A_266 = arith.constant 7 : index
          %parallel_loop3A_267 = arith.index_cast %parallel_loop3A_157 : i32 to index
          %parallel_loop3A_268 = tpu.vector_load %arg8[%parallel_loop3A_266, %parallel_loop3A_267] {strides = array<i32>} : memref<16x1024xf32, #tpu.memory_space<vmem>>, vector<1x16xf32>,
          %parallel_loop3A_269 = vector.shape_cast %parallel_loop3A_268 : vector<1x16xf32> to vector<1x16xf32>
          %parallel_loop3A_270 = vector.broadcast %squeeze3A : f32 to vector<1x16xf32>
          %parallel_loop3A_271 = arith.mulf %parallel_loop3A_269, %parallel_loop3A_270 : vector<1x16xf32>
          %parallel_loop3A_272 = vector.shape_cast %parallel_loop3A_271 : vector<1x16xf32> to vector<1x1x16xf32>
          %parallel_loop3A_273 = arith.addf %parallel_loop3A_272, %parallel_loop3A_223 : vector<1x1x16xf32>
          %parallel_loop3A_274 = arith.constant 1 : index
          %parallel_loop3A_275 = arith.constant 3 : index
          %parallel_loop3A_276 = arith.index_cast %parallel_loop3A_157 : i32 to index
          %parallel_loop3A_277 = tpu.vector_load %arg11[%parallel_loop3A_274, %parallel_loop3A_275, %parallel_loop3A_276] {strides = array<i32>} : memref<4x4x1024xf32, #tpu.memory_space<vmem>>, vector<1x1x16xf32>,
          %parallel_loop3A_278 = vector.shape_cast %parallel_loop3A_277 : vector<1x1x16xf32> to vector<1x1x16xf32>
          %parallel_loop3A_279 = vector.shape_cast %parallel_loop3A_273 : vector<1x1x16xf32> to vector<1x1x16xf32>
          tpu.vector_store %arg11[%parallel_loop3A_274, %parallel_loop3A_275, %parallel_loop3A_276], %parallel_loop3A_279 {strides = array<i32>} : memref<4x4x1024xf32, #tpu.memory_space<vmem>>, vector<1x1x16xf32>,
          %parallel_loop3A_280 = arith.constant 2 : index
          %parallel_loop3A_281 = arith.constant 0 : index
          %parallel_loop3A_282 = arith.index_cast %parallel_loop3A_157 : i32 to index
          %parallel_loop3A_283 = tpu.vector_load %arg14[%parallel_loop3A_280, %parallel_loop3A_281, %parallel_loop3A_282] {strides = array<i32>} : memref<4x1x1024xf32, #tpu.memory_space<vmem>>, vector<1x1x16xf32>,
          %parallel_loop3A_284 = vector.shape_cast %parallel_loop3A_283 : vector<1x1x16xf32> to vector<1x1x16xf32>
          %parallel_loop3A_285 = arith.constant 8 : index
          %parallel_loop3A_286 = arith.index_cast %parallel_loop3A_157 : i32 to index
          %parallel_loop3A_287 = tpu.vector_load %arg8[%parallel_loop3A_285, %parallel_loop3A_286] {strides = array<i32>} : memref<16x1024xf32, #tpu.memory_space<vmem>>, vector<1x16xf32>,
          %parallel_loop3A_288 = vector.shape_cast %parallel_loop3A_287 : vector<1x16xf32> to vector<1x16xf32>
          %parallel_loop3A_289 = vector.broadcast %squeeze3A : f32 to vector<1x16xf32>
          %parallel_loop3A_290 = arith.mulf %parallel_loop3A_288, %parallel_loop3A_289 : vector<1x16xf32>
          %parallel_loop3A_291 = vector.shape_cast %parallel_loop3A_290 : vector<1x16xf32> to vector<1x1x16xf32>
          %parallel_loop3A_292 = arith.addf %parallel_loop3A_291, %parallel_loop3A_284 : vector<1x1x16xf32>
          %parallel_loop3A_293 = arith.constant 2 : index
          %parallel_loop3A_294 = arith.constant 0 : index
          %parallel_loop3A_295 = arith.index_cast %parallel_loop3A_157 : i32 to index
          %parallel_loop3A_296 = tpu.vector_load %arg11[%parallel_loop3A_293, %parallel_loop3A_294, %parallel_loop3A_295] {strides = array<i32>} : memref<4x4x1024xf32, #tpu.memory_space<vmem>>, vector<1x1x16xf32>,
          %parallel_loop3A_297 = vector.shape_cast %parallel_loop3A_296 : vector<1x1x16xf32> to vector<1x1x16xf32>
          %parallel_loop3A_298 = vector.shape_cast %parallel_loop3A_292 : vector<1x1x16xf32> to vector<1x1x16xf32>
          tpu.vector_store %arg11[%parallel_loop3A_293, %parallel_loop3A_294, %parallel_loop3A_295], %parallel_loop3A_298 {strides = array<i32>} : memref<4x4x1024xf32, #tpu.memory_space<vmem>>, vector<1x1x16xf32>,
          %parallel_loop3A_299 = arith.constant 9 : index
          %parallel_loop3A_300 = arith.index_cast %parallel_loop3A_157 : i32 to index
          %parallel_loop3A_301 = tpu.vector_load %arg8[%parallel_loop3A_299, %parallel_loop3A_300] {strides = array<i32>} : memref<16x1024xf32, #tpu.memory_space<vmem>>, vector<1x16xf32>,
          %parallel_loop3A_302 = vector.shape_cast %parallel_loop3A_301 : vector<1x16xf32> to vector<1x16xf32>
          %parallel_loop3A_303 = vector.broadcast %squeeze3A : f32 to vector<1x16xf32>
          %parallel_loop3A_304 = arith.mulf %parallel_loop3A_302, %parallel_loop3A_303 : vector<1x16xf32>
          %parallel_loop3A_305 = vector.shape_cast %parallel_loop3A_304 : vector<1x16xf32> to vector<1x1x16xf32>
          %parallel_loop3A_306 = arith.addf %parallel_loop3A_305, %parallel_loop3A_284 : vector<1x1x16xf32>
          %parallel_loop3A_307 = arith.constant 2 : index
          %parallel_loop3A_308 = arith.constant 1 : index
          %parallel_loop3A_309 = arith.index_cast %parallel_loop3A_157 : i32 to index
          %parallel_loop3A_310 = tpu.vector_load %arg11[%parallel_loop3A_307, %parallel_loop3A_308, %parallel_loop3A_309] {strides = array<i32>} : memref<4x4x1024xf32, #tpu.memory_space<vmem>>, vector<1x1x16xf32>,
          %parallel_loop3A_311 = vector.shape_cast %parallel_loop3A_310 : vector<1x1x16xf32> to vector<1x1x16xf32>
          %parallel_loop3A_312 = vector.shape_cast %parallel_loop3A_306 : vector<1x1x16xf32> to vector<1x1x16xf32>
          tpu.vector_store %arg11[%parallel_loop3A_307, %parallel_loop3A_308, %parallel_loop3A_309], %parallel_loop3A_312 {strides = array<i32>} : memref<4x4x1024xf32, #tpu.memory_space<vmem>>, vector<1x1x16xf32>,
          %parallel_loop3A_313 = arith.constant 10 : index
          %parallel_loop3A_314 = arith.index_cast %parallel_loop3A_157 : i32 to index
          %parallel_loop3A_315 = tpu.vector_load %arg8[%parallel_loop3A_313, %parallel_loop3A_314] {strides = array<i32>} : memref<16x1024xf32, #tpu.memory_space<vmem>>, vector<1x16xf32>,
          %parallel_loop3A_316 = vector.shape_cast %parallel_loop3A_315 : vector<1x16xf32> to vector<1x16xf32>
          %parallel_loop3A_317 = vector.broadcast %squeeze3A : f32 to vector<1x16xf32>
          %parallel_loop3A_318 = arith.mulf %parallel_loop3A_316, %parallel_loop3A_317 : vector<1x16xf32>
          %parallel_loop3A_319 = vector.shape_cast %parallel_loop3A_318 : vector<1x16xf32> to vector<1x1x16xf32>
          %parallel_loop3A_320 = arith.addf %parallel_loop3A_319, %parallel_loop3A_284 : vector<1x1x16xf32>
          %parallel_loop3A_321 = arith.constant 2 : index
          %parallel_loop3A_322 = arith.constant 2 : index
          %parallel_loop3A_323 = arith.index_cast %parallel_loop3A_157 : i32 to index
          %parallel_loop3A_324 = tpu.vector_load %arg11[%parallel_loop3A_321, %parallel_loop3A_322, %parallel_loop3A_323] {strides = array<i32>} : memref<4x4x1024xf32, #tpu.memory_space<vmem>>, vector<1x1x16xf32>,
          %parallel_loop3A_325 = vector.shape_cast %parallel_loop3A_324 : vector<1x1x16xf32> to vector<1x1x16xf32>
          %parallel_loop3A_326 = vector.shape_cast %parallel_loop3A_320 : vector<1x1x16xf32> to vector<1x1x16xf32>
          tpu.vector_store %arg11[%parallel_loop3A_321, %parallel_loop3A_322, %parallel_loop3A_323], %parallel_loop3A_326 {strides = array<i32>} : memref<4x4x1024xf32, #tpu.memory_space<vmem>>, vector<1x1x16xf32>,
          %parallel_loop3A_327 = arith.constant 11 : index
          %parallel_loop3A_328 = arith.index_cast %parallel_loop3A_157 : i32 to index
          %parallel_loop3A_329 = tpu.vector_load %arg8[%parallel_loop3A_327, %parallel_loop3A_328] {strides = array<i32>} : memref<16x1024xf32, #tpu.memory_space<vmem>>, vector<1x16xf32>,
          %parallel_loop3A_330 = vector.shape_cast %parallel_loop3A_329 : vector<1x16xf32> to vector<1x16xf32>
          %parallel_loop3A_331 = vector.broadcast %squeeze3A : f32 to vector<1x16xf32>
          %parallel_loop3A_332 = arith.mulf %parallel_loop3A_330, %parallel_loop3A_331 : vector<1x16xf32>
          %parallel_loop3A_333 = vector.shape_cast %parallel_loop3A_332 : vector<1x16xf32> to vector<1x1x16xf32>
          %parallel_loop3A_334 = arith.addf %parallel_loop3A_333, %parallel_loop3A_284 : vector<1x1x16xf32>
          %parallel_loop3A_335 = arith.constant 2 : index
          %parallel_loop3A_336 = arith.constant 3 : index
          %parallel_loop3A_337 = arith.index_cast %parallel_loop3A_157 : i32 to index
          %parallel_loop3A_338 = tpu.vector_load %arg11[%parallel_loop3A_335, %parallel_loop3A_336, %parallel_loop3A_337] {strides = array<i32>} : memref<4x4x1024xf32, #tpu.memory_space<vmem>>, vector<1x1x16xf32>,
          %parallel_loop3A_339 = vector.shape_cast %parallel_loop3A_338 : vector<1x1x16xf32> to vector<1x1x16xf32>
          %parallel_loop3A_340 = vector.shape_cast %parallel_loop3A_334 : vector<1x1x16xf32> to vector<1x1x16xf32>
          tpu.vector_store %arg11[%parallel_loop3A_335, %parallel_loop3A_336, %parallel_loop3A_337], %parallel_loop3A_340 {strides = array<i32>} : memref<4x4x1024xf32, #tpu.memory_space<vmem>>, vector<1x1x16xf32>,
          %parallel_loop3A_341 = arith.constant 3 : index
          %parallel_loop3A_342 = arith.constant 0 : index
          %parallel_loop3A_343 = arith.index_cast %parallel_loop3A_157 : i32 to index
          %parallel_loop3A_344 = tpu.vector_load %arg14[%parallel_loop3A_341, %parallel_loop3A_342, %parallel_loop3A_343] {strides = array<i32>} : memref<4x1x1024xf32, #tpu.memory_space<vmem>>, vector<1x1x16xf32>,
          %parallel_loop3A_345 = vector.shape_cast %parallel_loop3A_344 : vector<1x1x16xf32> to vector<1x1x16xf32>
          %parallel_loop3A_346 = arith.constant 12 : index
          %parallel_loop3A_347 = arith.index_cast %parallel_loop3A_157 : i32 to index
          %parallel_loop3A_348 = tpu.vector_load %arg8[%parallel_loop3A_346, %parallel_loop3A_347] {strides = array<i32>} : memref<16x1024xf32, #tpu.memory_space<vmem>>, vector<1x16xf32>,
          %parallel_loop3A_349 = vector.shape_cast %parallel_loop3A_348 : vector<1x16xf32> to vector<1x16xf32>
          %parallel_loop3A_350 = vector.broadcast %squeeze3A : f32 to vector<1x16xf32>
          %parallel_loop3A_351 = arith.mulf %parallel_loop3A_349, %parallel_loop3A_350 : vector<1x16xf32>
          %parallel_loop3A_352 = vector.shape_cast %parallel_loop3A_351 : vector<1x16xf32> to vector<1x1x16xf32>
          %parallel_loop3A_353 = arith.addf %parallel_loop3A_352, %parallel_loop3A_345 : vector<1x1x16xf32>
          %parallel_loop3A_354 = arith.constant 3 : index
          %parallel_loop3A_355 = arith.constant 0 : index
          %parallel_loop3A_356 = arith.index_cast %parallel_loop3A_157 : i32 to index
          %parallel_loop3A_357 = tpu.vector_load %arg11[%parallel_loop3A_354, %parallel_loop3A_355, %parallel_loop3A_356] {strides = array<i32>} : memref<4x4x1024xf32, #tpu.memory_space<vmem>>, vector<1x1x16xf32>,
          %parallel_loop3A_358 = vector.shape_cast %parallel_loop3A_357 : vector<1x1x16xf32> to vector<1x1x16xf32>
          %parallel_loop3A_359 = vector.shape_cast %parallel_loop3A_353 : vector<1x1x16xf32> to vector<1x1x16xf32>
          tpu.vector_store %arg11[%parallel_loop3A_354, %parallel_loop3A_355, %parallel_loop3A_356], %parallel_loop3A_359 {strides = array<i32>} : memref<4x4x1024xf32, #tpu.memory_space<vmem>>, vector<1x1x16xf32>,
          %parallel_loop3A_360 = arith.constant 13 : index
          %parallel_loop3A_361 = arith.index_cast %parallel_loop3A_157 : i32 to index
          %parallel_loop3A_362 = tpu.vector_load %arg8[%parallel_loop3A_360, %parallel_loop3A_361] {strides = array<i32>} : memref<16x1024xf32, #tpu.memory_space<vmem>>, vector<1x16xf32>,
          %parallel_loop3A_363 = vector.shape_cast %parallel_loop3A_362 : vector<1x16xf32> to vector<1x16xf32>
          %parallel_loop3A_364 = vector.broadcast %squeeze3A : f32 to vector<1x16xf32>
          %parallel_loop3A_365 = arith.mulf %parallel_loop3A_363, %parallel_loop3A_364 : vector<1x16xf32>
          %parallel_loop3A_366 = vector.shape_cast %parallel_loop3A_365 : vector<1x16xf32> to vector<1x1x16xf32>
          %parallel_loop3A_367 = arith.addf %parallel_loop3A_366, %parallel_loop3A_345 : vector<1x1x16xf32>
          %parallel_loop3A_368 = arith.constant 3 : index
          %parallel_loop3A_369 = arith.constant 1 : index
          %parallel_loop3A_370 = arith.index_cast %parallel_loop3A_157 : i32 to index
          %parallel_loop3A_371 = tpu.vector_load %arg11[%parallel_loop3A_368, %parallel_loop3A_369, %parallel_loop3A_370] {strides = array<i32>} : memref<4x4x1024xf32, #tpu.memory_space<vmem>>, vector<1x1x16xf32>,
          %parallel_loop3A_372 = vector.shape_cast %parallel_loop3A_371 : vector<1x1x16xf32> to vector<1x1x16xf32>
          %parallel_loop3A_373 = vector.shape_cast %parallel_loop3A_367 : vector<1x1x16xf32> to vector<1x1x16xf32>
          tpu.vector_store %arg11[%parallel_loop3A_368, %parallel_loop3A_369, %parallel_loop3A_370], %parallel_loop3A_373 {strides = array<i32>} : memref<4x4x1024xf32, #tpu.memory_space<vmem>>, vector<1x1x16xf32>,
          %parallel_loop3A_374 = arith.constant 14 : index
          %parallel_loop3A_375 = arith.index_cast %parallel_loop3A_157 : i32 to index
          %parallel_loop3A_376 = tpu.vector_load %arg8[%parallel_loop3A_374, %parallel_loop3A_375] {strides = array<i32>} : memref<16x1024xf32, #tpu.memory_space<vmem>>, vector<1x16xf32>,
          %parallel_loop3A_377 = vector.shape_cast %parallel_loop3A_376 : vector<1x16xf32> to vector<1x16xf32>
          %parallel_loop3A_378 = vector.broadcast %squeeze3A : f32 to vector<1x16xf32>
          %parallel_loop3A_379 = arith.mulf %parallel_loop3A_377, %parallel_loop3A_378 : vector<1x16xf32>
          %parallel_loop3A_380 = vector.shape_cast %parallel_loop3A_379 : vector<1x16xf32> to vector<1x1x16xf32>
          %parallel_loop3A_381 = arith.addf %parallel_loop3A_380, %parallel_loop3A_345 : vector<1x1x16xf32>
          %parallel_loop3A_382 = arith.constant 3 : index
          %parallel_loop3A_383 = arith.constant 2 : index
          %parallel_loop3A_384 = arith.index_cast %parallel_loop3A_157 : i32 to index
          %parallel_loop3A_385 = tpu.vector_load %arg11[%parallel_loop3A_382, %parallel_loop3A_383, %parallel_loop3A_384] {strides = array<i32>} : memref<4x4x1024xf32, #tpu.memory_space<vmem>>, vector<1x1x16xf32>,
          %parallel_loop3A_386 = vector.shape_cast %parallel_loop3A_385 : vector<1x1x16xf32> to vector<1x1x16xf32>
          %parallel_loop3A_387 = vector.shape_cast %parallel_loop3A_381 : vector<1x1x16xf32> to vector<1x1x16xf32>
          tpu.vector_store %arg11[%parallel_loop3A_382, %parallel_loop3A_383, %parallel_loop3A_384], %parallel_loop3A_387 {strides = array<i32>} : memref<4x4x1024xf32, #tpu.memory_space<vmem>>, vector<1x1x16xf32>,
          %parallel_loop3A_388 = arith.constant 15 : index
          %parallel_loop3A_389 = arith.index_cast %parallel_loop3A_157 : i32 to index
          %parallel_loop3A_390 = tpu.vector_load %arg8[%parallel_loop3A_388, %parallel_loop3A_389] {strides = array<i32>} : memref<16x1024xf32, #tpu.memory_space<vmem>>, vector<1x16xf32>,
          %parallel_loop3A_391 = vector.shape_cast %parallel_loop3A_390 : vector<1x16xf32> to vector<1x16xf32>
          %parallel_loop3A_392 = vector.broadcast %squeeze3A : f32 to vector<1x16xf32>
          %parallel_loop3A_393 = arith.mulf %parallel_loop3A_391, %parallel_loop3A_392 : vector<1x16xf32>
          %parallel_loop3A_394 = vector.shape_cast %parallel_loop3A_393 : vector<1x16xf32> to vector<1x1x16xf32>
          %parallel_loop3A_395 = arith.addf %parallel_loop3A_394, %parallel_loop3A_345 : vector<1x1x16xf32>
          %parallel_loop3A_396 = arith.constant 3 : index
          %parallel_loop3A_397 = arith.constant 3 : index
          %parallel_loop3A_398 = arith.index_cast %parallel_loop3A_157 : i32 to index
          %parallel_loop3A_399 = tpu.vector_load %arg11[%parallel_loop3A_396, %parallel_loop3A_397, %parallel_loop3A_398] {strides = array<i32>} : memref<4x4x1024xf32, #tpu.memory_space<vmem>>, vector<1x1x16xf32>,
          %parallel_loop3A_400 = vector.shape_cast %parallel_loop3A_399 : vector<1x1x16xf32> to vector<1x1x16xf32>
          %parallel_loop3A_401 = vector.shape_cast %parallel_loop3A_395 : vector<1x1x16xf32> to vector<1x1x16xf32>
          tpu.vector_store %arg11[%parallel_loop3A_396, %parallel_loop3A_397, %parallel_loop3A_398], %parallel_loop3A_401 {strides = array<i32>} : memref<4x4x1024xf32, #tpu.memory_space<vmem>>, vector<1x1x16xf32>,
        } {sc.loop_unroll_factor = 8 : i64, sc.parallel_access}
        %mul3A_140 = arith.constant 4 : i32
        %mul3A_141 = arith.muli %add3A_100, %mul3A_140 : i32
        %add3A_142 = arith.addi %select_n3A, %mul3A_141 : i32
        %multiple_of3A_143 = tpu.assume_multiple %add3A_142, 4 : i32
        %dma_start3A_144 = arith.constant 0 : i32
        %dma_start3A_145 = arith.constant 0 : i32
        %dma_start3A_146 = tpu.memref_slice %arg6[%multiple_of3A_143, %dma_start3A_144, %dma_start3A_145] : memref<4096x4x1024xf32, #tpu.memory_space<hbm>> -> memref<4x4x1024xf32, #tpu.memory_space<hbm>>
        %dma_start3A_147 = arith.constant 0 : i32
        %dma_start3A_148 = arith.constant 0 : i32
        %dma_start3A_149 = tpu.memref_slice %arg6[%multiple_of3A_143, %dma_start3A_147, %dma_start3A_148] : memref<4096x4x1024xf32, #tpu.memory_space<hbm>> -> memref<4x4x1024xf32, #tpu.memory_space<hbm>>
        tpu.enqueue_dma source(%arg11 : memref<4x4x1024xf32, #tpu.memory_space<vmem>>) target(%dma_start3A_149 : memref<4x4x1024xf32, #tpu.memory_space<hbm>>) target_semaphore(%arg20 : memref<!tpu.dma_semaphore, #tpu.memory_space<semaphore_mem>>)
        %add3A_150 = arith.constant 3 : i32
        %add3A_151 = arith.addi %add3A_100, %add3A_150 : i32
        %lt3A_152 = arith.constant 32 : i32
        %lt3A_153 = arith.cmpi slt, %add3A_151, %lt3A_152 : i32
        %convert_element_type3A_154 = arith.extui %lt3A_153 : i1 to i32
        %cond3A_155 = arith.constant 0 : i32
        %cond3A_156 = arith.cmpi ne, %convert_element_type3A_154, %cond3A_155 : i32
        scf.if %cond3A_156 {
          %add3A_157 = arith.constant 3 : i32
          %add3A_158 = arith.addi %add3A_100, %add3A_157 : i32
          %mul3A_159 = arith.constant 16 : i32
          %mul3A_160 = arith.muli %add3A_158, %mul3A_159 : i32
          %multiple_of3A_161 = tpu.assume_multiple %mul3A_160, 16 : i32
          %dma_start3A_162 = tpu.memref_slice %arg7[%multiple_of3A_161] : memref<512xi32, #tpu.memory_space<vmem>> -> memref<16xi32, #tpu.memory_space<vmem>>
          %dma_start3A_163 = arith.constant 0 : i32
          %dma_start3A_164 = arith.constant 0 : i32
          %dma_start3A_165 = tpu.memref_slice %arg2[%dma_start3A_163, %dma_start3A_164] : memref<100000x1024xf32, #tpu.memory_space<hbm>> -> memref<100000x1024xf32, #tpu.memory_space<hbm>>
          tpu.enqueue_indirect_dma source(%dma_start3A_165 : memref<100000x1024xf32, #tpu.memory_space<hbm>>) target(%arg8 : memref<16x1024xf32, #tpu.memory_space<vmem>>) offsets(%dma_start3A_162 : memref<16xi32, #tpu.memory_space<vmem>>) semaphore(%arg17 : memref<!tpu.dma_semaphore, #tpu.memory_space<semaphore_mem>>)
          %mul3A_166 = arith.constant 4 : i32
          %mul3A_167 = arith.muli %add3A_158, %mul3A_166 : i32
          %add3A_168 = arith.addi %select_n3A, %mul3A_167 : i32
          %multiple_of3A_169 = tpu.assume_multiple %add3A_168, 4 : i32
          %dma_start3A_170 = arith.constant 0 : i32
          %dma_start3A_171 = arith.constant 0 : i32
          %dma_start3A_172 = tpu.memref_slice %arg4[%multiple_of3A_169, %dma_start3A_170, %dma_start3A_171] : memref<8192x1x1024xf32, #tpu.memory_space<hbm>> -> memref<4x1x1024xf32, #tpu.memory_space<hbm>>
          %dma_start3A_173 = arith.constant 0 : i32
          %dma_start3A_174 = arith.constant 0 : i32
          %dma_start3A_175 = tpu.memref_slice %arg4[%multiple_of3A_169, %dma_start3A_173, %dma_start3A_174] : memref<8192x1x1024xf32, #tpu.memory_space<hbm>> -> memref<4x1x1024xf32, #tpu.memory_space<hbm>>
          tpu.enqueue_dma source(%dma_start3A_175 : memref<4x1x1024xf32, #tpu.memory_space<hbm>>) target(%arg14 : memref<4x1x1024xf32, #tpu.memory_space<vmem>>) target_semaphore(%arg23 : memref<!tpu.dma_semaphore, #tpu.memory_space<semaphore_mem>>)
        } else {
        }
      } else {
      }
      %add3A_103 = arith.constant 1 : i32
      %add3A_104 = arith.addi %add3A_98, %add3A_103 : i32
      %lt3A_105 = arith.constant 32 : i32
      %lt3A_106 = arith.cmpi slt, %add3A_104, %lt3A_105 : i32
      %convert_element_type3A_107 = arith.extui %lt3A_106 : i1 to i32
      %cond3A_108 = arith.constant 0 : i32
      %cond3A_109 = arith.cmpi ne, %convert_element_type3A_107, %cond3A_108 : i32
      scf.if %cond3A_109 {
        %ge3A = arith.constant 3 : i32
        %ge3A_117 = arith.cmpi sge, %add3A_104, %ge3A : i32
        %convert_element_type3A_118 = arith.extui %ge3A_117 : i1 to i32
        %cond3A_119 = arith.constant 0 : i32
        %cond3A_120 = arith.cmpi ne, %convert_element_type3A_118, %cond3A_119 : i32
        scf.if %cond3A_120 {
          %sub3A_157 = arith.constant 3 : i32
          %sub3A_158 = arith.subi %add3A_104, %sub3A_157 : i32
          %mul3A_159 = arith.constant 4 : i32
          %mul3A_160 = arith.muli %sub3A_158, %mul3A_159 : i32
          %add3A_161 = arith.addi %select_n3A, %mul3A_160 : i32
          %multiple_of3A_162 = tpu.assume_multiple %add3A_161, 4 : i32
          %dma_wait3A_163 = arith.constant 0 : i32
          %dma_wait3A_164 = arith.constant 0 : i32
          %dma_wait3A_165 = tpu.memref_slice %arg6[%multiple_of3A_162, %dma_wait3A_163, %dma_wait3A_164] : memref<4096x4x1024xf32, #tpu.memory_space<hbm>> -> memref<4x4x1024xf32, #tpu.memory_space<hbm>>
          %dma_wait3A_166 = arith.constant 0 : i32
          %dma_wait3A_167 = arith.constant 0 : i32
          %dma_wait3A_168 = tpu.memref_slice %arg6[%multiple_of3A_162, %dma_wait3A_166, %dma_wait3A_167] : memref<4096x4x1024xf32, #tpu.memory_space<hbm>> -> memref<4x4x1024xf32, #tpu.memory_space<hbm>>
          tpu.wait_dma2 semaphore(%arg21 : memref<!tpu.dma_semaphore, #tpu.memory_space<semaphore_mem>>) src(%arg12 : memref<4x4x1024xf32, #tpu.memory_space<vmem>>) dst(%dma_wait3A_168 : memref<4x4x1024xf32, #tpu.memory_space<hbm>>)
        } else {
        }
        %mul3A_121 = arith.constant 16 : i32
        %mul3A_122 = arith.muli %add3A_104, %mul3A_121 : i32
        %multiple_of3A_123 = tpu.assume_multiple %mul3A_122, 16 : i32
        %dma_wait3A_124 = tpu.memref_slice %arg7[%multiple_of3A_123] : memref<512xi32, #tpu.memory_space<vmem>> -> memref<16xi32, #tpu.memory_space<vmem>>
        %dma_wait3A_125 = arith.constant 0 : i32
        %dma_wait3A_126 = arith.constant 0 : i32
        %dma_wait3A_127 = tpu.memref_slice %arg2[%dma_wait3A_125, %dma_wait3A_126] : memref<100000x1024xf32, #tpu.memory_space<hbm>> -> memref<100000x1024xf32, #tpu.memory_space<hbm>>
        tpu.wait_indirect_dma semaphore(%arg18 : memref<!tpu.dma_semaphore, #tpu.memory_space<semaphore_mem>>) src(%dma_wait3A_127 : memref<100000x1024xf32, #tpu.memory_space<hbm>>) dst(%arg9 : memref<16x1024xf32, #tpu.memory_space<vmem>>)
        %mul3A_128 = arith.constant 4 : i32
        %mul3A_129 = arith.muli %add3A_104, %mul3A_128 : i32
        %add3A_130 = arith.addi %select_n3A, %mul3A_129 : i32
        %multiple_of3A_131 = tpu.assume_multiple %add3A_130, 4 : i32
        %dma_wait3A_132 = arith.constant 0 : i32
        %dma_wait3A_133 = arith.constant 0 : i32
        %dma_wait3A_134 = tpu.memref_slice %arg4[%multiple_of3A_131, %dma_wait3A_132, %dma_wait3A_133] : memref<8192x1x1024xf32, #tpu.memory_space<hbm>> -> memref<4x1x1024xf32, #tpu.memory_space<hbm>>
        %dma_wait3A_135 = arith.constant 0 : i32
        %dma_wait3A_136 = arith.constant 0 : i32
        %dma_wait3A_137 = tpu.memref_slice %arg4[%multiple_of3A_131, %dma_wait3A_135, %dma_wait3A_136] : memref<8192x1x1024xf32, #tpu.memory_space<hbm>> -> memref<4x1x1024xf32, #tpu.memory_space<hbm>>
        tpu.wait_dma2 semaphore(%arg24 : memref<!tpu.dma_semaphore, #tpu.memory_space<semaphore_mem>>) src(%dma_wait3A_137 : memref<4x1x1024xf32, #tpu.memory_space<hbm>>) dst(%arg15 : memref<4x1x1024xf32, #tpu.memory_space<vmem>>)
        %parallel_loop3A = arith.constant 0 : i32
        %parallel_loop3A_138 = arith.constant 1024 : i32
        %parallel_loop3A_139 = arith.constant 16 : i32
        scf.for %parallel_loop3A_157 = %parallel_loop3A to %parallel_loop3A_138 step %parallel_loop3A_139  : i32 {
          %parallel_loop3A_158 = arith.constant 0 : index
          %parallel_loop3A_159 = arith.constant 0 : index
          %parallel_loop3A_160 = arith.index_cast %parallel_loop3A_157 : i32 to index
          %parallel_loop3A_161 = tpu.vector_load %arg15[%parallel_loop3A_158, %parallel_loop3A_159, %parallel_loop3A_160] {strides = array<i32>} : memref<4x1x1024xf32, #tpu.memory_space<vmem>>, vector<1x1x16xf32>,
          %parallel_loop3A_162 = vector.shape_cast %parallel_loop3A_161 : vector<1x1x16xf32> to vector<1x1x16xf32>
          %parallel_loop3A_163 = arith.constant 0 : index
          %parallel_loop3A_164 = arith.index_cast %parallel_loop3A_157 : i32 to index
          %parallel_loop3A_165 = tpu.vector_load %arg9[%parallel_loop3A_163, %parallel_loop3A_164] {strides = array<i32>} : memref<16x1024xf32, #tpu.memory_space<vmem>>, vector<1x16xf32>,
          %parallel_loop3A_166 = vector.shape_cast %parallel_loop3A_165 : vector<1x16xf32> to vector<1x16xf32>
          %parallel_loop3A_167 = vector.broadcast %squeeze3A : f32 to vector<1x16xf32>
          %parallel_loop3A_168 = arith.mulf %parallel_loop3A_166, %parallel_loop3A_167 : vector<1x16xf32>
          %parallel_loop3A_169 = vector.shape_cast %parallel_loop3A_168 : vector<1x16xf32> to vector<1x1x16xf32>
          %parallel_loop3A_170 = arith.addf %parallel_loop3A_169, %parallel_loop3A_162 : vector<1x1x16xf32>
          %parallel_loop3A_171 = arith.constant 0 : index
          %parallel_loop3A_172 = arith.constant 0 : index
          %parallel_loop3A_173 = arith.index_cast %parallel_loop3A_157 : i32 to index
          %parallel_loop3A_174 = tpu.vector_load %arg12[%parallel_loop3A_171, %parallel_loop3A_172, %parallel_loop3A_173] {strides = array<i32>} : memref<4x4x1024xf32, #tpu.memory_space<vmem>>, vector<1x1x16xf32>,
          %parallel_loop3A_175 = vector.shape_cast %parallel_loop3A_174 : vector<1x1x16xf32> to vector<1x1x16xf32>
          %parallel_loop3A_176 = vector.shape_cast %parallel_loop3A_170 : vector<1x1x16xf32> to vector<1x1x16xf32>
          tpu.vector_store %arg12[%parallel_loop3A_171, %parallel_loop3A_172, %parallel_loop3A_173], %parallel_loop3A_176 {strides = array<i32>} : memref<4x4x1024xf32, #tpu.memory_space<vmem>>, vector<1x1x16xf32>,
          %parallel_loop3A_177 = arith.constant 1 : index
          %parallel_loop3A_178 = arith.index_cast %parallel_loop3A_157 : i32 to index
          %parallel_loop3A_179 = tpu.vector_load %arg9[%parallel_loop3A_177, %parallel_loop3A_178] {strides = array<i32>} : memref<16x1024xf32, #tpu.memory_space<vmem>>, vector<1x16xf32>,
          %parallel_loop3A_180 = vector.shape_cast %parallel_loop3A_179 : vector<1x16xf32> to vector<1x16xf32>
          %parallel_loop3A_181 = vector.broadcast %squeeze3A : f32 to vector<1x16xf32>
          %parallel_loop3A_182 = arith.mulf %parallel_loop3A_180, %parallel_loop3A_181 : vector<1x16xf32>
          %parallel_loop3A_183 = vector.shape_cast %parallel_loop3A_182 : vector<1x16xf32> to vector<1x1x16xf32>
          %parallel_loop3A_184 = arith.addf %parallel_loop3A_183, %parallel_loop3A_162 : vector<1x1x16xf32>
          %parallel_loop3A_185 = arith.constant 0 : index
          %parallel_loop3A_186 = arith.constant 1 : index
          %parallel_loop3A_187 = arith.index_cast %parallel_loop3A_157 : i32 to index
          %parallel_loop3A_188 = tpu.vector_load %arg12[%parallel_loop3A_185, %parallel_loop3A_186, %parallel_loop3A_187] {strides = array<i32>} : memref<4x4x1024xf32, #tpu.memory_space<vmem>>, vector<1x1x16xf32>,
          %parallel_loop3A_189 = vector.shape_cast %parallel_loop3A_188 : vector<1x1x16xf32> to vector<1x1x16xf32>
          %parallel_loop3A_190 = vector.shape_cast %parallel_loop3A_184 : vector<1x1x16xf32> to vector<1x1x16xf32>
          tpu.vector_store %arg12[%parallel_loop3A_185, %parallel_loop3A_186, %parallel_loop3A_187], %parallel_loop3A_190 {strides = array<i32>} : memref<4x4x1024xf32, #tpu.memory_space<vmem>>, vector<1x1x16xf32>,
          %parallel_loop3A_191 = arith.constant 2 : index
          %parallel_loop3A_192 = arith.index_cast %parallel_loop3A_157 : i32 to index
          %parallel_loop3A_193 = tpu.vector_load %arg9[%parallel_loop3A_191, %parallel_loop3A_192] {strides = array<i32>} : memref<16x1024xf32, #tpu.memory_space<vmem>>, vector<1x16xf32>,
          %parallel_loop3A_194 = vector.shape_cast %parallel_loop3A_193 : vector<1x16xf32> to vector<1x16xf32>
          %parallel_loop3A_195 = vector.broadcast %squeeze3A : f32 to vector<1x16xf32>
          %parallel_loop3A_196 = arith.mulf %parallel_loop3A_194, %parallel_loop3A_195 : vector<1x16xf32>
          %parallel_loop3A_197 = vector.shape_cast %parallel_loop3A_196 : vector<1x16xf32> to vector<1x1x16xf32>
          %parallel_loop3A_198 = arith.addf %parallel_loop3A_197, %parallel_loop3A_162 : vector<1x1x16xf32>
          %parallel_loop3A_199 = arith.constant 0 : index
          %parallel_loop3A_200 = arith.constant 2 : index
          %parallel_loop3A_201 = arith.index_cast %parallel_loop3A_157 : i32 to index
          %parallel_loop3A_202 = tpu.vector_load %arg12[%parallel_loop3A_199, %parallel_loop3A_200, %parallel_loop3A_201] {strides = array<i32>} : memref<4x4x1024xf32, #tpu.memory_space<vmem>>, vector<1x1x16xf32>,
          %parallel_loop3A_203 = vector.shape_cast %parallel_loop3A_202 : vector<1x1x16xf32> to vector<1x1x16xf32>
          %parallel_loop3A_204 = vector.shape_cast %parallel_loop3A_198 : vector<1x1x16xf32> to vector<1x1x16xf32>
          tpu.vector_store %arg12[%parallel_loop3A_199, %parallel_loop3A_200, %parallel_loop3A_201], %parallel_loop3A_204 {strides = array<i32>} : memref<4x4x1024xf32, #tpu.memory_space<vmem>>, vector<1x1x16xf32>,
          %parallel_loop3A_205 = arith.constant 3 : index
          %parallel_loop3A_206 = arith.index_cast %parallel_loop3A_157 : i32 to index
          %parallel_loop3A_207 = tpu.vector_load %arg9[%parallel_loop3A_205, %parallel_loop3A_206] {strides = array<i32>} : memref<16x1024xf32, #tpu.memory_space<vmem>>, vector<1x16xf32>,
          %parallel_loop3A_208 = vector.shape_cast %parallel_loop3A_207 : vector<1x16xf32> to vector<1x16xf32>
          %parallel_loop3A_209 = vector.broadcast %squeeze3A : f32 to vector<1x16xf32>
          %parallel_loop3A_210 = arith.mulf %parallel_loop3A_208, %parallel_loop3A_209 : vector<1x16xf32>
          %parallel_loop3A_211 = vector.shape_cast %parallel_loop3A_210 : vector<1x16xf32> to vector<1x1x16xf32>
          %parallel_loop3A_212 = arith.addf %parallel_loop3A_211, %parallel_loop3A_162 : vector<1x1x16xf32>
          %parallel_loop3A_213 = arith.constant 0 : index
          %parallel_loop3A_214 = arith.constant 3 : index
          %parallel_loop3A_215 = arith.index_cast %parallel_loop3A_157 : i32 to index
          %parallel_loop3A_216 = tpu.vector_load %arg12[%parallel_loop3A_213, %parallel_loop3A_214, %parallel_loop3A_215] {strides = array<i32>} : memref<4x4x1024xf32, #tpu.memory_space<vmem>>, vector<1x1x16xf32>,
          %parallel_loop3A_217 = vector.shape_cast %parallel_loop3A_216 : vector<1x1x16xf32> to vector<1x1x16xf32>
          %parallel_loop3A_218 = vector.shape_cast %parallel_loop3A_212 : vector<1x1x16xf32> to vector<1x1x16xf32>
          tpu.vector_store %arg12[%parallel_loop3A_213, %parallel_loop3A_214, %parallel_loop3A_215], %parallel_loop3A_218 {strides = array<i32>} : memref<4x4x1024xf32, #tpu.memory_space<vmem>>, vector<1x1x16xf32>,
          %parallel_loop3A_219 = arith.constant 1 : index
          %parallel_loop3A_220 = arith.constant 0 : index
          %parallel_loop3A_221 = arith.index_cast %parallel_loop3A_157 : i32 to index
          %parallel_loop3A_222 = tpu.vector_load %arg15[%parallel_loop3A_219, %parallel_loop3A_220, %parallel_loop3A_221] {strides = array<i32>} : memref<4x1x1024xf32, #tpu.memory_space<vmem>>, vector<1x1x16xf32>,
          %parallel_loop3A_223 = vector.shape_cast %parallel_loop3A_222 : vector<1x1x16xf32> to vector<1x1x16xf32>
          %parallel_loop3A_224 = arith.constant 4 : index
          %parallel_loop3A_225 = arith.index_cast %parallel_loop3A_157 : i32 to index
          %parallel_loop3A_226 = tpu.vector_load %arg9[%parallel_loop3A_224, %parallel_loop3A_225] {strides = array<i32>} : memref<16x1024xf32, #tpu.memory_space<vmem>>, vector<1x16xf32>,
          %parallel_loop3A_227 = vector.shape_cast %parallel_loop3A_226 : vector<1x16xf32> to vector<1x16xf32>
          %parallel_loop3A_228 = vector.broadcast %squeeze3A : f32 to vector<1x16xf32>
          %parallel_loop3A_229 = arith.mulf %parallel_loop3A_227, %parallel_loop3A_228 : vector<1x16xf32>
          %parallel_loop3A_230 = vector.shape_cast %parallel_loop3A_229 : vector<1x16xf32> to vector<1x1x16xf32>
          %parallel_loop3A_231 = arith.addf %parallel_loop3A_230, %parallel_loop3A_223 : vector<1x1x16xf32>
          %parallel_loop3A_232 = arith.constant 1 : index
          %parallel_loop3A_233 = arith.constant 0 : index
          %parallel_loop3A_234 = arith.index_cast %parallel_loop3A_157 : i32 to index
          %parallel_loop3A_235 = tpu.vector_load %arg12[%parallel_loop3A_232, %parallel_loop3A_233, %parallel_loop3A_234] {strides = array<i32>} : memref<4x4x1024xf32, #tpu.memory_space<vmem>>, vector<1x1x16xf32>,
          %parallel_loop3A_236 = vector.shape_cast %parallel_loop3A_235 : vector<1x1x16xf32> to vector<1x1x16xf32>
          %parallel_loop3A_237 = vector.shape_cast %parallel_loop3A_231 : vector<1x1x16xf32> to vector<1x1x16xf32>
          tpu.vector_store %arg12[%parallel_loop3A_232, %parallel_loop3A_233, %parallel_loop3A_234], %parallel_loop3A_237 {strides = array<i32>} : memref<4x4x1024xf32, #tpu.memory_space<vmem>>, vector<1x1x16xf32>,
          %parallel_loop3A_238 = arith.constant 5 : index
          %parallel_loop3A_239 = arith.index_cast %parallel_loop3A_157 : i32 to index
          %parallel_loop3A_240 = tpu.vector_load %arg9[%parallel_loop3A_238, %parallel_loop3A_239] {strides = array<i32>} : memref<16x1024xf32, #tpu.memory_space<vmem>>, vector<1x16xf32>,
          %parallel_loop3A_241 = vector.shape_cast %parallel_loop3A_240 : vector<1x16xf32> to vector<1x16xf32>
          %parallel_loop3A_242 = vector.broadcast %squeeze3A : f32 to vector<1x16xf32>
          %parallel_loop3A_243 = arith.mulf %parallel_loop3A_241, %parallel_loop3A_242 : vector<1x16xf32>
          %parallel_loop3A_244 = vector.shape_cast %parallel_loop3A_243 : vector<1x16xf32> to vector<1x1x16xf32>
          %parallel_loop3A_245 = arith.addf %parallel_loop3A_244, %parallel_loop3A_223 : vector<1x1x16xf32>
          %parallel_loop3A_246 = arith.constant 1 : index
          %parallel_loop3A_247 = arith.constant 1 : index
          %parallel_loop3A_248 = arith.index_cast %parallel_loop3A_157 : i32 to index
          %parallel_loop3A_249 = tpu.vector_load %arg12[%parallel_loop3A_246, %parallel_loop3A_247, %parallel_loop3A_248] {strides = array<i32>} : memref<4x4x1024xf32, #tpu.memory_space<vmem>>, vector<1x1x16xf32>,
          %parallel_loop3A_250 = vector.shape_cast %parallel_loop3A_249 : vector<1x1x16xf32> to vector<1x1x16xf32>
          %parallel_loop3A_251 = vector.shape_cast %parallel_loop3A_245 : vector<1x1x16xf32> to vector<1x1x16xf32>
          tpu.vector_store %arg12[%parallel_loop3A_246, %parallel_loop3A_247, %parallel_loop3A_248], %parallel_loop3A_251 {strides = array<i32>} : memref<4x4x1024xf32, #tpu.memory_space<vmem>>, vector<1x1x16xf32>,
          %parallel_loop3A_252 = arith.constant 6 : index
          %parallel_loop3A_253 = arith.index_cast %parallel_loop3A_157 : i32 to index
          %parallel_loop3A_254 = tpu.vector_load %arg9[%parallel_loop3A_252, %parallel_loop3A_253] {strides = array<i32>} : memref<16x1024xf32, #tpu.memory_space<vmem>>, vector<1x16xf32>,
          %parallel_loop3A_255 = vector.shape_cast %parallel_loop3A_254 : vector<1x16xf32> to vector<1x16xf32>
          %parallel_loop3A_256 = vector.broadcast %squeeze3A : f32 to vector<1x16xf32>
          %parallel_loop3A_257 = arith.mulf %parallel_loop3A_255, %parallel_loop3A_256 : vector<1x16xf32>
          %parallel_loop3A_258 = vector.shape_cast %parallel_loop3A_257 : vector<1x16xf32> to vector<1x1x16xf32>
          %parallel_loop3A_259 = arith.addf %parallel_loop3A_258, %parallel_loop3A_223 : vector<1x1x16xf32>
          %parallel_loop3A_260 = arith.constant 1 : index
          %parallel_loop3A_261 = arith.constant 2 : index
          %parallel_loop3A_262 = arith.index_cast %parallel_loop3A_157 : i32 to index
          %parallel_loop3A_263 = tpu.vector_load %arg12[%parallel_loop3A_260, %parallel_loop3A_261, %parallel_loop3A_262] {strides = array<i32>} : memref<4x4x1024xf32, #tpu.memory_space<vmem>>, vector<1x1x16xf32>,
          %parallel_loop3A_264 = vector.shape_cast %parallel_loop3A_263 : vector<1x1x16xf32> to vector<1x1x16xf32>
          %parallel_loop3A_265 = vector.shape_cast %parallel_loop3A_259 : vector<1x1x16xf32> to vector<1x1x16xf32>
          tpu.vector_store %arg12[%parallel_loop3A_260, %parallel_loop3A_261, %parallel_loop3A_262], %parallel_loop3A_265 {strides = array<i32>} : memref<4x4x1024xf32, #tpu.memory_space<vmem>>, vector<1x1x16xf32>,
          %parallel_loop3A_266 = arith.constant 7 : index
          %parallel_loop3A_267 = arith.index_cast %parallel_loop3A_157 : i32 to index
          %parallel_loop3A_268 = tpu.vector_load %arg9[%parallel_loop3A_266, %parallel_loop3A_267] {strides = array<i32>} : memref<16x1024xf32, #tpu.memory_space<vmem>>, vector<1x16xf32>,
          %parallel_loop3A_269 = vector.shape_cast %parallel_loop3A_268 : vector<1x16xf32> to vector<1x16xf32>
          %parallel_loop3A_270 = vector.broadcast %squeeze3A : f32 to vector<1x16xf32>
          %parallel_loop3A_271 = arith.mulf %parallel_loop3A_269, %parallel_loop3A_270 : vector<1x16xf32>
          %parallel_loop3A_272 = vector.shape_cast %parallel_loop3A_271 : vector<1x16xf32> to vector<1x1x16xf32>
          %parallel_loop3A_273 = arith.addf %parallel_loop3A_272, %parallel_loop3A_223 : vector<1x1x16xf32>
          %parallel_loop3A_274 = arith.constant 1 : index
          %parallel_loop3A_275 = arith.constant 3 : index
          %parallel_loop3A_276 = arith.index_cast %parallel_loop3A_157 : i32 to index
          %parallel_loop3A_277 = tpu.vector_load %arg12[%parallel_loop3A_274, %parallel_loop3A_275, %parallel_loop3A_276] {strides = array<i32>} : memref<4x4x1024xf32, #tpu.memory_space<vmem>>, vector<1x1x16xf32>,
          %parallel_loop3A_278 = vector.shape_cast %parallel_loop3A_277 : vector<1x1x16xf32> to vector<1x1x16xf32>
          %parallel_loop3A_279 = vector.shape_cast %parallel_loop3A_273 : vector<1x1x16xf32> to vector<1x1x16xf32>
          tpu.vector_store %arg12[%parallel_loop3A_274, %parallel_loop3A_275, %parallel_loop3A_276], %parallel_loop3A_279 {strides = array<i32>} : memref<4x4x1024xf32, #tpu.memory_space<vmem>>, vector<1x1x16xf32>,
          %parallel_loop3A_280 = arith.constant 2 : index
          %parallel_loop3A_281 = arith.constant 0 : index
          %parallel_loop3A_282 = arith.index_cast %parallel_loop3A_157 : i32 to index
          %parallel_loop3A_283 = tpu.vector_load %arg15[%parallel_loop3A_280, %parallel_loop3A_281, %parallel_loop3A_282] {strides = array<i32>} : memref<4x1x1024xf32, #tpu.memory_space<vmem>>, vector<1x1x16xf32>,
          %parallel_loop3A_284 = vector.shape_cast %parallel_loop3A_283 : vector<1x1x16xf32> to vector<1x1x16xf32>
          %parallel_loop3A_285 = arith.constant 8 : index
          %parallel_loop3A_286 = arith.index_cast %parallel_loop3A_157 : i32 to index
          %parallel_loop3A_287 = tpu.vector_load %arg9[%parallel_loop3A_285, %parallel_loop3A_286] {strides = array<i32>} : memref<16x1024xf32, #tpu.memory_space<vmem>>, vector<1x16xf32>,
          %parallel_loop3A_288 = vector.shape_cast %parallel_loop3A_287 : vector<1x16xf32> to vector<1x16xf32>
          %parallel_loop3A_289 = vector.broadcast %squeeze3A : f32 to vector<1x16xf32>
          %parallel_loop3A_290 = arith.mulf %parallel_loop3A_288, %parallel_loop3A_289 : vector<1x16xf32>
          %parallel_loop3A_291 = vector.shape_cast %parallel_loop3A_290 : vector<1x16xf32> to vector<1x1x16xf32>
          %parallel_loop3A_292 = arith.addf %parallel_loop3A_291, %parallel_loop3A_284 : vector<1x1x16xf32>
          %parallel_loop3A_293 = arith.constant 2 : index
          %parallel_loop3A_294 = arith.constant 0 : index
          %parallel_loop3A_295 = arith.index_cast %parallel_loop3A_157 : i32 to index
          %parallel_loop3A_296 = tpu.vector_load %arg12[%parallel_loop3A_293, %parallel_loop3A_294, %parallel_loop3A_295] {strides = array<i32>} : memref<4x4x1024xf32, #tpu.memory_space<vmem>>, vector<1x1x16xf32>,
          %parallel_loop3A_297 = vector.shape_cast %parallel_loop3A_296 : vector<1x1x16xf32> to vector<1x1x16xf32>
          %parallel_loop3A_298 = vector.shape_cast %parallel_loop3A_292 : vector<1x1x16xf32> to vector<1x1x16xf32>
          tpu.vector_store %arg12[%parallel_loop3A_293, %parallel_loop3A_294, %parallel_loop3A_295], %parallel_loop3A_298 {strides = array<i32>} : memref<4x4x1024xf32, #tpu.memory_space<vmem>>, vector<1x1x16xf32>,
          %parallel_loop3A_299 = arith.constant 9 : index
          %parallel_loop3A_300 = arith.index_cast %parallel_loop3A_157 : i32 to index
          %parallel_loop3A_301 = tpu.vector_load %arg9[%parallel_loop3A_299, %parallel_loop3A_300] {strides = array<i32>} : memref<16x1024xf32, #tpu.memory_space<vmem>>, vector<1x16xf32>,
          %parallel_loop3A_302 = vector.shape_cast %parallel_loop3A_301 : vector<1x16xf32> to vector<1x16xf32>
          %parallel_loop3A_303 = vector.broadcast %squeeze3A : f32 to vector<1x16xf32>
          %parallel_loop3A_304 = arith.mulf %parallel_loop3A_302, %parallel_loop3A_303 : vector<1x16xf32>
          %parallel_loop3A_305 = vector.shape_cast %parallel_loop3A_304 : vector<1x16xf32> to vector<1x1x16xf32>
          %parallel_loop3A_306 = arith.addf %parallel_loop3A_305, %parallel_loop3A_284 : vector<1x1x16xf32>
          %parallel_loop3A_307 = arith.constant 2 : index
          %parallel_loop3A_308 = arith.constant 1 : index
          %parallel_loop3A_309 = arith.index_cast %parallel_loop3A_157 : i32 to index
          %parallel_loop3A_310 = tpu.vector_load %arg12[%parallel_loop3A_307, %parallel_loop3A_308, %parallel_loop3A_309] {strides = array<i32>} : memref<4x4x1024xf32, #tpu.memory_space<vmem>>, vector<1x1x16xf32>,
          %parallel_loop3A_311 = vector.shape_cast %parallel_loop3A_310 : vector<1x1x16xf32> to vector<1x1x16xf32>
          %parallel_loop3A_312 = vector.shape_cast %parallel_loop3A_306 : vector<1x1x16xf32> to vector<1x1x16xf32>
          tpu.vector_store %arg12[%parallel_loop3A_307, %parallel_loop3A_308, %parallel_loop3A_309], %parallel_loop3A_312 {strides = array<i32>} : memref<4x4x1024xf32, #tpu.memory_space<vmem>>, vector<1x1x16xf32>,
          %parallel_loop3A_313 = arith.constant 10 : index
          %parallel_loop3A_314 = arith.index_cast %parallel_loop3A_157 : i32 to index
          %parallel_loop3A_315 = tpu.vector_load %arg9[%parallel_loop3A_313, %parallel_loop3A_314] {strides = array<i32>} : memref<16x1024xf32, #tpu.memory_space<vmem>>, vector<1x16xf32>,
          %parallel_loop3A_316 = vector.shape_cast %parallel_loop3A_315 : vector<1x16xf32> to vector<1x16xf32>
          %parallel_loop3A_317 = vector.broadcast %squeeze3A : f32 to vector<1x16xf32>
          %parallel_loop3A_318 = arith.mulf %parallel_loop3A_316, %parallel_loop3A_317 : vector<1x16xf32>
          %parallel_loop3A_319 = vector.shape_cast %parallel_loop3A_318 : vector<1x16xf32> to vector<1x1x16xf32>
          %parallel_loop3A_320 = arith.addf %parallel_loop3A_319, %parallel_loop3A_284 : vector<1x1x16xf32>
          %parallel_loop3A_321 = arith.constant 2 : index
          %parallel_loop3A_322 = arith.constant 2 : index
          %parallel_loop3A_323 = arith.index_cast %parallel_loop3A_157 : i32 to index
          %parallel_loop3A_324 = tpu.vector_load %arg12[%parallel_loop3A_321, %parallel_loop3A_322, %parallel_loop3A_323] {strides = array<i32>} : memref<4x4x1024xf32, #tpu.memory_space<vmem>>, vector<1x1x16xf32>,
          %parallel_loop3A_325 = vector.shape_cast %parallel_loop3A_324 : vector<1x1x16xf32> to vector<1x1x16xf32>
          %parallel_loop3A_326 = vector.shape_cast %parallel_loop3A_320 : vector<1x1x16xf32> to vector<1x1x16xf32>
          tpu.vector_store %arg12[%parallel_loop3A_321, %parallel_loop3A_322, %parallel_loop3A_323], %parallel_loop3A_326 {strides = array<i32>} : memref<4x4x1024xf32, #tpu.memory_space<vmem>>, vector<1x1x16xf32>,
          %parallel_loop3A_327 = arith.constant 11 : index
          %parallel_loop3A_328 = arith.index_cast %parallel_loop3A_157 : i32 to index
          %parallel_loop3A_329 = tpu.vector_load %arg9[%parallel_loop3A_327, %parallel_loop3A_328] {strides = array<i32>} : memref<16x1024xf32, #tpu.memory_space<vmem>>, vector<1x16xf32>,
          %parallel_loop3A_330 = vector.shape_cast %parallel_loop3A_329 : vector<1x16xf32> to vector<1x16xf32>
          %parallel_loop3A_331 = vector.broadcast %squeeze3A : f32 to vector<1x16xf32>
          %parallel_loop3A_332 = arith.mulf %parallel_loop3A_330, %parallel_loop3A_331 : vector<1x16xf32>
          %parallel_loop3A_333 = vector.shape_cast %parallel_loop3A_332 : vector<1x16xf32> to vector<1x1x16xf32>
          %parallel_loop3A_334 = arith.addf %parallel_loop3A_333, %parallel_loop3A_284 : vector<1x1x16xf32>
          %parallel_loop3A_335 = arith.constant 2 : index
          %parallel_loop3A_336 = arith.constant 3 : index
          %parallel_loop3A_337 = arith.index_cast %parallel_loop3A_157 : i32 to index
          %parallel_loop3A_338 = tpu.vector_load %arg12[%parallel_loop3A_335, %parallel_loop3A_336, %parallel_loop3A_337] {strides = array<i32>} : memref<4x4x1024xf32, #tpu.memory_space<vmem>>, vector<1x1x16xf32>,
          %parallel_loop3A_339 = vector.shape_cast %parallel_loop3A_338 : vector<1x1x16xf32> to vector<1x1x16xf32>
          %parallel_loop3A_340 = vector.shape_cast %parallel_loop3A_334 : vector<1x1x16xf32> to vector<1x1x16xf32>
          tpu.vector_store %arg12[%parallel_loop3A_335, %parallel_loop3A_336, %parallel_loop3A_337], %parallel_loop3A_340 {strides = array<i32>} : memref<4x4x1024xf32, #tpu.memory_space<vmem>>, vector<1x1x16xf32>,
          %parallel_loop3A_341 = arith.constant 3 : index
          %parallel_loop3A_342 = arith.constant 0 : index
          %parallel_loop3A_343 = arith.index_cast %parallel_loop3A_157 : i32 to index
          %parallel_loop3A_344 = tpu.vector_load %arg15[%parallel_loop3A_341, %parallel_loop3A_342, %parallel_loop3A_343] {strides = array<i32>} : memref<4x1x1024xf32, #tpu.memory_space<vmem>>, vector<1x1x16xf32>,
          %parallel_loop3A_345 = vector.shape_cast %parallel_loop3A_344 : vector<1x1x16xf32> to vector<1x1x16xf32>
          %parallel_loop3A_346 = arith.constant 12 : index
          %parallel_loop3A_347 = arith.index_cast %parallel_loop3A_157 : i32 to index
          %parallel_loop3A_348 = tpu.vector_load %arg9[%parallel_loop3A_346, %parallel_loop3A_347] {strides = array<i32>} : memref<16x1024xf32, #tpu.memory_space<vmem>>, vector<1x16xf32>,
          %parallel_loop3A_349 = vector.shape_cast %parallel_loop3A_348 : vector<1x16xf32> to vector<1x16xf32>
          %parallel_loop3A_350 = vector.broadcast %squeeze3A : f32 to vector<1x16xf32>
          %parallel_loop3A_351 = arith.mulf %parallel_loop3A_349, %parallel_loop3A_350 : vector<1x16xf32>
          %parallel_loop3A_352 = vector.shape_cast %parallel_loop3A_351 : vector<1x16xf32> to vector<1x1x16xf32>
          %parallel_loop3A_353 = arith.addf %parallel_loop3A_352, %parallel_loop3A_345 : vector<1x1x16xf32>
          %parallel_loop3A_354 = arith.constant 3 : index
          %parallel_loop3A_355 = arith.constant 0 : index
          %parallel_loop3A_356 = arith.index_cast %parallel_loop3A_157 : i32 to index
          %parallel_loop3A_357 = tpu.vector_load %arg12[%parallel_loop3A_354, %parallel_loop3A_355, %parallel_loop3A_356] {strides = array<i32>} : memref<4x4x1024xf32, #tpu.memory_space<vmem>>, vector<1x1x16xf32>,
          %parallel_loop3A_358 = vector.shape_cast %parallel_loop3A_357 : vector<1x1x16xf32> to vector<1x1x16xf32>
          %parallel_loop3A_359 = vector.shape_cast %parallel_loop3A_353 : vector<1x1x16xf32> to vector<1x1x16xf32>
          tpu.vector_store %arg12[%parallel_loop3A_354, %parallel_loop3A_355, %parallel_loop3A_356], %parallel_loop3A_359 {strides = array<i32>} : memref<4x4x1024xf32, #tpu.memory_space<vmem>>, vector<1x1x16xf32>,
          %parallel_loop3A_360 = arith.constant 13 : index
          %parallel_loop3A_361 = arith.index_cast %parallel_loop3A_157 : i32 to index
          %parallel_loop3A_362 = tpu.vector_load %arg9[%parallel_loop3A_360, %parallel_loop3A_361] {strides = array<i32>} : memref<16x1024xf32, #tpu.memory_space<vmem>>, vector<1x16xf32>,
          %parallel_loop3A_363 = vector.shape_cast %parallel_loop3A_362 : vector<1x16xf32> to vector<1x16xf32>
          %parallel_loop3A_364 = vector.broadcast %squeeze3A : f32 to vector<1x16xf32>
          %parallel_loop3A_365 = arith.mulf %parallel_loop3A_363, %parallel_loop3A_364 : vector<1x16xf32>
          %parallel_loop3A_366 = vector.shape_cast %parallel_loop3A_365 : vector<1x16xf32> to vector<1x1x16xf32>
          %parallel_loop3A_367 = arith.addf %parallel_loop3A_366, %parallel_loop3A_345 : vector<1x1x16xf32>
          %parallel_loop3A_368 = arith.constant 3 : index
          %parallel_loop3A_369 = arith.constant 1 : index
          %parallel_loop3A_370 = arith.index_cast %parallel_loop3A_157 : i32 to index
          %parallel_loop3A_371 = tpu.vector_load %arg12[%parallel_loop3A_368, %parallel_loop3A_369, %parallel_loop3A_370] {strides = array<i32>} : memref<4x4x1024xf32, #tpu.memory_space<vmem>>, vector<1x1x16xf32>,
          %parallel_loop3A_372 = vector.shape_cast %parallel_loop3A_371 : vector<1x1x16xf32> to vector<1x1x16xf32>
          %parallel_loop3A_373 = vector.shape_cast %parallel_loop3A_367 : vector<1x1x16xf32> to vector<1x1x16xf32>
          tpu.vector_store %arg12[%parallel_loop3A_368, %parallel_loop3A_369, %parallel_loop3A_370], %parallel_loop3A_373 {strides = array<i32>} : memref<4x4x1024xf32, #tpu.memory_space<vmem>>, vector<1x1x16xf32>,
          %parallel_loop3A_374 = arith.constant 14 : index
          %parallel_loop3A_375 = arith.index_cast %parallel_loop3A_157 : i32 to index
          %parallel_loop3A_376 = tpu.vector_load %arg9[%parallel_loop3A_374, %parallel_loop3A_375] {strides = array<i32>} : memref<16x1024xf32, #tpu.memory_space<vmem>>, vector<1x16xf32>,
          %parallel_loop3A_377 = vector.shape_cast %parallel_loop3A_376 : vector<1x16xf32> to vector<1x16xf32>
          %parallel_loop3A_378 = vector.broadcast %squeeze3A : f32 to vector<1x16xf32>
          %parallel_loop3A_379 = arith.mulf %parallel_loop3A_377, %parallel_loop3A_378 : vector<1x16xf32>
          %parallel_loop3A_380 = vector.shape_cast %parallel_loop3A_379 : vector<1x16xf32> to vector<1x1x16xf32>
          %parallel_loop3A_381 = arith.addf %parallel_loop3A_380, %parallel_loop3A_345 : vector<1x1x16xf32>
          %parallel_loop3A_382 = arith.constant 3 : index
          %parallel_loop3A_383 = arith.constant 2 : index
          %parallel_loop3A_384 = arith.index_cast %parallel_loop3A_157 : i32 to index
          %parallel_loop3A_385 = tpu.vector_load %arg12[%parallel_loop3A_382, %parallel_loop3A_383, %parallel_loop3A_384] {strides = array<i32>} : memref<4x4x1024xf32, #tpu.memory_space<vmem>>, vector<1x1x16xf32>,
          %parallel_loop3A_386 = vector.shape_cast %parallel_loop3A_385 : vector<1x1x16xf32> to vector<1x1x16xf32>
          %parallel_loop3A_387 = vector.shape_cast %parallel_loop3A_381 : vector<1x1x16xf32> to vector<1x1x16xf32>
          tpu.vector_store %arg12[%parallel_loop3A_382, %parallel_loop3A_383, %parallel_loop3A_384], %parallel_loop3A_387 {strides = array<i32>} : memref<4x4x1024xf32, #tpu.memory_space<vmem>>, vector<1x1x16xf32>,
          %parallel_loop3A_388 = arith.constant 15 : index
          %parallel_loop3A_389 = arith.index_cast %parallel_loop3A_157 : i32 to index
          %parallel_loop3A_390 = tpu.vector_load %arg9[%parallel_loop3A_388, %parallel_loop3A_389] {strides = array<i32>} : memref<16x1024xf32, #tpu.memory_space<vmem>>, vector<1x16xf32>,
          %parallel_loop3A_391 = vector.shape_cast %parallel_loop3A_390 : vector<1x16xf32> to vector<1x16xf32>
          %parallel_loop3A_392 = vector.broadcast %squeeze3A : f32 to vector<1x16xf32>
          %parallel_loop3A_393 = arith.mulf %parallel_loop3A_391, %parallel_loop3A_392 : vector<1x16xf32>
          %parallel_loop3A_394 = vector.shape_cast %parallel_loop3A_393 : vector<1x16xf32> to vector<1x1x16xf32>
          %parallel_loop3A_395 = arith.addf %parallel_loop3A_394, %parallel_loop3A_345 : vector<1x1x16xf32>
          %parallel_loop3A_396 = arith.constant 3 : index
          %parallel_loop3A_397 = arith.constant 3 : index
          %parallel_loop3A_398 = arith.index_cast %parallel_loop3A_157 : i32 to index
          %parallel_loop3A_399 = tpu.vector_load %arg12[%parallel_loop3A_396, %parallel_loop3A_397, %parallel_loop3A_398] {strides = array<i32>} : memref<4x4x1024xf32, #tpu.memory_space<vmem>>, vector<1x1x16xf32>,
          %parallel_loop3A_400 = vector.shape_cast %parallel_loop3A_399 : vector<1x1x16xf32> to vector<1x1x16xf32>
          %parallel_loop3A_401 = vector.shape_cast %parallel_loop3A_395 : vector<1x1x16xf32> to vector<1x1x16xf32>
          tpu.vector_store %arg12[%parallel_loop3A_396, %parallel_loop3A_397, %parallel_loop3A_398], %parallel_loop3A_401 {strides = array<i32>} : memref<4x4x1024xf32, #tpu.memory_space<vmem>>, vector<1x1x16xf32>,
        } {sc.loop_unroll_factor = 8 : i64, sc.parallel_access}
        %mul3A_140 = arith.constant 4 : i32
        %mul3A_141 = arith.muli %add3A_104, %mul3A_140 : i32
        %add3A_142 = arith.addi %select_n3A, %mul3A_141 : i32
        %multiple_of3A_143 = tpu.assume_multiple %add3A_142, 4 : i32
        %dma_start3A_144 = arith.constant 0 : i32
        %dma_start3A_145 = arith.constant 0 : i32
        %dma_start3A_146 = tpu.memref_slice %arg6[%multiple_of3A_143, %dma_start3A_144, %dma_start3A_145] : memref<4096x4x1024xf32, #tpu.memory_space<hbm>> -> memref<4x4x1024xf32, #tpu.memory_space<hbm>>
        %dma_start3A_147 = arith.constant 0 : i32
        %dma_start3A_148 = arith.constant 0 : i32
        %dma_start3A_149 = tpu.memref_slice %arg6[%multiple_of3A_143, %dma_start3A_147, %dma_start3A_148] : memref<4096x4x1024xf32, #tpu.memory_space<hbm>> -> memref<4x4x1024xf32, #tpu.memory_space<hbm>>
        tpu.enqueue_dma source(%arg12 : memref<4x4x1024xf32, #tpu.memory_space<vmem>>) target(%dma_start3A_149 : memref<4x4x1024xf32, #tpu.memory_space<hbm>>) target_semaphore(%arg21 : memref<!tpu.dma_semaphore, #tpu.memory_space<semaphore_mem>>)
        %add3A_150 = arith.constant 3 : i32
        %add3A_151 = arith.addi %add3A_104, %add3A_150 : i32
        %lt3A_152 = arith.constant 32 : i32
        %lt3A_153 = arith.cmpi slt, %add3A_151, %lt3A_152 : i32
        %convert_element_type3A_154 = arith.extui %lt3A_153 : i1 to i32
        %cond3A_155 = arith.constant 0 : i32
        %cond3A_156 = arith.cmpi ne, %convert_element_type3A_154, %cond3A_155 : i32
        scf.if %cond3A_156 {
          %add3A_157 = arith.constant 3 : i32
          %add3A_158 = arith.addi %add3A_104, %add3A_157 : i32
          %mul3A_159 = arith.constant 16 : i32
          %mul3A_160 = arith.muli %add3A_158, %mul3A_159 : i32
          %multiple_of3A_161 = tpu.assume_multiple %mul3A_160, 16 : i32
          %dma_start3A_162 = tpu.memref_slice %arg7[%multiple_of3A_161] : memref<512xi32, #tpu.memory_space<vmem>> -> memref<16xi32, #tpu.memory_space<vmem>>
          %dma_start3A_163 = arith.constant 0 : i32
          %dma_start3A_164 = arith.constant 0 : i32
          %dma_start3A_165 = tpu.memref_slice %arg2[%dma_start3A_163, %dma_start3A_164] : memref<100000x1024xf32, #tpu.memory_space<hbm>> -> memref<100000x1024xf32, #tpu.memory_space<hbm>>
          tpu.enqueue_indirect_dma source(%dma_start3A_165 : memref<100000x1024xf32, #tpu.memory_space<hbm>>) target(%arg9 : memref<16x1024xf32, #tpu.memory_space<vmem>>) offsets(%dma_start3A_162 : memref<16xi32, #tpu.memory_space<vmem>>) semaphore(%arg18 : memref<!tpu.dma_semaphore, #tpu.memory_space<semaphore_mem>>)
          %mul3A_166 = arith.constant 4 : i32
          %mul3A_167 = arith.muli %add3A_158, %mul3A_166 : i32
          %add3A_168 = arith.addi %select_n3A, %mul3A_167 : i32
          %multiple_of3A_169 = tpu.assume_multiple %add3A_168, 4 : i32
          %dma_start3A_170 = arith.constant 0 : i32
          %dma_start3A_171 = arith.constant 0 : i32
          %dma_start3A_172 = tpu.memref_slice %arg4[%multiple_of3A_169, %dma_start3A_170, %dma_start3A_171] : memref<8192x1x1024xf32, #tpu.memory_space<hbm>> -> memref<4x1x1024xf32, #tpu.memory_space<hbm>>
          %dma_start3A_173 = arith.constant 0 : i32
          %dma_start3A_174 = arith.constant 0 : i32
          %dma_start3A_175 = tpu.memref_slice %arg4[%multiple_of3A_169, %dma_start3A_173, %dma_start3A_174] : memref<8192x1x1024xf32, #tpu.memory_space<hbm>> -> memref<4x1x1024xf32, #tpu.memory_space<hbm>>
          tpu.enqueue_dma source(%dma_start3A_175 : memref<4x1x1024xf32, #tpu.memory_space<hbm>>) target(%arg15 : memref<4x1x1024xf32, #tpu.memory_space<vmem>>) target_semaphore(%arg24 : memref<!tpu.dma_semaphore, #tpu.memory_space<semaphore_mem>>)
        } else {
        }
      } else {
      }
      %add3A_110 = arith.constant 2 : i32
      %add3A_111 = arith.addi %add3A_98, %add3A_110 : i32
      %lt3A_112 = arith.constant 32 : i32
      %lt3A_113 = arith.cmpi slt, %add3A_111, %lt3A_112 : i32
      %convert_element_type3A_114 = arith.extui %lt3A_113 : i1 to i32
      %cond3A_115 = arith.constant 0 : i32
      %cond3A_116 = arith.cmpi ne, %convert_element_type3A_114, %cond3A_115 : i32
      scf.if %cond3A_116 {
        %ge3A = arith.constant 3 : i32
        %ge3A_117 = arith.cmpi sge, %add3A_111, %ge3A : i32
        %convert_element_type3A_118 = arith.extui %ge3A_117 : i1 to i32
        %cond3A_119 = arith.constant 0 : i32
        %cond3A_120 = arith.cmpi ne, %convert_element_type3A_118, %cond3A_119 : i32
        scf.if %cond3A_120 {
          %sub3A_157 = arith.constant 3 : i32
          %sub3A_158 = arith.subi %add3A_111, %sub3A_157 : i32
          %mul3A_159 = arith.constant 4 : i32
          %mul3A_160 = arith.muli %sub3A_158, %mul3A_159 : i32
          %add3A_161 = arith.addi %select_n3A, %mul3A_160 : i32
          %multiple_of3A_162 = tpu.assume_multiple %add3A_161, 4 : i32
          %dma_wait3A_163 = arith.constant 0 : i32
          %dma_wait3A_164 = arith.constant 0 : i32
          %dma_wait3A_165 = tpu.memref_slice %arg6[%multiple_of3A_162, %dma_wait3A_163, %dma_wait3A_164] : memref<4096x4x1024xf32, #tpu.memory_space<hbm>> -> memref<4x4x1024xf32, #tpu.memory_space<hbm>>
          %dma_wait3A_166 = arith.constant 0 : i32
          %dma_wait3A_167 = arith.constant 0 : i32
          %dma_wait3A_168 = tpu.memref_slice %arg6[%multiple_of3A_162, %dma_wait3A_166, %dma_wait3A_167] : memref<4096x4x1024xf32, #tpu.memory_space<hbm>> -> memref<4x4x1024xf32, #tpu.memory_space<hbm>>
          tpu.wait_dma2 semaphore(%arg22 : memref<!tpu.dma_semaphore, #tpu.memory_space<semaphore_mem>>) src(%arg13 : memref<4x4x1024xf32, #tpu.memory_space<vmem>>) dst(%dma_wait3A_168 : memref<4x4x1024xf32, #tpu.memory_space<hbm>>)
        } else {
        }
        %mul3A_121 = arith.constant 16 : i32
        %mul3A_122 = arith.muli %add3A_111, %mul3A_121 : i32
        %multiple_of3A_123 = tpu.assume_multiple %mul3A_122, 16 : i32
        %dma_wait3A_124 = tpu.memref_slice %arg7[%multiple_of3A_123] : memref<512xi32, #tpu.memory_space<vmem>> -> memref<16xi32, #tpu.memory_space<vmem>>
        %dma_wait3A_125 = arith.constant 0 : i32
        %dma_wait3A_126 = arith.constant 0 : i32
        %dma_wait3A_127 = tpu.memref_slice %arg2[%dma_wait3A_125, %dma_wait3A_126] : memref<100000x1024xf32, #tpu.memory_space<hbm>> -> memref<100000x1024xf32, #tpu.memory_space<hbm>>
        tpu.wait_indirect_dma semaphore(%arg19 : memref<!tpu.dma_semaphore, #tpu.memory_space<semaphore_mem>>) src(%dma_wait3A_127 : memref<100000x1024xf32, #tpu.memory_space<hbm>>) dst(%arg10 : memref<16x1024xf32, #tpu.memory_space<vmem>>)
        %mul3A_128 = arith.constant 4 : i32
        %mul3A_129 = arith.muli %add3A_111, %mul3A_128 : i32
        %add3A_130 = arith.addi %select_n3A, %mul3A_129 : i32
        %multiple_of3A_131 = tpu.assume_multiple %add3A_130, 4 : i32
        %dma_wait3A_132 = arith.constant 0 : i32
        %dma_wait3A_133 = arith.constant 0 : i32
        %dma_wait3A_134 = tpu.memref_slice %arg4[%multiple_of3A_131, %dma_wait3A_132, %dma_wait3A_133] : memref<8192x1x1024xf32, #tpu.memory_space<hbm>> -> memref<4x1x1024xf32, #tpu.memory_space<hbm>>
        %dma_wait3A_135 = arith.constant 0 : i32
        %dma_wait3A_136 = arith.constant 0 : i32
        %dma_wait3A_137 = tpu.memref_slice %arg4[%multiple_of3A_131, %dma_wait3A_135, %dma_wait3A_136] : memref<8192x1x1024xf32, #tpu.memory_space<hbm>> -> memref<4x1x1024xf32, #tpu.memory_space<hbm>>
        tpu.wait_dma2 semaphore(%arg25 : memref<!tpu.dma_semaphore, #tpu.memory_space<semaphore_mem>>) src(%dma_wait3A_137 : memref<4x1x1024xf32, #tpu.memory_space<hbm>>) dst(%arg16 : memref<4x1x1024xf32, #tpu.memory_space<vmem>>)
        %parallel_loop3A = arith.constant 0 : i32
        %parallel_loop3A_138 = arith.constant 1024 : i32
        %parallel_loop3A_139 = arith.constant 16 : i32
        scf.for %parallel_loop3A_157 = %parallel_loop3A to %parallel_loop3A_138 step %parallel_loop3A_139  : i32 {
          %parallel_loop3A_158 = arith.constant 0 : index
          %parallel_loop3A_159 = arith.constant 0 : index
          %parallel_loop3A_160 = arith.index_cast %parallel_loop3A_157 : i32 to index
          %parallel_loop3A_161 = tpu.vector_load %arg16[%parallel_loop3A_158, %parallel_loop3A_159, %parallel_loop3A_160] {strides = array<i32>} : memref<4x1x1024xf32, #tpu.memory_space<vmem>>, vector<1x1x16xf32>,
          %parallel_loop3A_162 = vector.shape_cast %parallel_loop3A_161 : vector<1x1x16xf32> to vector<1x1x16xf32>
          %parallel_loop3A_163 = arith.constant 0 : index
          %parallel_loop3A_164 = arith.index_cast %parallel_loop3A_157 : i32 to index
          %parallel_loop3A_165 = tpu.vector_load %arg10[%parallel_loop3A_163, %parallel_loop3A_164] {strides = array<i32>} : memref<16x1024xf32, #tpu.memory_space<vmem>>, vector<1x16xf32>,
          %parallel_loop3A_166 = vector.shape_cast %parallel_loop3A_165 : vector<1x16xf32> to vector<1x16xf32>
          %parallel_loop3A_167 = vector.broadcast %squeeze3A : f32 to vector<1x16xf32>
          %parallel_loop3A_168 = arith.mulf %parallel_loop3A_166, %parallel_loop3A_167 : vector<1x16xf32>
          %parallel_loop3A_169 = vector.shape_cast %parallel_loop3A_168 : vector<1x16xf32> to vector<1x1x16xf32>
          %parallel_loop3A_170 = arith.addf %parallel_loop3A_169, %parallel_loop3A_162 : vector<1x1x16xf32>
          %parallel_loop3A_171 = arith.constant 0 : index
          %parallel_loop3A_172 = arith.constant 0 : index
          %parallel_loop3A_173 = arith.index_cast %parallel_loop3A_157 : i32 to index
          %parallel_loop3A_174 = tpu.vector_load %arg13[%parallel_loop3A_171, %parallel_loop3A_172, %parallel_loop3A_173] {strides = array<i32>} : memref<4x4x1024xf32, #tpu.memory_space<vmem>>, vector<1x1x16xf32>,
          %parallel_loop3A_175 = vector.shape_cast %parallel_loop3A_174 : vector<1x1x16xf32> to vector<1x1x16xf32>
          %parallel_loop3A_176 = vector.shape_cast %parallel_loop3A_170 : vector<1x1x16xf32> to vector<1x1x16xf32>
          tpu.vector_store %arg13[%parallel_loop3A_171, %parallel_loop3A_172, %parallel_loop3A_173], %parallel_loop3A_176 {strides = array<i32>} : memref<4x4x1024xf32, #tpu.memory_space<vmem>>, vector<1x1x16xf32>,
          %parallel_loop3A_177 = arith.constant 1 : index
          %parallel_loop3A_178 = arith.index_cast %parallel_loop3A_157 : i32 to index
          %parallel_loop3A_179 = tpu.vector_load %arg10[%parallel_loop3A_177, %parallel_loop3A_178] {strides = array<i32>} : memref<16x1024xf32, #tpu.memory_space<vmem>>, vector<1x16xf32>,
          %parallel_loop3A_180 = vector.shape_cast %parallel_loop3A_179 : vector<1x16xf32> to vector<1x16xf32>
          %parallel_loop3A_181 = vector.broadcast %squeeze3A : f32 to vector<1x16xf32>
          %parallel_loop3A_182 = arith.mulf %parallel_loop3A_180, %parallel_loop3A_181 : vector<1x16xf32>
          %parallel_loop3A_183 = vector.shape_cast %parallel_loop3A_182 : vector<1x16xf32> to vector<1x1x16xf32>
          %parallel_loop3A_184 = arith.addf %parallel_loop3A_183, %parallel_loop3A_162 : vector<1x1x16xf32>
          %parallel_loop3A_185 = arith.constant 0 : index
          %parallel_loop3A_186 = arith.constant 1 : index
          %parallel_loop3A_187 = arith.index_cast %parallel_loop3A_157 : i32 to index
          %parallel_loop3A_188 = tpu.vector_load %arg13[%parallel_loop3A_185, %parallel_loop3A_186, %parallel_loop3A_187] {strides = array<i32>} : memref<4x4x1024xf32, #tpu.memory_space<vmem>>, vector<1x1x16xf32>,
          %parallel_loop3A_189 = vector.shape_cast %parallel_loop3A_188 : vector<1x1x16xf32> to vector<1x1x16xf32>
          %parallel_loop3A_190 = vector.shape_cast %parallel_loop3A_184 : vector<1x1x16xf32> to vector<1x1x16xf32>
          tpu.vector_store %arg13[%parallel_loop3A_185, %parallel_loop3A_186, %parallel_loop3A_187], %parallel_loop3A_190 {strides = array<i32>} : memref<4x4x1024xf32, #tpu.memory_space<vmem>>, vector<1x1x16xf32>,
          %parallel_loop3A_191 = arith.constant 2 : index
          %parallel_loop3A_192 = arith.index_cast %parallel_loop3A_157 : i32 to index
          %parallel_loop3A_193 = tpu.vector_load %arg10[%parallel_loop3A_191, %parallel_loop3A_192] {strides = array<i32>} : memref<16x1024xf32, #tpu.memory_space<vmem>>, vector<1x16xf32>,
          %parallel_loop3A_194 = vector.shape_cast %parallel_loop3A_193 : vector<1x16xf32> to vector<1x16xf32>
          %parallel_loop3A_195 = vector.broadcast %squeeze3A : f32 to vector<1x16xf32>
          %parallel_loop3A_196 = arith.mulf %parallel_loop3A_194, %parallel_loop3A_195 : vector<1x16xf32>
          %parallel_loop3A_197 = vector.shape_cast %parallel_loop3A_196 : vector<1x16xf32> to vector<1x1x16xf32>
          %parallel_loop3A_198 = arith.addf %parallel_loop3A_197, %parallel_loop3A_162 : vector<1x1x16xf32>
          %parallel_loop3A_199 = arith.constant 0 : index
          %parallel_loop3A_200 = arith.constant 2 : index
          %parallel_loop3A_201 = arith.index_cast %parallel_loop3A_157 : i32 to index
          %parallel_loop3A_202 = tpu.vector_load %arg13[%parallel_loop3A_199, %parallel_loop3A_200, %parallel_loop3A_201] {strides = array<i32>} : memref<4x4x1024xf32, #tpu.memory_space<vmem>>, vector<1x1x16xf32>,
          %parallel_loop3A_203 = vector.shape_cast %parallel_loop3A_202 : vector<1x1x16xf32> to vector<1x1x16xf32>
          %parallel_loop3A_204 = vector.shape_cast %parallel_loop3A_198 : vector<1x1x16xf32> to vector<1x1x16xf32>
          tpu.vector_store %arg13[%parallel_loop3A_199, %parallel_loop3A_200, %parallel_loop3A_201], %parallel_loop3A_204 {strides = array<i32>} : memref<4x4x1024xf32, #tpu.memory_space<vmem>>, vector<1x1x16xf32>,
          %parallel_loop3A_205 = arith.constant 3 : index
          %parallel_loop3A_206 = arith.index_cast %parallel_loop3A_157 : i32 to index
          %parallel_loop3A_207 = tpu.vector_load %arg10[%parallel_loop3A_205, %parallel_loop3A_206] {strides = array<i32>} : memref<16x1024xf32, #tpu.memory_space<vmem>>, vector<1x16xf32>,
          %parallel_loop3A_208 = vector.shape_cast %parallel_loop3A_207 : vector<1x16xf32> to vector<1x16xf32>
          %parallel_loop3A_209 = vector.broadcast %squeeze3A : f32 to vector<1x16xf32>
          %parallel_loop3A_210 = arith.mulf %parallel_loop3A_208, %parallel_loop3A_209 : vector<1x16xf32>
          %parallel_loop3A_211 = vector.shape_cast %parallel_loop3A_210 : vector<1x16xf32> to vector<1x1x16xf32>
          %parallel_loop3A_212 = arith.addf %parallel_loop3A_211, %parallel_loop3A_162 : vector<1x1x16xf32>
          %parallel_loop3A_213 = arith.constant 0 : index
          %parallel_loop3A_214 = arith.constant 3 : index
          %parallel_loop3A_215 = arith.index_cast %parallel_loop3A_157 : i32 to index
          %parallel_loop3A_216 = tpu.vector_load %arg13[%parallel_loop3A_213, %parallel_loop3A_214, %parallel_loop3A_215] {strides = array<i32>} : memref<4x4x1024xf32, #tpu.memory_space<vmem>>, vector<1x1x16xf32>,
          %parallel_loop3A_217 = vector.shape_cast %parallel_loop3A_216 : vector<1x1x16xf32> to vector<1x1x16xf32>
          %parallel_loop3A_218 = vector.shape_cast %parallel_loop3A_212 : vector<1x1x16xf32> to vector<1x1x16xf32>
          tpu.vector_store %arg13[%parallel_loop3A_213, %parallel_loop3A_214, %parallel_loop3A_215], %parallel_loop3A_218 {strides = array<i32>} : memref<4x4x1024xf32, #tpu.memory_space<vmem>>, vector<1x1x16xf32>,
          %parallel_loop3A_219 = arith.constant 1 : index
          %parallel_loop3A_220 = arith.constant 0 : index
          %parallel_loop3A_221 = arith.index_cast %parallel_loop3A_157 : i32 to index
          %parallel_loop3A_222 = tpu.vector_load %arg16[%parallel_loop3A_219, %parallel_loop3A_220, %parallel_loop3A_221] {strides = array<i32>} : memref<4x1x1024xf32, #tpu.memory_space<vmem>>, vector<1x1x16xf32>,
          %parallel_loop3A_223 = vector.shape_cast %parallel_loop3A_222 : vector<1x1x16xf32> to vector<1x1x16xf32>
          %parallel_loop3A_224 = arith.constant 4 : index
          %parallel_loop3A_225 = arith.index_cast %parallel_loop3A_157 : i32 to index
          %parallel_loop3A_226 = tpu.vector_load %arg10[%parallel_loop3A_224, %parallel_loop3A_225] {strides = array<i32>} : memref<16x1024xf32, #tpu.memory_space<vmem>>, vector<1x16xf32>,
          %parallel_loop3A_227 = vector.shape_cast %parallel_loop3A_226 : vector<1x16xf32> to vector<1x16xf32>
          %parallel_loop3A_228 = vector.broadcast %squeeze3A : f32 to vector<1x16xf32>
          %parallel_loop3A_229 = arith.mulf %parallel_loop3A_227, %parallel_loop3A_228 : vector<1x16xf32>
          %parallel_loop3A_230 = vector.shape_cast %parallel_loop3A_229 : vector<1x16xf32> to vector<1x1x16xf32>
          %parallel_loop3A_231 = arith.addf %parallel_loop3A_230, %parallel_loop3A_223 : vector<1x1x16xf32>
          %parallel_loop3A_232 = arith.constant 1 : index
          %parallel_loop3A_233 = arith.constant 0 : index
          %parallel_loop3A_234 = arith.index_cast %parallel_loop3A_157 : i32 to index
          %parallel_loop3A_235 = tpu.vector_load %arg13[%parallel_loop3A_232, %parallel_loop3A_233, %parallel_loop3A_234] {strides = array<i32>} : memref<4x4x1024xf32, #tpu.memory_space<vmem>>, vector<1x1x16xf32>,
          %parallel_loop3A_236 = vector.shape_cast %parallel_loop3A_235 : vector<1x1x16xf32> to vector<1x1x16xf32>
          %parallel_loop3A_237 = vector.shape_cast %parallel_loop3A_231 : vector<1x1x16xf32> to vector<1x1x16xf32>
          tpu.vector_store %arg13[%parallel_loop3A_232, %parallel_loop3A_233, %parallel_loop3A_234], %parallel_loop3A_237 {strides = array<i32>} : memref<4x4x1024xf32, #tpu.memory_space<vmem>>, vector<1x1x16xf32>,
          %parallel_loop3A_238 = arith.constant 5 : index
          %parallel_loop3A_239 = arith.index_cast %parallel_loop3A_157 : i32 to index
          %parallel_loop3A_240 = tpu.vector_load %arg10[%parallel_loop3A_238, %parallel_loop3A_239] {strides = array<i32>} : memref<16x1024xf32, #tpu.memory_space<vmem>>, vector<1x16xf32>,
          %parallel_loop3A_241 = vector.shape_cast %parallel_loop3A_240 : vector<1x16xf32> to vector<1x16xf32>
          %parallel_loop3A_242 = vector.broadcast %squeeze3A : f32 to vector<1x16xf32>
          %parallel_loop3A_243 = arith.mulf %parallel_loop3A_241, %parallel_loop3A_242 : vector<1x16xf32>
          %parallel_loop3A_244 = vector.shape_cast %parallel_loop3A_243 : vector<1x16xf32> to vector<1x1x16xf32>
          %parallel_loop3A_245 = arith.addf %parallel_loop3A_244, %parallel_loop3A_223 : vector<1x1x16xf32>
          %parallel_loop3A_246 = arith.constant 1 : index
          %parallel_loop3A_247 = arith.constant 1 : index
          %parallel_loop3A_248 = arith.index_cast %parallel_loop3A_157 : i32 to index
          %parallel_loop3A_249 = tpu.vector_load %arg13[%parallel_loop3A_246, %parallel_loop3A_247, %parallel_loop3A_248] {strides = array<i32>} : memref<4x4x1024xf32, #tpu.memory_space<vmem>>, vector<1x1x16xf32>,
          %parallel_loop3A_250 = vector.shape_cast %parallel_loop3A_249 : vector<1x1x16xf32> to vector<1x1x16xf32>
          %parallel_loop3A_251 = vector.shape_cast %parallel_loop3A_245 : vector<1x1x16xf32> to vector<1x1x16xf32>
          tpu.vector_store %arg13[%parallel_loop3A_246, %parallel_loop3A_247, %parallel_loop3A_248], %parallel_loop3A_251 {strides = array<i32>} : memref<4x4x1024xf32, #tpu.memory_space<vmem>>, vector<1x1x16xf32>,
          %parallel_loop3A_252 = arith.constant 6 : index
          %parallel_loop3A_253 = arith.index_cast %parallel_loop3A_157 : i32 to index
          %parallel_loop3A_254 = tpu.vector_load %arg10[%parallel_loop3A_252, %parallel_loop3A_253] {strides = array<i32>} : memref<16x1024xf32, #tpu.memory_space<vmem>>, vector<1x16xf32>,
          %parallel_loop3A_255 = vector.shape_cast %parallel_loop3A_254 : vector<1x16xf32> to vector<1x16xf32>
          %parallel_loop3A_256 = vector.broadcast %squeeze3A : f32 to vector<1x16xf32>
          %parallel_loop3A_257 = arith.mulf %parallel_loop3A_255, %parallel_loop3A_256 : vector<1x16xf32>
          %parallel_loop3A_258 = vector.shape_cast %parallel_loop3A_257 : vector<1x16xf32> to vector<1x1x16xf32>
          %parallel_loop3A_259 = arith.addf %parallel_loop3A_258, %parallel_loop3A_223 : vector<1x1x16xf32>
          %parallel_loop3A_260 = arith.constant 1 : index
          %parallel_loop3A_261 = arith.constant 2 : index
          %parallel_loop3A_262 = arith.index_cast %parallel_loop3A_157 : i32 to index
          %parallel_loop3A_263 = tpu.vector_load %arg13[%parallel_loop3A_260, %parallel_loop3A_261, %parallel_loop3A_262] {strides = array<i32>} : memref<4x4x1024xf32, #tpu.memory_space<vmem>>, vector<1x1x16xf32>,
          %parallel_loop3A_264 = vector.shape_cast %parallel_loop3A_263 : vector<1x1x16xf32> to vector<1x1x16xf32>
          %parallel_loop3A_265 = vector.shape_cast %parallel_loop3A_259 : vector<1x1x16xf32> to vector<1x1x16xf32>
          tpu.vector_store %arg13[%parallel_loop3A_260, %parallel_loop3A_261, %parallel_loop3A_262], %parallel_loop3A_265 {strides = array<i32>} : memref<4x4x1024xf32, #tpu.memory_space<vmem>>, vector<1x1x16xf32>,
          %parallel_loop3A_266 = arith.constant 7 : index
          %parallel_loop3A_267 = arith.index_cast %parallel_loop3A_157 : i32 to index
          %parallel_loop3A_268 = tpu.vector_load %arg10[%parallel_loop3A_266, %parallel_loop3A_267] {strides = array<i32>} : memref<16x1024xf32, #tpu.memory_space<vmem>>, vector<1x16xf32>,
          %parallel_loop3A_269 = vector.shape_cast %parallel_loop3A_268 : vector<1x16xf32> to vector<1x16xf32>
          %parallel_loop3A_270 = vector.broadcast %squeeze3A : f32 to vector<1x16xf32>
          %parallel_loop3A_271 = arith.mulf %parallel_loop3A_269, %parallel_loop3A_270 : vector<1x16xf32>
          %parallel_loop3A_272 = vector.shape_cast %parallel_loop3A_271 : vector<1x16xf32> to vector<1x1x16xf32>
          %parallel_loop3A_273 = arith.addf %parallel_loop3A_272, %parallel_loop3A_223 : vector<1x1x16xf32>
          %parallel_loop3A_274 = arith.constant 1 : index
          %parallel_loop3A_275 = arith.constant 3 : index
          %parallel_loop3A_276 = arith.index_cast %parallel_loop3A_157 : i32 to index
          %parallel_loop3A_277 = tpu.vector_load %arg13[%parallel_loop3A_274, %parallel_loop3A_275, %parallel_loop3A_276] {strides = array<i32>} : memref<4x4x1024xf32, #tpu.memory_space<vmem>>, vector<1x1x16xf32>,
          %parallel_loop3A_278 = vector.shape_cast %parallel_loop3A_277 : vector<1x1x16xf32> to vector<1x1x16xf32>
          %parallel_loop3A_279 = vector.shape_cast %parallel_loop3A_273 : vector<1x1x16xf32> to vector<1x1x16xf32>
          tpu.vector_store %arg13[%parallel_loop3A_274, %parallel_loop3A_275, %parallel_loop3A_276], %parallel_loop3A_279 {strides = array<i32>} : memref<4x4x1024xf32, #tpu.memory_space<vmem>>, vector<1x1x16xf32>,
          %parallel_loop3A_280 = arith.constant 2 : index
          %parallel_loop3A_281 = arith.constant 0 : index
          %parallel_loop3A_282 = arith.index_cast %parallel_loop3A_157 : i32 to index
          %parallel_loop3A_283 = tpu.vector_load %arg16[%parallel_loop3A_280, %parallel_loop3A_281, %parallel_loop3A_282] {strides = array<i32>} : memref<4x1x1024xf32, #tpu.memory_space<vmem>>, vector<1x1x16xf32>,
          %parallel_loop3A_284 = vector.shape_cast %parallel_loop3A_283 : vector<1x1x16xf32> to vector<1x1x16xf32>
          %parallel_loop3A_285 = arith.constant 8 : index
          %parallel_loop3A_286 = arith.index_cast %parallel_loop3A_157 : i32 to index
          %parallel_loop3A_287 = tpu.vector_load %arg10[%parallel_loop3A_285, %parallel_loop3A_286] {strides = array<i32>} : memref<16x1024xf32, #tpu.memory_space<vmem>>, vector<1x16xf32>,
          %parallel_loop3A_288 = vector.shape_cast %parallel_loop3A_287 : vector<1x16xf32> to vector<1x16xf32>
          %parallel_loop3A_289 = vector.broadcast %squeeze3A : f32 to vector<1x16xf32>
          %parallel_loop3A_290 = arith.mulf %parallel_loop3A_288, %parallel_loop3A_289 : vector<1x16xf32>
          %parallel_loop3A_291 = vector.shape_cast %parallel_loop3A_290 : vector<1x16xf32> to vector<1x1x16xf32>
          %parallel_loop3A_292 = arith.addf %parallel_loop3A_291, %parallel_loop3A_284 : vector<1x1x16xf32>
          %parallel_loop3A_293 = arith.constant 2 : index
          %parallel_loop3A_294 = arith.constant 0 : index
          %parallel_loop3A_295 = arith.index_cast %parallel_loop3A_157 : i32 to index
          %parallel_loop3A_296 = tpu.vector_load %arg13[%parallel_loop3A_293, %parallel_loop3A_294, %parallel_loop3A_295] {strides = array<i32>} : memref<4x4x1024xf32, #tpu.memory_space<vmem>>, vector<1x1x16xf32>,
          %parallel_loop3A_297 = vector.shape_cast %parallel_loop3A_296 : vector<1x1x16xf32> to vector<1x1x16xf32>
          %parallel_loop3A_298 = vector.shape_cast %parallel_loop3A_292 : vector<1x1x16xf32> to vector<1x1x16xf32>
          tpu.vector_store %arg13[%parallel_loop3A_293, %parallel_loop3A_294, %parallel_loop3A_295], %parallel_loop3A_298 {strides = array<i32>} : memref<4x4x1024xf32, #tpu.memory_space<vmem>>, vector<1x1x16xf32>,
          %parallel_loop3A_299 = arith.constant 9 : index
          %parallel_loop3A_300 = arith.index_cast %parallel_loop3A_157 : i32 to index
          %parallel_loop3A_301 = tpu.vector_load %arg10[%parallel_loop3A_299, %parallel_loop3A_300] {strides = array<i32>} : memref<16x1024xf32, #tpu.memory_space<vmem>>, vector<1x16xf32>,
          %parallel_loop3A_302 = vector.shape_cast %parallel_loop3A_301 : vector<1x16xf32> to vector<1x16xf32>
          %parallel_loop3A_303 = vector.broadcast %squeeze3A : f32 to vector<1x16xf32>
          %parallel_loop3A_304 = arith.mulf %parallel_loop3A_302, %parallel_loop3A_303 : vector<1x16xf32>
          %parallel_loop3A_305 = vector.shape_cast %parallel_loop3A_304 : vector<1x16xf32> to vector<1x1x16xf32>
          %parallel_loop3A_306 = arith.addf %parallel_loop3A_305, %parallel_loop3A_284 : vector<1x1x16xf32>
          %parallel_loop3A_307 = arith.constant 2 : index
          %parallel_loop3A_308 = arith.constant 1 : index
          %parallel_loop3A_309 = arith.index_cast %parallel_loop3A_157 : i32 to index
          %parallel_loop3A_310 = tpu.vector_load %arg13[%parallel_loop3A_307, %parallel_loop3A_308, %parallel_loop3A_309] {strides = array<i32>} : memref<4x4x1024xf32, #tpu.memory_space<vmem>>, vector<1x1x16xf32>,
          %parallel_loop3A_311 = vector.shape_cast %parallel_loop3A_310 : vector<1x1x16xf32> to vector<1x1x16xf32>
          %parallel_loop3A_312 = vector.shape_cast %parallel_loop3A_306 : vector<1x1x16xf32> to vector<1x1x16xf32>
          tpu.vector_store %arg13[%parallel_loop3A_307, %parallel_loop3A_308, %parallel_loop3A_309], %parallel_loop3A_312 {strides = array<i32>} : memref<4x4x1024xf32, #tpu.memory_space<vmem>>, vector<1x1x16xf32>,
          %parallel_loop3A_313 = arith.constant 10 : index
          %parallel_loop3A_314 = arith.index_cast %parallel_loop3A_157 : i32 to index
          %parallel_loop3A_315 = tpu.vector_load %arg10[%parallel_loop3A_313, %parallel_loop3A_314] {strides = array<i32>} : memref<16x1024xf32, #tpu.memory_space<vmem>>, vector<1x16xf32>,
          %parallel_loop3A_316 = vector.shape_cast %parallel_loop3A_315 : vector<1x16xf32> to vector<1x16xf32>
          %parallel_loop3A_317 = vector.broadcast %squeeze3A : f32 to vector<1x16xf32>
          %parallel_loop3A_318 = arith.mulf %parallel_loop3A_316, %parallel_loop3A_317 : vector<1x16xf32>
          %parallel_loop3A_319 = vector.shape_cast %parallel_loop3A_318 : vector<1x16xf32> to vector<1x1x16xf32>
          %parallel_loop3A_320 = arith.addf %parallel_loop3A_319, %parallel_loop3A_284 : vector<1x1x16xf32>
          %parallel_loop3A_321 = arith.constant 2 : index
          %parallel_loop3A_322 = arith.constant 2 : index
          %parallel_loop3A_323 = arith.index_cast %parallel_loop3A_157 : i32 to index
          %parallel_loop3A_324 = tpu.vector_load %arg13[%parallel_loop3A_321, %parallel_loop3A_322, %parallel_loop3A_323] {strides = array<i32>} : memref<4x4x1024xf32, #tpu.memory_space<vmem>>, vector<1x1x16xf32>,
          %parallel_loop3A_325 = vector.shape_cast %parallel_loop3A_324 : vector<1x1x16xf32> to vector<1x1x16xf32>
          %parallel_loop3A_326 = vector.shape_cast %parallel_loop3A_320 : vector<1x1x16xf32> to vector<1x1x16xf32>
          tpu.vector_store %arg13[%parallel_loop3A_321, %parallel_loop3A_322, %parallel_loop3A_323], %parallel_loop3A_326 {strides = array<i32>} : memref<4x4x1024xf32, #tpu.memory_space<vmem>>, vector<1x1x16xf32>,
          %parallel_loop3A_327 = arith.constant 11 : index
          %parallel_loop3A_328 = arith.index_cast %parallel_loop3A_157 : i32 to index
          %parallel_loop3A_329 = tpu.vector_load %arg10[%parallel_loop3A_327, %parallel_loop3A_328] {strides = array<i32>} : memref<16x1024xf32, #tpu.memory_space<vmem>>, vector<1x16xf32>,
          %parallel_loop3A_330 = vector.shape_cast %parallel_loop3A_329 : vector<1x16xf32> to vector<1x16xf32>
          %parallel_loop3A_331 = vector.broadcast %squeeze3A : f32 to vector<1x16xf32>
          %parallel_loop3A_332 = arith.mulf %parallel_loop3A_330, %parallel_loop3A_331 : vector<1x16xf32>
          %parallel_loop3A_333 = vector.shape_cast %parallel_loop3A_332 : vector<1x16xf32> to vector<1x1x16xf32>
          %parallel_loop3A_334 = arith.addf %parallel_loop3A_333, %parallel_loop3A_284 : vector<1x1x16xf32>
          %parallel_loop3A_335 = arith.constant 2 : index
          %parallel_loop3A_336 = arith.constant 3 : index
          %parallel_loop3A_337 = arith.index_cast %parallel_loop3A_157 : i32 to index
          %parallel_loop3A_338 = tpu.vector_load %arg13[%parallel_loop3A_335, %parallel_loop3A_336, %parallel_loop3A_337] {strides = array<i32>} : memref<4x4x1024xf32, #tpu.memory_space<vmem>>, vector<1x1x16xf32>,
          %parallel_loop3A_339 = vector.shape_cast %parallel_loop3A_338 : vector<1x1x16xf32> to vector<1x1x16xf32>
          %parallel_loop3A_340 = vector.shape_cast %parallel_loop3A_334 : vector<1x1x16xf32> to vector<1x1x16xf32>
          tpu.vector_store %arg13[%parallel_loop3A_335, %parallel_loop3A_336, %parallel_loop3A_337], %parallel_loop3A_340 {strides = array<i32>} : memref<4x4x1024xf32, #tpu.memory_space<vmem>>, vector<1x1x16xf32>,
          %parallel_loop3A_341 = arith.constant 3 : index
          %parallel_loop3A_342 = arith.constant 0 : index
          %parallel_loop3A_343 = arith.index_cast %parallel_loop3A_157 : i32 to index
          %parallel_loop3A_344 = tpu.vector_load %arg16[%parallel_loop3A_341, %parallel_loop3A_342, %parallel_loop3A_343] {strides = array<i32>} : memref<4x1x1024xf32, #tpu.memory_space<vmem>>, vector<1x1x16xf32>,
          %parallel_loop3A_345 = vector.shape_cast %parallel_loop3A_344 : vector<1x1x16xf32> to vector<1x1x16xf32>
          %parallel_loop3A_346 = arith.constant 12 : index
          %parallel_loop3A_347 = arith.index_cast %parallel_loop3A_157 : i32 to index
          %parallel_loop3A_348 = tpu.vector_load %arg10[%parallel_loop3A_346, %parallel_loop3A_347] {strides = array<i32>} : memref<16x1024xf32, #tpu.memory_space<vmem>>, vector<1x16xf32>,
          %parallel_loop3A_349 = vector.shape_cast %parallel_loop3A_348 : vector<1x16xf32> to vector<1x16xf32>
          %parallel_loop3A_350 = vector.broadcast %squeeze3A : f32 to vector<1x16xf32>
          %parallel_loop3A_351 = arith.mulf %parallel_loop3A_349, %parallel_loop3A_350 : vector<1x16xf32>
          %parallel_loop3A_352 = vector.shape_cast %parallel_loop3A_351 : vector<1x16xf32> to vector<1x1x16xf32>
          %parallel_loop3A_353 = arith.addf %parallel_loop3A_352, %parallel_loop3A_345 : vector<1x1x16xf32>
          %parallel_loop3A_354 = arith.constant 3 : index
          %parallel_loop3A_355 = arith.constant 0 : index
          %parallel_loop3A_356 = arith.index_cast %parallel_loop3A_157 : i32 to index
          %parallel_loop3A_357 = tpu.vector_load %arg13[%parallel_loop3A_354, %parallel_loop3A_355, %parallel_loop3A_356] {strides = array<i32>} : memref<4x4x1024xf32, #tpu.memory_space<vmem>>, vector<1x1x16xf32>,
          %parallel_loop3A_358 = vector.shape_cast %parallel_loop3A_357 : vector<1x1x16xf32> to vector<1x1x16xf32>
          %parallel_loop3A_359 = vector.shape_cast %parallel_loop3A_353 : vector<1x1x16xf32> to vector<1x1x16xf32>
          tpu.vector_store %arg13[%parallel_loop3A_354, %parallel_loop3A_355, %parallel_loop3A_356], %parallel_loop3A_359 {strides = array<i32>} : memref<4x4x1024xf32, #tpu.memory_space<vmem>>, vector<1x1x16xf32>,
          %parallel_loop3A_360 = arith.constant 13 : index
          %parallel_loop3A_361 = arith.index_cast %parallel_loop3A_157 : i32 to index
          %parallel_loop3A_362 = tpu.vector_load %arg10[%parallel_loop3A_360, %parallel_loop3A_361] {strides = array<i32>} : memref<16x1024xf32, #tpu.memory_space<vmem>>, vector<1x16xf32>,
          %parallel_loop3A_363 = vector.shape_cast %parallel_loop3A_362 : vector<1x16xf32> to vector<1x16xf32>
          %parallel_loop3A_364 = vector.broadcast %squeeze3A : f32 to vector<1x16xf32>
          %parallel_loop3A_365 = arith.mulf %parallel_loop3A_363, %parallel_loop3A_364 : vector<1x16xf32>
          %parallel_loop3A_366 = vector.shape_cast %parallel_loop3A_365 : vector<1x16xf32> to vector<1x1x16xf32>
          %parallel_loop3A_367 = arith.addf %parallel_loop3A_366, %parallel_loop3A_345 : vector<1x1x16xf32>
          %parallel_loop3A_368 = arith.constant 3 : index
          %parallel_loop3A_369 = arith.constant 1 : index
          %parallel_loop3A_370 = arith.index_cast %parallel_loop3A_157 : i32 to index
          %parallel_loop3A_371 = tpu.vector_load %arg13[%parallel_loop3A_368, %parallel_loop3A_369, %parallel_loop3A_370] {strides = array<i32>} : memref<4x4x1024xf32, #tpu.memory_space<vmem>>, vector<1x1x16xf32>,
          %parallel_loop3A_372 = vector.shape_cast %parallel_loop3A_371 : vector<1x1x16xf32> to vector<1x1x16xf32>
          %parallel_loop3A_373 = vector.shape_cast %parallel_loop3A_367 : vector<1x1x16xf32> to vector<1x1x16xf32>
          tpu.vector_store %arg13[%parallel_loop3A_368, %parallel_loop3A_369, %parallel_loop3A_370], %parallel_loop3A_373 {strides = array<i32>} : memref<4x4x1024xf32, #tpu.memory_space<vmem>>, vector<1x1x16xf32>,
          %parallel_loop3A_374 = arith.constant 14 : index
          %parallel_loop3A_375 = arith.index_cast %parallel_loop3A_157 : i32 to index
          %parallel_loop3A_376 = tpu.vector_load %arg10[%parallel_loop3A_374, %parallel_loop3A_375] {strides = array<i32>} : memref<16x1024xf32, #tpu.memory_space<vmem>>, vector<1x16xf32>,
          %parallel_loop3A_377 = vector.shape_cast %parallel_loop3A_376 : vector<1x16xf32> to vector<1x16xf32>
          %parallel_loop3A_378 = vector.broadcast %squeeze3A : f32 to vector<1x16xf32>
          %parallel_loop3A_379 = arith.mulf %parallel_loop3A_377, %parallel_loop3A_378 : vector<1x16xf32>
          %parallel_loop3A_380 = vector.shape_cast %parallel_loop3A_379 : vector<1x16xf32> to vector<1x1x16xf32>
          %parallel_loop3A_381 = arith.addf %parallel_loop3A_380, %parallel_loop3A_345 : vector<1x1x16xf32>
          %parallel_loop3A_382 = arith.constant 3 : index
          %parallel_loop3A_383 = arith.constant 2 : index
          %parallel_loop3A_384 = arith.index_cast %parallel_loop3A_157 : i32 to index
          %parallel_loop3A_385 = tpu.vector_load %arg13[%parallel_loop3A_382, %parallel_loop3A_383, %parallel_loop3A_384] {strides = array<i32>} : memref<4x4x1024xf32, #tpu.memory_space<vmem>>, vector<1x1x16xf32>,
          %parallel_loop3A_386 = vector.shape_cast %parallel_loop3A_385 : vector<1x1x16xf32> to vector<1x1x16xf32>
          %parallel_loop3A_387 = vector.shape_cast %parallel_loop3A_381 : vector<1x1x16xf32> to vector<1x1x16xf32>
          tpu.vector_store %arg13[%parallel_loop3A_382, %parallel_loop3A_383, %parallel_loop3A_384], %parallel_loop3A_387 {strides = array<i32>} : memref<4x4x1024xf32, #tpu.memory_space<vmem>>, vector<1x1x16xf32>,
          %parallel_loop3A_388 = arith.constant 15 : index
          %parallel_loop3A_389 = arith.index_cast %parallel_loop3A_157 : i32 to index
          %parallel_loop3A_390 = tpu.vector_load %arg10[%parallel_loop3A_388, %parallel_loop3A_389] {strides = array<i32>} : memref<16x1024xf32, #tpu.memory_space<vmem>>, vector<1x16xf32>,
          %parallel_loop3A_391 = vector.shape_cast %parallel_loop3A_390 : vector<1x16xf32> to vector<1x16xf32>
          %parallel_loop3A_392 = vector.broadcast %squeeze3A : f32 to vector<1x16xf32>
          %parallel_loop3A_393 = arith.mulf %parallel_loop3A_391, %parallel_loop3A_392 : vector<1x16xf32>
          %parallel_loop3A_394 = vector.shape_cast %parallel_loop3A_393 : vector<1x16xf32> to vector<1x1x16xf32>
          %parallel_loop3A_395 = arith.addf %parallel_loop3A_394, %parallel_loop3A_345 : vector<1x1x16xf32>
          %parallel_loop3A_396 = arith.constant 3 : index
          %parallel_loop3A_397 = arith.constant 3 : index
          %parallel_loop3A_398 = arith.index_cast %parallel_loop3A_157 : i32 to index
          %parallel_loop3A_399 = tpu.vector_load %arg13[%parallel_loop3A_396, %parallel_loop3A_397, %parallel_loop3A_398] {strides = array<i32>} : memref<4x4x1024xf32, #tpu.memory_space<vmem>>, vector<1x1x16xf32>,
          %parallel_loop3A_400 = vector.shape_cast %parallel_loop3A_399 : vector<1x1x16xf32> to vector<1x1x16xf32>
          %parallel_loop3A_401 = vector.shape_cast %parallel_loop3A_395 : vector<1x1x16xf32> to vector<1x1x16xf32>
          tpu.vector_store %arg13[%parallel_loop3A_396, %parallel_loop3A_397, %parallel_loop3A_398], %parallel_loop3A_401 {strides = array<i32>} : memref<4x4x1024xf32, #tpu.memory_space<vmem>>, vector<1x1x16xf32>,
        } {sc.loop_unroll_factor = 8 : i64, sc.parallel_access}
        %mul3A_140 = arith.constant 4 : i32
        %mul3A_141 = arith.muli %add3A_111, %mul3A_140 : i32
        %add3A_142 = arith.addi %select_n3A, %mul3A_141 : i32
        %multiple_of3A_143 = tpu.assume_multiple %add3A_142, 4 : i32
        %dma_start3A_144 = arith.constant 0 : i32
        %dma_start3A_145 = arith.constant 0 : i32
        %dma_start3A_146 = tpu.memref_slice %arg6[%multiple_of3A_143, %dma_start3A_144, %dma_start3A_145] : memref<4096x4x1024xf32, #tpu.memory_space<hbm>> -> memref<4x4x1024xf32, #tpu.memory_space<hbm>>
        %dma_start3A_147 = arith.constant 0 : i32
        %dma_start3A_148 = arith.constant 0 : i32
        %dma_start3A_149 = tpu.memref_slice %arg6[%multiple_of3A_143, %dma_start3A_147, %dma_start3A_148] : memref<4096x4x1024xf32, #tpu.memory_space<hbm>> -> memref<4x4x1024xf32, #tpu.memory_space<hbm>>
        tpu.enqueue_dma source(%arg13 : memref<4x4x1024xf32, #tpu.memory_space<vmem>>) target(%dma_start3A_149 : memref<4x4x1024xf32, #tpu.memory_space<hbm>>) target_semaphore(%arg22 : memref<!tpu.dma_semaphore, #tpu.memory_space<semaphore_mem>>)
        %add3A_150 = arith.constant 3 : i32
        %add3A_151 = arith.addi %add3A_111, %add3A_150 : i32
        %lt3A_152 = arith.constant 32 : i32
        %lt3A_153 = arith.cmpi slt, %add3A_151, %lt3A_152 : i32
        %convert_element_type3A_154 = arith.extui %lt3A_153 : i1 to i32
        %cond3A_155 = arith.constant 0 : i32
        %cond3A_156 = arith.cmpi ne, %convert_element_type3A_154, %cond3A_155 : i32
        scf.if %cond3A_156 {
          %add3A_157 = arith.constant 3 : i32
          %add3A_158 = arith.addi %add3A_111, %add3A_157 : i32
          %mul3A_159 = arith.constant 16 : i32
          %mul3A_160 = arith.muli %add3A_158, %mul3A_159 : i32
          %multiple_of3A_161 = tpu.assume_multiple %mul3A_160, 16 : i32
          %dma_start3A_162 = tpu.memref_slice %arg7[%multiple_of3A_161] : memref<512xi32, #tpu.memory_space<vmem>> -> memref<16xi32, #tpu.memory_space<vmem>>
          %dma_start3A_163 = arith.constant 0 : i32
          %dma_start3A_164 = arith.constant 0 : i32
          %dma_start3A_165 = tpu.memref_slice %arg2[%dma_start3A_163, %dma_start3A_164] : memref<100000x1024xf32, #tpu.memory_space<hbm>> -> memref<100000x1024xf32, #tpu.memory_space<hbm>>
          tpu.enqueue_indirect_dma source(%dma_start3A_165 : memref<100000x1024xf32, #tpu.memory_space<hbm>>) target(%arg10 : memref<16x1024xf32, #tpu.memory_space<vmem>>) offsets(%dma_start3A_162 : memref<16xi32, #tpu.memory_space<vmem>>) semaphore(%arg19 : memref<!tpu.dma_semaphore, #tpu.memory_space<semaphore_mem>>)
          %mul3A_166 = arith.constant 4 : i32
          %mul3A_167 = arith.muli %add3A_158, %mul3A_166 : i32
          %add3A_168 = arith.addi %select_n3A, %mul3A_167 : i32
          %multiple_of3A_169 = tpu.assume_multiple %add3A_168, 4 : i32
          %dma_start3A_170 = arith.constant 0 : i32
          %dma_start3A_171 = arith.constant 0 : i32
          %dma_start3A_172 = tpu.memref_slice %arg4[%multiple_of3A_169, %dma_start3A_170, %dma_start3A_171] : memref<8192x1x1024xf32, #tpu.memory_space<hbm>> -> memref<4x1x1024xf32, #tpu.memory_space<hbm>>
          %dma_start3A_173 = arith.constant 0 : i32
          %dma_start3A_174 = arith.constant 0 : i32
          %dma_start3A_175 = tpu.memref_slice %arg4[%multiple_of3A_169, %dma_start3A_173, %dma_start3A_174] : memref<8192x1x1024xf32, #tpu.memory_space<hbm>> -> memref<4x1x1024xf32, #tpu.memory_space<hbm>>
          tpu.enqueue_dma source(%dma_start3A_175 : memref<4x1x1024xf32, #tpu.memory_space<hbm>>) target(%arg16 : memref<4x1x1024xf32, #tpu.memory_space<vmem>>) target_semaphore(%arg25 : memref<!tpu.dma_semaphore, #tpu.memory_space<semaphore_mem>>)
        } else {
        }
      } else {
      }
    }
    %scan3A_67 = arith.constant 11 : i32
    %add3A_68 = arith.constant 116 : i32
    %add3A_69 = arith.addi %select_n3A, %add3A_68 : i32
    %multiple_of3A_70 = tpu.assume_multiple %add3A_69, 4 : i32
    %dma_wait3A = arith.constant 0 : i32
    %dma_wait3A_71 = arith.constant 0 : i32
    %dma_wait3A_72 = tpu.memref_slice %arg6[%multiple_of3A_70, %dma_wait3A, %dma_wait3A_71] : memref<4096x4x1024xf32, #tpu.memory_space<hbm>> -> memref<4x4x1024xf32, #tpu.memory_space<hbm>>
    %dma_wait3A_73 = arith.constant 0 : i32
    %dma_wait3A_74 = arith.constant 0 : i32
    %dma_wait3A_75 = tpu.memref_slice %arg6[%multiple_of3A_70, %dma_wait3A_73, %dma_wait3A_74] : memref<4096x4x1024xf32, #tpu.memory_space<hbm>> -> memref<4x4x1024xf32, #tpu.memory_space<hbm>>
    tpu.wait_dma2 semaphore(%arg22 : memref<!tpu.dma_semaphore, #tpu.memory_space<semaphore_mem>>) src(%arg13 : memref<4x4x1024xf32, #tpu.memory_space<vmem>>) dst(%dma_wait3A_75 : memref<4x4x1024xf32, #tpu.memory_space<hbm>>)
    %add3A_76 = arith.constant 120 : i32
    %add3A_77 = arith.addi %select_n3A, %add3A_76 : i32
    %multiple_of3A_78 = tpu.assume_multiple %add3A_77, 4 : i32
    %dma_wait3A_79 = arith.constant 0 : i32
    %dma_wait3A_80 = arith.constant 0 : i32
    %dma_wait3A_81 = tpu.memref_slice %arg6[%multiple_of3A_78, %dma_wait3A_79, %dma_wait3A_80] : memref<4096x4x1024xf32, #tpu.memory_space<hbm>> -> memref<4x4x1024xf32, #tpu.memory_space<hbm>>
    %dma_wait3A_82 = arith.constant 0 : i32
    %dma_wait3A_83 = arith.constant 0 : i32
    %dma_wait3A_84 = tpu.memref_slice %arg6[%multiple_of3A_78, %dma_wait3A_82, %dma_wait3A_83] : memref<4096x4x1024xf32, #tpu.memory_space<hbm>> -> memref<4x4x1024xf32, #tpu.memory_space<hbm>>
    tpu.wait_dma2 semaphore(%arg20 : memref<!tpu.dma_semaphore, #tpu.memory_space<semaphore_mem>>) src(%arg11 : memref<4x4x1024xf32, #tpu.memory_space<vmem>>) dst(%dma_wait3A_84 : memref<4x4x1024xf32, #tpu.memory_space<hbm>>)
    %add3A_85 = arith.constant 124 : i32
    %add3A_86 = arith.addi %select_n3A, %add3A_85 : i32
    %multiple_of3A_87 = tpu.assume_multiple %add3A_86, 4 : i32
    %dma_wait3A_88 = arith.constant 0 : i32
    %dma_wait3A_89 = arith.constant 0 : i32
    %dma_wait3A_90 = tpu.memref_slice %arg6[%multiple_of3A_87, %dma_wait3A_88, %dma_wait3A_89] : memref<4096x4x1024xf32, #tpu.memory_space<hbm>> -> memref<4x4x1024xf32, #tpu.memory_space<hbm>>
    %dma_wait3A_91 = arith.constant 0 : i32
    %dma_wait3A_92 = arith.constant 0 : i32
    %dma_wait3A_93 = tpu.memref_slice %arg6[%multiple_of3A_87, %dma_wait3A_91, %dma_wait3A_92] : memref<4096x4x1024xf32, #tpu.memory_space<hbm>> -> memref<4x4x1024xf32, #tpu.memory_space<hbm>>
    tpu.wait_dma2 semaphore(%arg21 : memref<!tpu.dma_semaphore, #tpu.memory_space<semaphore_mem>>) src(%arg12 : memref<4x4x1024xf32, #tpu.memory_space<vmem>>) dst(%dma_wait3A_93 : memref<4x4x1024xf32, #tpu.memory_space<hbm>>)
    return
  }
}

</mosaic_0001>

<sc_bundles>
// kernel: kernel.3.cloned.1.call-start
scs
__scs_entry_jumppad:
0x0: {  	(pc) =	sbr.rel $0x88, $3  }
0x1: {  	(tag) =	ssettag $0x0;
	lr =	simm.s32 $0x1  }
0x2: {  	[smem:$0x3F9E] =	sst lr;
	_ =	strace $0xD0000000  }
0x3: {  	_ = 	snop  }
0x4: {  	_ = 	snop  }
0x5: {  	_ = 	snop  }
0x6: {  	_ = 	snop  }
0x7: {  	_ = 	snop  }
__scs_overlays_trampoline_lowered:
0x8: {  	[smem:$0x3FAD] =	sst s0  }
0x9: {  	[smem:$0x3FAE] =	sst s1  }
0xa: {  	[smem:$0x3FAF] =	sst s2  }
0xb: {  	[smem:$0x3FB0] =	sst s3  }
0xc: {  	[smem:$0x3FB1] =	sst s4  }
0xd: {  	[smem:$0x3FB2] =	sst s5  }
0xe: {  	[smem:$0x3FB3] =	sst s6  }
0xf: {  	[smem:$0x3FB4] =	sst s7  }
0x10: {  	[smem:$0x3FB5] =	sst s8  }
0x11: {  	[smem:$0x3FB6] =	sst s9;
	s0 =	simm.s32 @!p0 $0x0  }
0x12: {  	s1 =	sld [smem:$0x3F9C];
	s0 =	simm.s32 @p0 $0x1  }
0x13: {  	[smem:$0x3FB7] =	sst s0;
	s0 =	simm.s32 @!p1 $0x0  }
0x14: {  	s2 =	sld [smem:$0x3F9B];
	s0 =	simm.s32 @p1 $0x1  }
0x15: {  	[smem:$0x3FB8] =	sst s0;
	s0 =	simm.s32 @!p2 $0x0  }
0x16: {  	s3 =	sld [smem:$0x3FDB];
	s0 =	simm.s32 @p2 $0x1  }
0x17: {  	s4 =	simm.s32 $0x1BF5;
	[smem:$0x3FBA] =	sst s0  }
0x18: {  	s0 =	sld [smem:$0x3F9D];
	_ =	swait.ge [sflag:s4], $0x0  }
0x19: {  	s7 =	sld [smem:$0x3F9E]  }
0x1a: {  	s8 =	sadd.s32 $0xFFFFE003, lr  }
0x1b: {  	s9 =	sadd.s32 $0xFFFFFEF7, lr;
	s5 =	simm.s32 $0xFFFFFFFF;
	p2 =	slt.u32 s8, $0xFFFFF086  }
0x1c: {  	p1 =	slt.u32 s9, $0xF7A;
	s5 =	simm.s32 @!p2 $0x0  }
0x1d: {  	s5 =	simm.s32 @p1 $0x1;
	p0 =	seq.s32 s7, s2  }
0x1e: {  	s7 =	smul.u32 @!p0 $0xF7A, s2;
	p2 =	seq.s32 @!p0 s5, $0x0  }
0x1f: {  	s9 =	smul.u32 $0xF7A, s1;
	s8 =	simm.s32 @!p0 $0x1BF5;
	p2 =	por !p2, p0  }
0x20: {  	[sflag:s8] =	ssyncset.s32 @!p0 $0xFFFFF086;
	s6 =	sadd.s32 @!p0 s3, s7;
	s7 =	simm.s32 @!p0 $0x108  }
0x21: {  	s3 =	sadd.s32 s3, s9;
	s6 =	sadd.s32 @!p0 $0x88, s6;
	s7 =	simm.s32 @p2 $0x1082  }
0x22: {  	[simem:s7], [sflag:s8] =	dma.local @!p0 [hbm:s6], $0xF7A  }
0x23: {  	s9 =	sor.u32 $0xD0000000, s2;
	s6 =	simm.s32 $0x108;
	_ =	swait.ge @!p0 [sflag:s8], $0x0  }
0x24: {  	s3 =	sadd.s32 $0x88, s3;
	s6 =	simm.s32 @!p1 $0x1082;
	[sflag:s4] =	ssyncset.s32 $0xFFFFF086  }
0x25: {  	[simem:s6], [sflag:s4] =	dma.local [hbm:s3], $0xF7A  }
0x26: {  	[smem:$0x3F9E] =	sst s1;
	(tag) =	ssettag s2;
	_ =	strace s9  }
0x27: {  	s1 =	sld [smem:$0x3FAE]  }
0x28: {  	s2 =	sld [smem:$0x3FAF]  }
0x29: {  	s4 =	sld [smem:$0x3FB1]  }
0x2a: {  	p0 =	seq.s32 s5, $0x0;
	s5 =	sld [smem:$0x3FB2]  }
0x2b: {  	s6 =	sld [smem:$0x3FB3]  }
0x2c: {  	s7 =	sld [smem:$0x3FB4]  }
0x2d: {  	s3 =	simm.s32 $0x108;
	s8 =	sld [smem:$0x3FB5]  }
0x2e: {  	s3 =	simm.s32 @!p0 $0x1082;
	s9 =	sld [smem:$0x3FB6]  }
0x2f: {  	lr =	sadd.s32 s0, s3;
	s0 =	sld [smem:$0x3FAD]  }
0x30: {  	s3 =	sld [smem:$0x3FB0]  }
0x31: {  	[smem:$0x3FB9] =	sst s10  }
0x32: {  	s10 =	sld [smem:$0x3FB7];
	_ =	sdelay $0x3  }
0x33: {  	p0 =	seq.s32 s10, $0x1;
	s10 =	sld [smem:$0x3FB9];
	_ =	sdelay $0x3  }
0x34: {  	[smem:$0x3FB9] =	sst s10  }
0x35: {  	s10 =	sld [smem:$0x3FB8];
	_ =	sdelay $0x3  }
0x36: {  	p1 =	seq.s32 s10, $0x1;
	s10 =	sld [smem:$0x3FB9];
	_ =	sdelay $0x3  }
0x37: {  	[smem:$0x3FB9] =	sst s10  }
0x38: {  	s10 =	sld [smem:$0x3FBA]  }
0x39: {  	_ = 	snop;
	(pc) =	sbr.ind lr, $3  }
0x3a: {  	_ = 	snop  }
0x3b: {  	_ = 	snop  }
0x3c: {  	p2 =	seq.s32 s10, $0x1;
	s10 =	sld [smem:$0x3FB9]  }
0x3d: {  	_ =	shalt  }
0x3e: {  	_ =	shalt  }
0x3f: {  	_ =	shalt  }
0x40: {  	_ =	shalt  }
0x41: {  	_ =	shalt  }
0x42: {  	_ =	shalt  }
0x43: {  	_ =	shalt  }
0x44: {  	_ =	shalt  }
0x45: {  	_ =	shalt  }
0x46: {  	_ =	shalt  }
0x47: {  	_ =	shalt  }
0x48: {  	_ =	shalt  }
0x49: {  	_ =	shalt  }
0x4a: {  	_ =	shalt  }
0x4b: {  	_ =	shalt  }
0x4c: {  	_ =	shalt  }
0x4d: {  	_ =	shalt  }
0x4e: {  	_ =	shalt  }
0x4f: {  	_ =	shalt  }
0x50: {  	_ =	shalt  }
0x51: {  	_ =	shalt  }
0x52: {  	_ =	shalt  }
0x53: {  	_ =	shalt  }
0x54: {  	_ =	shalt  }
0x55: {  	_ =	shalt  }
0x56: {  	_ =	shalt  }
0x57: {  	_ =	shalt  }
0x58: {  	_ =	shalt  }
0x59: {  	_ =	shalt  }
0x5a: {  	_ =	shalt  }
0x5b: {  	_ =	shalt  }
0x5c: {  	_ =	shalt  }
0x5d: {  	_ =	shalt  }
0x5e: {  	_ =	shalt  }
0x5f: {  	_ =	shalt  }
0x60: {  	_ =	shalt  }
0x61: {  	_ =	shalt  }
0x62: {  	_ =	shalt  }
0x63: {  	_ =	shalt  }
0x64: {  	_ =	shalt  }
0x65: {  	_ =	shalt  }
0x66: {  	_ =	shalt  }
0x67: {  	_ =	shalt  }
0x68: {  	_ =	shalt  }
0x69: {  	_ =	shalt  }
0x6a: {  	_ =	shalt  }
0x6b: {  	_ =	shalt  }
0x6c: {  	_ =	shalt  }
0x6d: {  	_ =	shalt  }
0x6e: {  	_ =	shalt  }
0x6f: {  	_ =	shalt  }
0x70: {  	_ =	shalt  }
0x71: {  	_ =	shalt  }
0x72: {  	_ =	shalt  }
0x73: {  	_ =	shalt  }
0x74: {  	_ =	shalt  }
0x75: {  	_ =	shalt  }
0x76: {  	_ =	shalt  }
0x77: {  	_ =	shalt  }
0x78: {  	_ =	shalt  }
0x79: {  	_ =	shalt  }
0x7a: {  	_ =	shalt  }
0x7b: {  	_ =	shalt  }
0x7c: {  	_ =	shalt  }
0x7d: {  	_ =	shalt  }
0x7e: {  	_ =	shalt  }
0x7f: {  	_ =	shalt  }
0x80: {  	_ =	shalt  }
0x81: {  	_ =	shalt  }
0x82: {  	_ =	shalt  }
0x83: {  	_ =	shalt  }
0x84: {  	_ =	shalt  }
0x85: {  	_ =	shalt  }
0x86: {  	_ =	shalt  }
0x87: {  	_ =	shalt  }
.Lfunc_end0:
.L_simem_size_0:
called_computation_lowered:
.L_overlay_start_0:
0x88: {  	s2 =	sld [smem:$0x3FD9]  }
0x89: {  	s3 =	sld [smem:$0x3FFE];
	_ =	sdelay $0x1  }
0x8a: {  	s1 =	srdreg.scid  }
0x8b: {  	s0 =	sand.u32 $0x1, s1  }
0x8c: {  	s17 =	sshll.u32 s0, $0xA;
	s2 =	sadd.s32 s3, s2  }
0x8d: {  	s2 =	sadd.s32 s2, s17  }
0x8e: {  	[smem:$0x3FC5] =	sst s2  }
0x8f: {  	_ = 	snop  }
0x90: {  	s2 =	sld [smem:$0x3FC8]  }
0x91: {  	s18 =	sld [smem:$0x3FC7]  }
0x92: {  	s4 =	sld [smem:$0x3FD0];
	(tm) =	ssettm $0x1  }
0x93: {  	s5 =	sld [smem:$0x3FFB];
	_ =	sdelay $0x3  }
0x94: {  	_ =	strace s5  }
0x95: {  	s5 =	sld [smem:$0x3FFC];
	_ =	sdelay $0x3  }
0x96: {  	_ =	strace s5  }
0x97: {  	s5 =	sld [smem:$0x3FFD];
	_ =	sdelay $0x3  }
0x98: {  	_ =	strace s5  }
0x99: {  	_ =	strace $0x8FFFFFFF  }
0x9a: {  	s19 =	sld [smem:$0x3FDB];
	_ =	sdelay $0x1  }
0x9b: {  	s6 =	simm.s32 $_scs_section_size  }
0x9c: {  	s7 =	simm.s32 $_size__tile_overlayer_lowered;
	s8 =	simm.s32 $_tile_overlayer_lowered  }
0x9d: {  	s22 =	simm.s32 $0x1BFF;
	s21 =	sshll.u32 s8, $0x1;
	s5 =	sadd.s32 s6, s19  }
0x9e: {  	s9 =	simm.s32 $0x0;
	s20 =	sshll.u32 s7, $0x1;
	s7 =	sadd.s32 s21, s5  }
0x9f: {  	[timem:s9], [sflag:s22] =	dma.local [hbm:s7], s20  }
0xa0: {  	_ =	swait.ge [sflag:s22], s20  }
0xa1: {  	s6 =	ssub.s32 $0x0, s20;
	[sflag:s22] =	ssyncset.done $0x0  }
0xa2: {  	[sflag:s22] =	ssyncadd.s32 s6;
	_ =	sdelay $0x1  }
0xa3: {  	s23 =	simm.s32 $0x1B8B  }
0xa4: {  	_ =	swait.ge [sflag:s23], $0x1  }
0xa5: {  	[sflag:s23] =	ssyncset.done $0x0  }
0xa6: {  	s25 =	simm.s32 $0x1B8E;
	s24 =	sld [smem:$0x3FFE];
	[sflag:s23] =	ssyncadd.s32 $0xFFFFFFFF  }
0xa7: {  	s26 =	simm.s32 $execute0_lowered;
	[smem:$0x3FD2] =	sst s25  }
0xa8: {  	s7 =	sshll.u32 s26, $0x1;
	_ =	strace $0x80000046;
	[dreg:$0x1] =	wrdreg $0xFFFFFFFF  }
0xa9: {  	s28 =	simm.s32 $_size_execute0_lowered;
	s5 =	sadd.s32 s5, s7;
	[dreg:$0x0] =	wrdreg $0x0  }
0xaa: {  	s7 =	sshll.u32 s28, $0x1;
	[dreg:$0x2] =	wrdreg s5  }
0xab: {  	[dreg:$0x3] =	wrdreg s7  }
0xac: {  	[dreg:$0x4] =	wrdreg $0xC0  }
0xad: {  	_ =	task [dreg:s9], $0x5FFFF  }
0xae: {  	[dreg:$0x1] =	wrdreg $0xFFFFFFFF  }
0xaf: {  	[dreg:$0x0] =	wrdreg $0x60  }
0xb0: {  	[dreg:$0x2] =	wrdreg s2  }
0xb1: {  	[dreg:$0x3] =	wrdreg s24  }
0xb2: {  	[dreg:$0x4] =	wrdreg s18  }
0xb3: {  	[dreg:$0x5] =	wrdreg s4  }
0xb4: {  	[dreg:$0x6] =	wrdreg $0x9  }
0xb5: {  	_ =	task.clear_ibuf [dreg:s9], $0x7FFFF;
	_ =	strace $0x90000046  }
0xb6: {  	s29 =	simm.s32 $0x9;
	_ =	strace $0x80000048  }
0xb7: {  	_ =	swait.ge [sflag:s29], $0x1  }
0xb8: {  	[sflag:s29] =	ssyncadd.s32 $0xFFFFFFFF  }
0xb9: {  	_ =	strace $0x90000048  }
0xba: {  	_ =	sfence  }
0xbb: {  	s30 =	sld [smem:$0x0];
	_ =	sdelay $0x2  }
0xbc: {  	s31 =	sshll.u32 s1, $0xD;
	s1 =	sshrl.u32 s1, $0x2  }
0xbd: {  	s3 =	sand.u32 $0x4000, s31;
	s1 =	sadd.s32 s1, s30  }
0xbe: {  	s0 =	sor.u32 s3, s0;
	s1 =	sshll.u32 s1, $0x11  }
0xbf: {  	s0 =	sor.u32 s1, s0  }
0xc0: {  	s0 =	sadd.s32 $0x8F2B, s0  }
0xc1: {  	[sflag:s0] =	ssyncadd.remote.s32 $0x1  }
0xc2: {  	_ =	sfence.sel $0xFFFF  }
0xc3: {  	[dreg:$0x0] =	wrdreg $0xFFFFFFFF;
	(pc) =	sbr.abs _section_cstart, $3  }
0xc4: {  	[dreg:$0x1] =	wrdreg $0xFFFFFFFF  }
0xc5: {  	_ =	task.clear_ibuf [dreg:s9], $0x2FFFF;
	_ =	strace $0x9FFFFFFF  }
0xc6: {  	(tm) =	ssettm $0x7FFFFFFF  }
0xc7: {  	_ =	shalt  }
tec
execute0_lowered:
.L_overlay_start_1:
0x0: {  	(tag) =	ssettag $0x1  }
0x1: {  	s1 =	rddreg [dreg:$0x0]  }
0x2: {  	s0 =	rddreg [dreg:$0x1]  }
0x3: {  	s2 =	srdreg.scid;
	s5 =	rddreg [dreg:$0x2]  }
0x4: {  	s4 =	stileid.u32;
	s3 =	rddreg [dreg:$0x3]  }
0x5: {  	s30 =	simm.s32 $0x4A00;
	s31 =	simm.s32 $0x5200;
	s17 =	simm.s32 $0x6A00  }
0x6: {  	s19 =	simm.s32 $0x7200;
	s20 =	simm.s32 $0x7A00;
	s21 =	simm.s32 $0x19200  }
0x7: {  	s22 =	simm.s32 $0x2;
	s12 =	simm.s32 $0x5;
	s13 =	simm.s32 $0x3  }
0x8: {  	s16 =	simm.s32 $0x9;
	s2 =	sand.u32 $0x1, s2;
	s6 =	sshll.u32 s4, $0xA  }
0x9: {  	s4 =	simm.s32 $0x0;
	s9 =	sadd.s32 $0x200, s1;
	s10 =	sadd.s32 $0x300, s1  }
0xa: {  	s7 =	sshll.u32 s2, $0x9;
	[smem:$0x7FF] =	sst s4;
	s2 =	ssub.s32 $0x2, s2  }
0xb: {  	s7 =	sor.u32 s7, s6;
	_ =	strace $0x80000047;
	s23 =	sshrl.u32 s2, $0x1  }
0xc: {  	s6 =	sshrl.u32 s7, $0x3;
	s24 =	ssub.s32 s2, s23;
	s26 =	sshll.u32 s7, $0x5  }
0xd: {  	s29 =	sshll.u32 s7, $0xA;
	s23 =	simm.s32 $0x8;
	s8 =	sadd.s32 s6, s0  }
0xe: {  	s0 =	sadd.s32 $0xC00, s0;
	s6 =	sshrl.u32 s7, $0x2;
	s11 =	sadd.s32 s5, s26  }
0xf: {  	s14 =	sor.u32 $0x4000, s29;
	[dreg:$0x5] =	wrdreg s0;
	s25 =	sadd.s32 $0x400, s8  }
.Ltmp0:
0x10: {  	s2 =	sadd.s32 $0x200, s11;
	[dreg:$0x6] =	wrdreg s25;
	(pc) =	sbr.rel .LBB2_1-.Ltmp0, $4  }
0x11: {  	s15 =	sor.u32 $0x8000, s29;
	s28 =	sadd.s32 $0x400, s11;
	[dreg:$0x7] =	wrdreg s2  }
0x12: {  	v2 =	vlaneseq.u32;
	s26 =	simm.s32 $0x7;
	s0 =	smax.u32 s24, $0x1;
	[dreg:$0x8] =	wrdreg s28  }
0x13: {  	vm0 =	vmmov $0xffff;
	v1 =	vshrl.u32 v2, $0x3;
	s7 =	simm.s32 $0x0;
	s8 =	sadd.s32 $0x100, s1;
	[dreg:$0x9] =	wrdreg s0  }
0x14: {  	v0 =	vand.u32 $0x7, v2;
	v2 =	vor.u32 $0x8, v2;
	v1 =	vmul.u32 $0x8, v1;
	s2 =	simm.s32 $0x5A00;
	s0 =	simm.s32 $0x6200;
	s25 =	simm.s32 $0x1  }
.LBB2_10:
0x15: {  	s5 =	simm.s32 $0x6  }
0x16: {  	_ =	swait.ge [sflag:s5], $0x4000  }
0x17: {  	[sflag:s5] =	ssyncset.done $0x0  }
0x18: {  	s28 =	simm.s32 $0x4;
	[sflag:s5] =	ssyncadd.s32 $0xFFFFC000  }
0x19: {  	_ =	swait.ge [sflag:s28], $0x4000  }
0x1a: {  	[sflag:s28] =	ssyncset.done $0x0  }
0x1b: {  	[sflag:s28] =	ssyncadd.s32 $0xFFFFC000  }
0x1c: {  	_ =	swait.ge [sflag:s12], $0x4000  }
0x1d: {  	s7 =	rddreg [dreg:$0xa]  }
0x1e: {  	s29 =	rddreg [dreg:$0x9];
	s7 =	sadd.s32 $0x1, s7  }
0x1f: {  	p0 =	sne.s32 s7, s29  }
.Ltmp1:
0x20: {  	_ = 	snop;
	(pc) =	sbr.rel @!p0 .LBB2_11-.Ltmp1, $3  }
0x21: {  	_ =	sdelay $0x1  }
0x22: {  	[sflag:s12] =	ssyncset.done $0x0  }
0x23: {  	[sflag:s12] =	ssyncadd.s32 $0xFFFFC000  }
.LBB2_1:
0x24: {  	[dreg:$0xa] =	wrdreg s7  }
0x25: {  	s5 =	rddreg [dreg:$0x5];
	s18 =	simm.s32 $0x1B200;
	s24 =	simm.s32 $0xA  }
0x26: {  	[tilespmem:s18], [sflag:$0xA] =	stream.linear.gather [hbm4b:s5+s4], $0x1, $0x38;
	[tilespmem:$0x1B280] =	vst v63  }
0x27: {  	_ =	swait.ge [sflag:s24], $0x1  }
0x28: {  	[sflag:s24] =	ssyncset.done $0x0  }
0x29: {  	s28 =	rddreg [dreg:$0x6];
	[sflag:s24] =	ssyncadd.s32 $0xFFFFFFFF  }
0x2a: {  	v3 =	vld.msk [tilespmem:$0x1B200 ss:$0x0], $0xffff;
	[tilespmem:s4], [sflag:$0xA] =	stream.linear.gather [hbm4b:s28+s4], $0x200, $0x38  }
0x2b: {  	_ =	swait.ge [sflag:s24], $0x200  }
0x2c: {  	[sflag:s24] =	ssyncset.done $0x0  }
0x2d: {  	[sflag:s24] =	ssyncadd.s32 $0xFFFFFE00  }
0x2e: {  	v4 =	vld [tilespmem:$0x0];
	_ =	sdelay $0x4  }
0x2f: {  	v5 =	vshll.u32 v4, $0x3  }
0x30: {  	v4 =	vand.u32 $0x7, v4;
	v5 =	vand.u32 $0xFFFFFFC0, v5  }
0x31: {  	v4 =	vor.u32 v4, v5  }
0x32: {  	v5 =	vperm.xlane v4, v0;
	_ =	sdelay $0x1  }
0x33: {  	v5 =	vadd.s32 v1, v5;
	_ =	sdelay $0x3  }
0x34: {  	s29 =	simm.s32 $0x200  }
0x35: {  	[tilespmem:s29], [sflag:$0x1] =	stream.indirect_vreg.gather [hbm4b:s1+s4], $0x80, v5, vm0, $0xb8;
	[tilespmem:$0x1B280] =	vst v63  }
0x36: {  	s7 =	simm.s32 $0xA00;
	v4 =	vperm.xlane v4, v2  }
0x37: {  	[tilespmem:s7], [sflag:$0x1] =	stream.indirect_vreg.gather [hbm4b:s8+s4], $0x80, v5, vm0, $0xb8;
	[tilespmem:$0x1B280] =	vst v63  }
0x38: {  	s18 =	simm.s32 $0x1200;
	v4 =	vadd.s32 v1, v4  }
0x39: {  	[tilespmem:s18], [sflag:$0x1] =	stream.indirect_vreg.gather [hbm4b:s9+s4], $0x80, v5, vm0, $0xb8;
	[tilespmem:$0x1B280] =	vst v63  }
0x3a: {  	s24 =	simm.s32 $0x1A00  }
0x3b: {  	[tilespmem:s24], [sflag:$0x1] =	stream.indirect_vreg.gather [hbm4b:s10+s4], $0x80, v5, vm0, $0xb8;
	[tilespmem:$0x1B280] =	vst v63  }
0x3c: {  	s28 =	simm.s32 $0x2200  }
0x3d: {  	[tilespmem:s28], [sflag:$0x1] =	stream.indirect_vreg.gather [hbm4b:s1+s4], $0x80, v4, vm0, $0xb8;
	[tilespmem:$0x1B280] =	vst v63  }
0x3e: {  	s29 =	simm.s32 $0x2A00  }
0x3f: {  	[tilespmem:s29], [sflag:$0x1] =	stream.indirect_vreg.gather [hbm4b:s8+s4], $0x80, v4, vm0, $0xb8;
	[tilespmem:$0x1B280] =	vst v63  }
0x40: {  	s7 =	simm.s32 $0x3200  }
0x41: {  	[tilespmem:s7], [sflag:$0x1] =	stream.indirect_vreg.gather [hbm4b:s9+s4], $0x80, v4, vm0, $0xb8;
	[tilespmem:$0x1B280] =	vst v63  }
0x42: {  	s18 =	simm.s32 $0x3A00  }
0x43: {  	[tilespmem:s18], [sflag:$0x1] =	stream.indirect_vreg.gather [hbm4b:s10+s4], $0x80, v4, vm0, $0xb8;
	[tilespmem:$0x1B280] =	vst v63  }
0x44: {  	s24 =	simm.s32 $0x18200  }
0x45: {  	[tilespmem:s24], [sflag:$0x7] =	stream.linear.gather [hbm4b:s11+s4], $0x1000, $0x38;
	[tilespmem:$0x1B280] =	vst v63  }
0x46: {  	v4 =	vld [tilespmem:$0x10];
	_ =	sdelay $0x4  }
0x47: {  	v5 =	vshll.u32 v4, $0x3  }
0x48: {  	v4 =	vand.u32 $0x7, v4;
	v5 =	vand.u32 $0xFFFFFFC0, v5  }
0x49: {  	v4 =	vor.u32 v4, v5  }
0x4a: {  	v5 =	vperm.xlane v4, v0;
	_ =	sdelay $0x1  }
0x4b: {  	v5 =	vadd.s32 v1, v5;
	_ =	sdelay $0x3  }
0x4c: {  	s28 =	simm.s32 $0x4200  }
0x4d: {  	[tilespmem:s28], [sflag:$0x2] =	stream.indirect_vreg.gather [hbm4b:s1+s4], $0x80, v5, vm0, $0xb8;
	[tilespmem:$0x1B280] =	vst v63  }
0x4e: {  	v4 =	vperm.xlane v4, v2  }
0x4f: {  	[tilespmem:s30], [sflag:$0x2] =	stream.indirect_vreg.gather [hbm4b:s8+s4], $0x80, v5, vm0, $0xb8;
	[tilespmem:$0x1B280] =	vst v63  }
0x50: {  	v4 =	vadd.s32 v1, v4  }
0x51: {  	[tilespmem:s31], [sflag:$0x2] =	stream.indirect_vreg.gather [hbm4b:s9+s4], $0x80, v5, vm0, $0xb8;
	[tilespmem:$0x1B280] =	vst v63  }
0x52: {  	_ = 	snop  }
0x53: {  	[tilespmem:s2], [sflag:$0x2] =	stream.indirect_vreg.gather [hbm4b:s10+s4], $0x80, v5, vm0, $0xb8;
	[tilespmem:$0x1B280] =	vst v63  }
0x54: {  	_ = 	snop  }
0x55: {  	[tilespmem:s0], [sflag:$0x2] =	stream.indirect_vreg.gather [hbm4b:s1+s4], $0x80, v4, vm0, $0xb8;
	[tilespmem:$0x1B280] =	vst v63  }
0x56: {  	_ = 	snop  }
0x57: {  	[tilespmem:s17], [sflag:$0x2] =	stream.indirect_vreg.gather [hbm4b:s8+s4], $0x80, v4, vm0, $0xb8;
	[tilespmem:$0x1B280] =	vst v63  }
0x58: {  	_ = 	snop  }
0x59: {  	[tilespmem:s19], [sflag:$0x2] =	stream.indirect_vreg.gather [hbm4b:s9+s4], $0x80, v4, vm0, $0xb8;
	[tilespmem:$0x1B280] =	vst v63  }
0x5a: {  	_ = 	snop  }
0x5b: {  	[tilespmem:s20], [sflag:$0x2] =	stream.indirect_vreg.gather [hbm4b:s10+s4], $0x80, v4, vm0, $0xb8;
	[tilespmem:$0x1B280] =	vst v63  }
0x5c: {  	s29 =	rddreg [dreg:$0x7]  }
0x5d: {  	[tilespmem:s21], [sflag:$0x8] =	stream.linear.gather [hbm4b:s29+s4], $0x1000, $0x38;
	[tilespmem:$0x1B280] =	vst v63  }
0x5e: {  	v4 =	vld [tilespmem:$0x20];
	_ =	sdelay $0x4  }
0x5f: {  	v5 =	vshll.u32 v4, $0x3  }
0x60: {  	v4 =	vand.u32 $0x7, v4;
	v5 =	vand.u32 $0xFFFFFFC0, v5  }
0x61: {  	v4 =	vor.u32 v4, v5  }
0x62: {  	v5 =	vperm.xlane v4, v0;
	_ =	sdelay $0x1  }
0x63: {  	v5 =	vadd.s32 v1, v5;
	_ =	sdelay $0x3  }
0x64: {  	s7 =	simm.s32 $0x8200  }
0x65: {  	[tilespmem:s7], [sflag:$0x3] =	stream.indirect_vreg.gather [hbm4b:s1+s4], $0x80, v5, vm0, $0xb8;
	[tilespmem:$0x1B280] =	vst v63  }
0x66: {  	s18 =	simm.s32 $0x8A00;
	v4 =	vperm.xlane v4, v2  }
0x67: {  	[tilespmem:s18], [sflag:$0x3] =	stream.indirect_vreg.gather [hbm4b:s8+s4], $0x80, v5, vm0, $0xb8;
	[tilespmem:$0x1B280] =	vst v63  }
0x68: {  	s24 =	simm.s32 $0x9200;
	v4 =	vadd.s32 v1, v4  }
0x69: {  	[tilespmem:s24], [sflag:$0x3] =	stream.indirect_vreg.gather [hbm4b:s9+s4], $0x80, v5, vm0, $0xb8;
	[tilespmem:$0x1B280] =	vst v63  }
0x6a: {  	s28 =	simm.s32 $0x9A00  }
0x6b: {  	[tilespmem:s28], [sflag:$0x3] =	stream.indirect_vreg.gather [hbm4b:s10+s4], $0x80, v5, vm0, $0xb8;
	[tilespmem:$0x1B280] =	vst v63  }
0x6c: {  	s29 =	simm.s32 $0xA200  }
0x6d: {  	[tilespmem:s29], [sflag:$0x3] =	stream.indirect_vreg.gather [hbm4b:s1+s4], $0x80, v4, vm0, $0xb8;
	[tilespmem:$0x1B280] =	vst v63  }
0x6e: {  	s7 =	simm.s32 $0xAA00  }
0x6f: {  	[tilespmem:s7], [sflag:$0x3] =	stream.indirect_vreg.gather [hbm4b:s8+s4], $0x80, v4, vm0, $0xb8;
	[tilespmem:$0x1B280] =	vst v63  }
0x70: {  	s18 =	simm.s32 $0xB200  }
0x71: {  	[tilespmem:s18], [sflag:$0x3] =	stream.indirect_vreg.gather [hbm4b:s9+s4], $0x80, v4, vm0, $0xb8;
	[tilespmem:$0x1B280] =	vst v63  }
0x72: {  	s24 =	simm.s32 $0xBA00  }
0x73: {  	[tilespmem:s24], [sflag:$0x3] =	stream.indirect_vreg.gather [hbm4b:s10+s4], $0x80, v4, vm0, $0xb8;
	[tilespmem:$0x1B280] =	vst v63  }
0x74: {  	s28 =	rddreg [dreg:$0x8];
	s29 =	simm.s32 $0x1A200;
	s18 =	simm.s32 $0x0  }
0x75: {  	[tilespmem:s29], [sflag:$0x9] =	stream.linear.gather [hbm4b:s28+s4], $0x1000, $0x38;
	[tilespmem:$0x1B280] =	vst v63  }
.LBB2_2:
0x76: {  	p0 =	seq.s32 s18, $0x0  }
0x77: {  	s5 =	simm.s32 @!p0 $0x4  }
0x78: {  	_ =	swait.ge @!p0 [sflag:s5], $0x4000  }
0x79: {  	[sflag:s5] =	ssyncset.done @!p0 $0x0  }
0x7a: {  	[sflag:s5] =	ssyncadd.s32 @!p0 $0xFFFFC000  }
0x7b: {  	_ =	swait.ge [sflag:s25], $0x4000  }
0x7c: {  	[sflag:s25] =	ssyncset.done $0x0  }
0x7d: {  	[sflag:s25] =	ssyncadd.s32 $0xFFFFC000  }
0x7e: {  	_ =	swait.ge [sflag:s26], $0x1000  }
0x7f: {  	[sflag:s26] =	ssyncset.done $0x0  }
0x80: {  	s7 =	smul.u32 $0x3, s18;
	s5 =	simm.s32 $0x0;
	[sflag:s26] =	ssyncadd.s32 $0xFFFFF000  }
.LBB2_3:
0x81: {  	s24 =	sshll.u32 s5, $0x3  }
0x82: {  	s24 =	sand.u32 $0x3FFFFFF8, s24  }
0x83: {  	v4 =	vld [tilespmem:s24+$0x200];
	_ =	sdelay $0x1  }
0x84: {  	v5 =	vld [tilespmem:s5+$0x18200];
	_ =	sdelay $0x2  }
0x85: {  	v4 =	vmul.f32 v4, v3;
	_ =	sdelay $0x1  }
0x86: {  	s28 =	sshll.u32 s5, $0x2;
	v4 =	vadd.f32 v4, v5  }
0x87: {  	s28 =	sand.u32 $0x3FFFFFFC, s28  }
0x88: {  	[tilespmem:s28+$0xC200] =	vst v4  }
0x89: {  	v4 =	vld [tilespmem:s24+$0x280];
	_ =	sdelay $0x1  }
0x8a: {  	v6 =	vld [tilespmem:s24+$0x210];
	_ =	sdelay $0x1  }
0x8b: {  	v8 =	vld [tilespmem:s5+$0x18210]  }
0x8c: {  	v10 =	vld [tilespmem:s24+$0x230];
	v4 =	vmul.f32 v4, v3;
	_ =	sdelay $0x1  }
0x8d: {  	v11 =	vld [tilespmem:s5+$0x18230];
	v6 =	vmul.f32 v6, v3;
	v4 =	vadd.f32 v4, v5;
	_ =	sdelay $0x1  }
0x8e: {  	v7 =	vld [tilespmem:s24+$0x220];
	[tilespmem:s28+$0xC280] =	vst v4;
	v4 =	vadd.f32 v6, v8  }
0x8f: {  	v10 =	vmul.f32 v10, v3;
	v42 =	vld [tilespmem:s24+$0x300]  }
0x90: {  	v9 =	vld [tilespmem:s5+$0x18220];
	[tilespmem:s28+$0xC210] =	vst v4  }
0x91: {  	v10 =	vadd.f32 v10, v11;
	v4 =	vld [tilespmem:s24+$0x290];
	_ =	sdelay $0x1  }
0x92: {  	v7 =	vmul.f32 v7, v3;
	[tilespmem:s28+$0xC230] =	vst v10  }
0x93: {  	v19 =	vld [tilespmem:s24+$0x2B0];
	v6 =	vmul.f32 v42, v3  }
0x94: {  	v7 =	vadd.f32 v7, v9  }
0x95: {  	v15 =	vld [tilespmem:s5+$0x18250];
	v6 =	vadd.f32 v6, v5;
	v4 =	vmul.f32 v4, v3  }
0x96: {  	v14 =	vld [tilespmem:s24+$0x250];
	[tilespmem:s28+$0xC220] =	vst v7  }
0x97: {  	v7 =	vld [tilespmem:s24+$0x2A0];
	[tilespmem:s28+$0xC300] =	vst v6;
	v4 =	vadd.f32 v4, v8  }
0x98: {  	v55 =	vmul.f32 v19, v3;
	v6 =	vld [tilespmem:s24+$0x380]  }
0x99: {  	v13 =	vld [tilespmem:s5+$0x18240];
	[tilespmem:s28+$0xC290] =	vst v4  }
0x9a: {  	v57 =	vadd.f32 v55, v11;
	v4 =	vld [tilespmem:s24+$0x310]  }
0x9b: {  	v18 =	vld [tilespmem:s5+$0x18260];
	v46 =	vmul.f32 v14, v3  }
0x9c: {  	v16 =	vld [tilespmem:s24+$0x260];
	v7 =	vmul.f32 v7, v3;
	[tilespmem:s28+$0xC2B0] =	vst v57  }
0x9d: {  	v48 =	vadd.f32 v46, v15;
	v63 =	vld [tilespmem:s24+$0x330];
	v6 =	vmul.f32 v6, v3  }
0x9e: {  	v12 =	vld [tilespmem:s24+$0x240];
	v7 =	vadd.f32 v7, v9  }
0x9f: {  	v47 =	vld [tilespmem:s5+$0x18270];
	[tilespmem:s28+$0xC250] =	vst v48;
	v5 =	vadd.f32 v6, v5;
	v4 =	vmul.f32 v4, v3  }
0xa0: {  	v17 =	vld [tilespmem:s24+$0x270];
	[tilespmem:s28+$0xC2A0] =	vst v7  }
0xa1: {  	v49 =	vmul.f32 v16, v3;
	v7 =	vld [tilespmem:s24+$0x320];
	[tilespmem:s28+$0xC380] =	vst v5;
	v5 =	vadd.f32 v4, v8  }
0xa2: {  	v54 =	vld [tilespmem:s24+$0x2D0];
	v16 =	vmul.f32 v63, v3  }
0xa3: {  	v12 =	vmul.f32 v12, v3;
	v53 =	vadd.f32 v49, v18;
	v44 =	vld [tilespmem:s24+$0x400];
	[tilespmem:s28+$0xC310] =	vst v5  }
0xa4: {  	v31 =	vadd.f32 v16, v11;
	v5 =	vld [tilespmem:s24+$0x390]  }
0xa5: {  	v45 =	vadd.f32 v12, v13;
	[tilespmem:s28+$0xC260] =	vst v53;
	v4 =	vld [tilespmem:s5+$0x18600]  }
0xa6: {  	v56 =	vld [tilespmem:s24+$0x2E0];
	v43 =	vmul.f32 v7, v3;
	[tilespmem:s28+$0xC330] =	vst v31  }
0xa7: {  	[tilespmem:s28+$0xC240] =	vst v45;
	v35 =	vld [tilespmem:s24+$0x3B0]  }
0xa8: {  	v50 =	vld [tilespmem:s24+$0x2C0];
	v6 =	vadd.f32 v43, v9;
	v7 =	vmul.f32 v44, v3  }
0xa9: {  	v51 =	vmul.f32 v17, v3;
	v5 =	vmul.f32 v5, v3  }
0xaa: {  	v61 =	vmul.f32 v54, v3;
	[tilespmem:s28+$0xC320] =	vst v6;
	v7 =	vadd.f32 v7, v4  }
0xab: {  	v22 =	vmul.f32 v56, v3;
	v6 =	vld [tilespmem:s24+$0x3A0];
	v5 =	vadd.f32 v5, v8;
	v8 =	vadd.f32 v51, v47  }
0xac: {  	v21 =	vadd.f32 v61, v15;
	v19 =	vmul.f32 v35, v3;
	[tilespmem:s28+$0xD200] =	vst v7  }
0xad: {  	v25 =	vadd.f32 v22, v18;
	v7 =	vmul.f32 v50, v3;
	[tilespmem:s28+$0xC270] =	vst v8  }
0xae: {  	[tilespmem:s28+$0xC2D0] =	vst v21;
	v40 =	vadd.f32 v19, v11;
	v58 =	vld [tilespmem:s24+$0x2F0]  }
0xaf: {  	[tilespmem:s28+$0xC2E0] =	vst v25;
	v27 =	vld [tilespmem:s24+$0x350];
	v7 =	vadd.f32 v7, v13  }
0xb0: {  	v30 =	vld [tilespmem:s24+$0x360];
	[tilespmem:s28+$0xC3B0] =	vst v40;
	v6 =	vmul.f32 v6, v3  }
0xb1: {  	v45 =	vld [tilespmem:s5+$0x18630];
	[tilespmem:s28+$0xC2C0] =	vst v7  }
0xb2: {  	v6 =	vadd.f32 v6, v9;
	v24 =	vld [tilespmem:s24+$0x340]  }
0xb3: {  	v52 =	vld [tilespmem:s24+$0x480];
	v10 =	vmul.f32 v58, v3  }
0xb4: {  	v44 =	vld [tilespmem:s24+$0x430];
	[tilespmem:s28+$0xC3A0] =	vst v6  }
0xb5: {  	v9 =	vmul.f32 v27, v3;
	v60 =	vld [tilespmem:s24+$0x420];
	[tilespmem:s28+$0xC390] =	vst v5;
	v10 =	vadd.f32 v10, v47  }
0xb6: {  	v8 =	vmul.f32 v30, v3;
	v59 =	vld [tilespmem:s24+$0x410]  }
0xb7: {  	v9 =	vadd.f32 v9, v15;
	v5 =	vld [tilespmem:s5+$0x18610];
	v12 =	vmul.f32 v24, v3;
	[tilespmem:s28+$0xC2F0] =	vst v10  }
0xb8: {  	v8 =	vadd.f32 v8, v18;
	v62 =	vmul.f32 v52, v3;
	v32 =	vld [tilespmem:s24+$0x370]  }
0xb9: {  	v6 =	vld [tilespmem:s5+$0x18620];
	[tilespmem:s28+$0xC350] =	vst v9;
	v33 =	vadd.f32 v12, v13  }
0xba: {  	v9 =	vld [tilespmem:s24+$0x3D0];
	[tilespmem:s28+$0xC360] =	vst v8;
	v23 =	vadd.f32 v62, v4  }
0xbb: {  	v8 =	vld [tilespmem:s24+$0x3E0];
	v17 =	vmul.f32 v59, v3;
	[tilespmem:s28+$0xC340] =	vst v33  }
0xbc: {  	v11 =	vmul.f32 v44, v3;
	[tilespmem:s28+$0xD280] =	vst v23;
	v37 =	vld [tilespmem:s24+$0x3C0]  }
0xbd: {  	v17 =	vadd.f32 v17, v5;
	v28 =	vld [tilespmem:s24+$0x500];
	v16 =	vmul.f32 v32, v3  }
0xbe: {  	v11 =	vadd.f32 v11, v45;
	v26 =	vmul.f32 v60, v3  }
0xbf: {  	v9 =	vmul.f32 v9, v3;
	[tilespmem:s28+$0xD210] =	vst v17;
	v38 =	vadd.f32 v16, v47  }
0xc0: {  	[tilespmem:s28+$0xD230] =	vst v11;
	v29 =	vadd.f32 v26, v6;
	v8 =	vmul.f32 v8, v3;
	v17 =	vld [tilespmem:s24+$0x490]  }
0xc1: {  	v52 =	vld [tilespmem:s24+$0x4B0];
	v9 =	vadd.f32 v9, v15;
	v41 =	vmul.f32 v37, v3;
	[tilespmem:s28+$0xC370] =	vst v38  }
0xc2: {  	[tilespmem:s28+$0xD220] =	vst v29;
	v8 =	vadd.f32 v8, v18;
	v34 =	vmul.f32 v28, v3;
	v42 =	vld [tilespmem:s24+$0x3F0]  }
0xc3: {  	v7 =	vld [tilespmem:s24+$0x4A0];
	[tilespmem:s28+$0xC3D0] =	vst v9;
	v43 =	vadd.f32 v41, v13  }
0xc4: {  	v9 =	vld [tilespmem:s24+$0x450];
	[tilespmem:s28+$0xC3E0] =	vst v8;
	v36 =	vadd.f32 v34, v4  }
0xc5: {  	v49 =	vld [tilespmem:s24+$0x460];
	v17 =	vmul.f32 v17, v3;
	[tilespmem:s28+$0xC3C0] =	vst v43  }
0xc6: {  	[tilespmem:s28+$0xD300] =	vst v36;
	v10 =	vld [tilespmem:s24+$0x440]  }
0xc7: {  	v17 =	vadd.f32 v17, v5;
	v39 =	vld [tilespmem:s24+$0x580];
	v12 =	vmul.f32 v42, v3  }
0xc8: {  	v7 =	vmul.f32 v7, v3;
	v46 =	vld [tilespmem:s5+$0x18640]  }
0xc9: {  	v50 =	vld [tilespmem:s5+$0x18660];
	[tilespmem:s28+$0xD290] =	vst v17;
	v12 =	vadd.f32 v12, v47  }
0xca: {  	v18 =	vmul.f32 v52, v3;
	v7 =	vadd.f32 v7, v6;
	v17 =	vld [tilespmem:s24+$0x510]  }
0xcb: {  	v47 =	vld [tilespmem:s5+$0x18650];
	v10 =	vmul.f32 v10, v3;
	[tilespmem:s28+$0xC3F0] =	vst v12  }
0xcc: {  	v59 =	vadd.f32 v18, v45;
	[tilespmem:s28+$0xD2A0] =	vst v7;
	v48 =	vmul.f32 v39, v3;
	v12 =	vld [tilespmem:s24+$0x470]  }
0xcd: {  	v7 =	vld [tilespmem:s24+$0x520];
	v53 =	vmul.f32 v49, v3;
	v10 =	vadd.f32 v10, v46  }
0xce: {  	v9 =	vmul.f32 v9, v3;
	[tilespmem:s28+$0xD2B0] =	vst v59;
	v4 =	vadd.f32 v48, v4;
	v51 =	vld [tilespmem:s5+$0x18670]  }
0xcf: {  	v63 =	vld [tilespmem:s24+$0x530];
	v57 =	vadd.f32 v53, v50;
	[tilespmem:s28+$0xD240] =	vst v10  }
0xd0: {  	v17 =	vmul.f32 v17, v3;
	[tilespmem:s28+$0xD380] =	vst v4;
	v9 =	vadd.f32 v9, v47;
	v55 =	vld [tilespmem:s24+$0x4C0]  }
0xd1: {  	[tilespmem:s28+$0xD260] =	vst v57;
	v4 =	vld [tilespmem:s5+$0x18A00];
	v12 =	vmul.f32 v12, v3  }
0xd2: {  	v7 =	vmul.f32 v7, v3;
	v54 =	vadd.f32 v17, v5;
	[tilespmem:s28+$0xD250] =	vst v9;
	v9 =	vld [tilespmem:s24+$0x4E0]  }
0xd3: {  	v56 =	vld [tilespmem:s24+$0x2200];
	v12 =	vadd.f32 v12, v51  }
0xd4: {  	v7 =	vadd.f32 v7, v6;
	[tilespmem:s28+$0xD310] =	vst v54;
	v58 =	vld [tilespmem:s24+$0x4D0]  }
0xd5: {  	v16 =	vld [tilespmem:s24+$0x590];
	v17 =	vmul.f32 v55, v3;
	[tilespmem:s28+$0xD270] =	vst v12  }
0xd6: {  	[tilespmem:s28+$0xD320] =	vst v7;
	v60 =	vld [tilespmem:s24+$0x4F0]  }
0xd7: {  	v7 =	vld [tilespmem:s24+$0x5A0];
	v61 =	vadd.f32 v17, v46;
	v9 =	vmul.f32 v9, v3  }
0xd8: {  	v21 =	vmul.f32 v63, v3  }
0xd9: {  	v10 =	vmul.f32 v58, v3;
	[tilespmem:s28+$0xD2C0] =	vst v61;
	v9 =	vadd.f32 v9, v50  }
0xda: {  	v23 =	vadd.f32 v21, v45;
	v19 =	vmul.f32 v56, v3;
	v12 =	vld [tilespmem:s24+$0x540]  }
0xdb: {  	v16 =	vmul.f32 v16, v3;
	v10 =	vadd.f32 v10, v47;
	[tilespmem:s28+$0xD2E0] =	vst v9;
	v20 =	vmul.f32 v60, v3  }
0xdc: {  	[tilespmem:s28+$0xD330] =	vst v23;
	v7 =	vmul.f32 v7, v3;
	v62 =	vadd.f32 v19, v4;
	v22 =	vld [tilespmem:s24+$0x560]  }
0xdd: {  	v28 =	vld [tilespmem:s24+$0x5B0];
	v5 =	vadd.f32 v16, v5;
	[tilespmem:s28+$0xD2D0] =	vst v10;
	v16 =	vadd.f32 v20, v51  }
0xde: {  	v6 =	vadd.f32 v7, v6;
	[tilespmem:s28+$0xE200] =	vst v62;
	v10 =	vld [tilespmem:s24+$0x550]  }
0xdf: {  	v17 =	vld [tilespmem:s24+$0x2280];
	v12 =	vmul.f32 v12, v3;
	[tilespmem:s28+$0xD2F0] =	vst v16  }
0xe0: {  	[tilespmem:s28+$0xD3A0] =	vst v6;
	v16 =	vld [tilespmem:s24+$0x570]  }
0xe1: {  	v25 =	vld [tilespmem:s24+$0x2220];
	[tilespmem:s28+$0xD390] =	vst v5;
	v26 =	vadd.f32 v12, v46;
	v7 =	vmul.f32 v22, v3  }
0xe2: {  	v24 =	vld [tilespmem:s24+$0x2210]  }
0xe3: {  	v5 =	vld [tilespmem:s5+$0x18A10];
	v10 =	vmul.f32 v10, v3;
	[tilespmem:s28+$0xD340] =	vst v26;
	v7 =	vadd.f32 v7, v50  }
0xe4: {  	v27 =	vmul.f32 v17, v3;
	v17 =	vmul.f32 v28, v3;
	v31 =	vld [tilespmem:s24+$0x5C0]  }
0xe5: {  	v6 =	vld [tilespmem:s5+$0x18A20];
	v29 =	vadd.f32 v10, v47;
	[tilespmem:s28+$0xD360] =	vst v7;
	v16 =	vmul.f32 v16, v3  }
0xe6: {  	v13 =	vadd.f32 v17, v45;
	v36 =	vld [tilespmem:s24+$0x5E0]  }
0xe7: {  	v18 =	vmul.f32 v24, v3;
	[tilespmem:s28+$0xD350] =	vst v29;
	v16 =	vadd.f32 v16, v51  }
0xe8: {  	v32 =	vmul.f32 v25, v3;
	[tilespmem:s28+$0xD3B0] =	vst v13;
	v33 =	vld [tilespmem:s24+$0x5D0]  }
0xe9: {  	v18 =	vadd.f32 v18, v5;
	v13 =	vld [tilespmem:s24+$0x2230];
	v12 =	vmul.f32 v31, v3;
	[tilespmem:s28+$0xD370] =	vst v16  }
0xea: {  	v35 =	vadd.f32 v32, v6;
	v16 =	vld [tilespmem:s24+$0x5F0]  }
0xeb: {  	[tilespmem:s28+$0xE210] =	vst v18;
	v38 =	vld [tilespmem:s5+$0x18A30];
	v12 =	vadd.f32 v12, v46;
	v9 =	vmul.f32 v36, v3  }
0xec: {  	[tilespmem:s28+$0xE220] =	vst v35;
	v37 =	vld [tilespmem:s24+$0x2290]  }
0xed: {  	v7 =	vld [tilespmem:s24+$0x22A0];
	v10 =	vmul.f32 v33, v3;
	[tilespmem:s28+$0xD3C0] =	vst v12;
	v8 =	vadd.f32 v9, v50  }
0xee: {  	v12 =	vld [tilespmem:s24+$0x2240]  }
0xef: {  	v10 =	vadd.f32 v10, v47;
	v40 =	vld [tilespmem:s5+$0x18A40];
	[tilespmem:s28+$0xD3E0] =	vst v8;
	v39 =	vmul.f32 v16, v3  }
0xf0: {  	v43 =	vmul.f32 v13, v3;
	v8 =	vld [tilespmem:s24+$0x2260]  }
0xf1: {  	[tilespmem:s28+$0xD3D0] =	vst v10;
	v49 =	vld [tilespmem:s5+$0x18A60];
	v42 =	vadd.f32 v39, v51  }
0xf2: {  	v45 =	vadd.f32 v43, v38;
	v41 =	vld [tilespmem:s24+$0x2250]  }
0xf3: {  	v48 =	vmul.f32 v37, v3;
	v44 =	vld [tilespmem:s5+$0x18A50];
	[tilespmem:s28+$0xD3F0] =	vst v42  }
0xf4: {  	v30 =	vadd.f32 v27, v4;
	[tilespmem:s28+$0xE230] =	vst v45;
	v46 =	vmul.f32 v12, v3;
	v47 =	vld [tilespmem:s24+$0x2270]  }
0xf5: {  	v14 =	vadd.f32 v48, v5;
	v7 =	vmul.f32 v7, v3;
	v52 =	vld [tilespmem:s24+$0x22B0]  }
0xf6: {  	[tilespmem:s28+$0xE280] =	vst v30;
	v50 =	vadd.f32 v46, v40;
	v8 =	vmul.f32 v8, v3;
	v51 =	vld [tilespmem:s5+$0x18A70]  }
0xf7: {  	v34 =	vld [tilespmem:s24+$0x2300];
	[tilespmem:s28+$0xE290] =	vst v14;
	v7 =	vadd.f32 v7, v6;
	v9 =	vmul.f32 v41, v3  }
0xf8: {  	v14 =	vld [tilespmem:s24+$0x2310];
	[tilespmem:s28+$0xE240] =	vst v50;
	v8 =	vadd.f32 v8, v49  }
0xf9: {  	[tilespmem:s28+$0xE2A0] =	vst v7;
	v9 =	vadd.f32 v9, v44;
	v10 =	vld [tilespmem:s24+$0x22C0];
	v12 =	vmul.f32 v47, v3  }
0xfa: {  	v59 =	vld [tilespmem:s24+$0x2320];
	[tilespmem:s28+$0xE260] =	vst v8  }
0xfb: {  	v18 =	vmul.f32 v52, v3;
	[tilespmem:s28+$0xE250] =	vst v9;
	v56 =	vld [tilespmem:s24+$0x22E0];
	v12 =	vadd.f32 v12, v51  }
0xfc: {  	v53 =	vmul.f32 v34, v3;
	v54 =	vld [tilespmem:s24+$0x22D0]  }
0xfd: {  	v57 =	vadd.f32 v18, v38;
	[tilespmem:s28+$0xE270] =	vst v12  }
0xfe: {  	v55 =	vadd.f32 v53, v4;
	v10 =	vmul.f32 v10, v3;
	v12 =	vld [tilespmem:s24+$0x22F0]  }
0xff: {  	v58 =	vmul.f32 v14, v3;
	[tilespmem:s28+$0xE2B0] =	vst v57;
	v14 =	vmul.f32 v59, v3  }
0x100: {  	[tilespmem:s28+$0xE300] =	vst v55;
	v63 =	vld [tilespmem:s24+$0x2330];
	v61 =	vadd.f32 v10, v40;
	v9 =	vmul.f32 v56, v3  }
0x101: {  	v60 =	vld [tilespmem:s24+$0x2380];
	v14 =	vadd.f32 v14, v6;
	v62 =	vmul.f32 v54, v3  }
0x102: {  	[tilespmem:s28+$0xE2C0] =	vst v61;
	v25 =	vadd.f32 v9, v49  }
0x103: {  	[tilespmem:s28+$0xE320] =	vst v14;
	v21 =	vadd.f32 v62, v44;
	v22 =	vld [tilespmem:s24+$0x2340];
	v23 =	vmul.f32 v12, v3  }
0x104: {  	v8 =	vadd.f32 v58, v5;
	v14 =	vld [tilespmem:s24+$0x23A0];
	[tilespmem:s28+$0xE2E0] =	vst v25  }
0x105: {  	v19 =	vmul.f32 v63, v3;
	[tilespmem:s28+$0xE2D0] =	vst v21;
	v7 =	vld [tilespmem:s24+$0x2360];
	v10 =	vadd.f32 v23, v51  }
0x106: {  	v26 =	vmul.f32 v60, v3;
	[tilespmem:s28+$0xE310] =	vst v8;
	v27 =	vld [tilespmem:s24+$0x2350]  }
0x107: {  	v24 =	vld [tilespmem:s24+$0x2390];
	v28 =	vadd.f32 v19, v38;
	[tilespmem:s28+$0xE2F0] =	vst v10  }
0x108: {  	v4 =	vadd.f32 v26, v4;
	v8 =	vmul.f32 v22, v3;
	v10 =	vld [tilespmem:s24+$0x2370]  }
0x109: {  	[tilespmem:s28+$0xE330] =	vst v28;
	v14 =	vmul.f32 v14, v3  }
0x10a: {  	[tilespmem:s28+$0xE380] =	vst v4;
	v30 =	vld [tilespmem:s24+$0x23B0];
	v8 =	vadd.f32 v8, v40;
	v7 =	vmul.f32 v7, v3  }
0x10b: {  	v4 =	vld [tilespmem:s5+$0x18E00];
	v6 =	vadd.f32 v14, v6;
	v29 =	vmul.f32 v27, v3  }
0x10c: {  	v31 =	vld [tilespmem:s24+$0x2400];
	[tilespmem:s28+$0xE340] =	vst v8;
	v7 =	vadd.f32 v7, v49  }
0x10d: {  	[tilespmem:s28+$0xE3A0] =	vst v6;
	v12 =	vmul.f32 v24, v3;
	v32 =	vadd.f32 v29, v44;
	v33 =	vld [tilespmem:s24+$0x23C0];
	v10 =	vmul.f32 v10, v3  }
0x10e: {  	v36 =	vld [tilespmem:s24+$0x2420];
	[tilespmem:s28+$0xE360] =	vst v7  }
0x10f: {  	v5 =	vadd.f32 v12, v5;
	v12 =	vmul.f32 v30, v3;
	[tilespmem:s28+$0xE350] =	vst v32;
	v7 =	vld [tilespmem:s24+$0x23E0];
	v10 =	vadd.f32 v10, v51  }
0x110: {  	v8 =	vld [tilespmem:s24+$0x23D0]  }
0x111: {  	v35 =	vadd.f32 v12, v38;
	v12 =	vld [tilespmem:s5+$0x18E20];
	[tilespmem:s28+$0xE370] =	vst v10  }
0x112: {  	[tilespmem:s28+$0xE390] =	vst v5;
	v9 =	vmul.f32 v33, v3;
	v10 =	vld [tilespmem:s24+$0x23F0]  }
0x113: {  	v5 =	vld [tilespmem:s5+$0x18E10]  }
0x114: {  	v34 =	vld [tilespmem:s24+$0x2410];
	[tilespmem:s28+$0xE3B0] =	vst v35;
	v37 =	vadd.f32 v9, v40;
	v7 =	vmul.f32 v7, v3  }
0x115: {  	v38 =	vld [tilespmem:s24+$0x2430];
	v8 =	vmul.f32 v8, v3  }
0x116: {  	v9 =	vld [tilespmem:s5+$0x18E30];
	[tilespmem:s28+$0xE3C0] =	vst v37;
	v41 =	vadd.f32 v7, v49  }
0x117: {  	v39 =	vadd.f32 v8, v44;
	v8 =	vld [tilespmem:s5+$0x18E40];
	v10 =	vmul.f32 v10, v3  }
0x118: {  	v40 =	vld [tilespmem:s24+$0x2440];
	[tilespmem:s28+$0xE3E0] =	vst v41  }
0x119: {  	[tilespmem:s28+$0xE3D0] =	vst v39;
	v45 =	vld [tilespmem:s24+$0x2460];
	v10 =	vadd.f32 v10, v51  }
0x11a: {  	v42 =	vmul.f32 v31, v3;
	v43 =	vld [tilespmem:s24+$0x2450]  }
0x11b: {  	v44 =	vmul.f32 v34, v3;
	v7 =	vld [tilespmem:s5+$0x18E50];
	[tilespmem:s28+$0xE3F0] =	vst v10  }
0x11c: {  	v46 =	vadd.f32 v42, v4;
	v47 =	vmul.f32 v36, v3;
	v48 =	vld [tilespmem:s24+$0x2470]  }
0x11d: {  	v15 =	vmul.f32 v38, v3;
	v6 =	vadd.f32 v44, v5;
	v18 =	vld [tilespmem:s5+$0x18E60]  }
0x11e: {  	[tilespmem:s28+$0xF200] =	vst v46;
	v49 =	vadd.f32 v47, v12;
	v50 =	vmul.f32 v40, v3;
	v13 =	vld [tilespmem:s5+$0x18E70]  }
0x11f: {  	v52 =	vadd.f32 v15, v9;
	[tilespmem:s28+$0xF210] =	vst v6;
	v51 =	vld [tilespmem:s24+$0x2480];
	v53 =	vmul.f32 v43, v3  }
0x120: {  	[tilespmem:s28+$0xF220] =	vst v49;
	v54 =	vld [tilespmem:s24+$0x2490];
	v55 =	vadd.f32 v50, v8;
	v56 =	vmul.f32 v45, v3  }
0x121: {  	v57 =	vld [tilespmem:s24+$0x24A0];
	[tilespmem:s28+$0xF230] =	vst v52;
	v58 =	vadd.f32 v53, v7;
	v14 =	vmul.f32 v48, v3  }
0x122: {  	v59 =	vld [tilespmem:s24+$0x24B0];
	[tilespmem:s28+$0xF240] =	vst v55;
	v60 =	vadd.f32 v56, v18  }
0x123: {  	v61 =	vld [tilespmem:s24+$0x24C0];
	[tilespmem:s28+$0xF250] =	vst v58;
	v62 =	vadd.f32 v14, v13  }
0x124: {  	v63 =	vmul.f32 v51, v3;
	[tilespmem:s28+$0xF260] =	vst v60;
	v21 =	vld [tilespmem:s24+$0x24D0]  }
0x125: {  	v22 =	vmul.f32 v54, v3;
	v23 =	vld [tilespmem:s24+$0x24E0];
	[tilespmem:s28+$0xF270] =	vst v62  }
0x126: {  	v25 =	vmul.f32 v57, v3;
	v24 =	vadd.f32 v63, v4;
	v26 =	vld [tilespmem:s24+$0x24F0]  }
0x127: {  	v15 =	vmul.f32 v59, v3;
	v10 =	vadd.f32 v22, v5  }
0x128: {  	v27 =	vadd.f32 v25, v12;
	[tilespmem:s28+$0xF280] =	vst v24;
	v11 =	vmul.f32 v61, v3  }
0x129: {  	v29 =	vadd.f32 v15, v9;
	[tilespmem:s28+$0xF290] =	vst v10;
	v28 =	vld [tilespmem:s24+$0x2500];
	v30 =	vmul.f32 v21, v3  }
0x12a: {  	[tilespmem:s28+$0xF2A0] =	vst v27;
	v31 =	vld [tilespmem:s24+$0x2510];
	v32 =	vadd.f32 v11, v8;
	v33 =	vmul.f32 v23, v3  }
0x12b: {  	v34 =	vld [tilespmem:s24+$0x2520];
	[tilespmem:s28+$0xF2B0] =	vst v29;
	v35 =	vadd.f32 v30, v7;
	v36 =	vmul.f32 v26, v3  }
0x12c: {  	v37 =	vld [tilespmem:s24+$0x2530];
	[tilespmem:s28+$0xF2C0] =	vst v32;
	v38 =	vadd.f32 v33, v18  }
0x12d: {  	v39 =	vld [tilespmem:s24+$0x2540];
	[tilespmem:s28+$0xF2D0] =	vst v35;
	v40 =	vadd.f32 v36, v13  }
0x12e: {  	v14 =	vmul.f32 v28, v3;
	[tilespmem:s28+$0xF2E0] =	vst v38;
	v41 =	vld [tilespmem:s24+$0x2550]  }
0x12f: {  	v42 =	vmul.f32 v31, v3;
	v43 =	vld [tilespmem:s24+$0x2560];
	[tilespmem:s28+$0xF2F0] =	vst v40  }
0x130: {  	v45 =	vmul.f32 v34, v3;
	v44 =	vadd.f32 v14, v4;
	v46 =	vld [tilespmem:s24+$0x2570]  }
0x131: {  	v17 =	vmul.f32 v37, v3;
	v6 =	vadd.f32 v42, v5  }
0x132: {  	v47 =	vadd.f32 v45, v12;
	[tilespmem:s28+$0xF300] =	vst v44;
	v11 =	vmul.f32 v39, v3  }
0x133: {  	v49 =	vadd.f32 v17, v9;
	[tilespmem:s28+$0xF310] =	vst v6;
	v48 =	vld [tilespmem:s24+$0x2580];
	v15 =	vmul.f32 v41, v3  }
0x134: {  	[tilespmem:s28+$0xF320] =	vst v47;
	v50 =	vld [tilespmem:s24+$0x2590];
	v11 =	vadd.f32 v11, v8;
	v51 =	vmul.f32 v43, v3  }
0x135: {  	v52 =	vld [tilespmem:s24+$0x25A0];
	[tilespmem:s28+$0xF330] =	vst v49;
	v15 =	vadd.f32 v15, v7;
	v16 =	vmul.f32 v46, v3  }
0x136: {  	v53 =	vld [tilespmem:s24+$0x25B0];
	[tilespmem:s28+$0xF340] =	vst v11;
	v17 =	vadd.f32 v51, v18  }
0x137: {  	v54 =	vld [tilespmem:s24+$0x25C0];
	[tilespmem:s28+$0xF350] =	vst v15;
	v16 =	vadd.f32 v16, v13  }
0x138: {  	v6 =	vmul.f32 v48, v3;
	[tilespmem:s28+$0xF360] =	vst v17;
	v55 =	vld [tilespmem:s24+$0x25D0]  }
0x139: {  	v10 =	vmul.f32 v50, v3;
	v56 =	vld [tilespmem:s24+$0x25E0];
	[tilespmem:s28+$0xF370] =	vst v16  }
0x13a: {  	v57 =	vmul.f32 v52, v3;
	v4 =	vadd.f32 v6, v4;
	v58 =	vld [tilespmem:s24+$0x25F0]  }
0x13b: {  	v59 =	vmul.f32 v53, v3;
	v5 =	vadd.f32 v10, v5  }
0x13c: {  	[tilespmem:s28+$0xF380] =	vst v4;
	v4 =	vadd.f32 v57, v12;
	v60 =	vmul.f32 v54, v3  }
0x13d: {  	[tilespmem:s28+$0xF390] =	vst v5;
	v5 =	vadd.f32 v59, v9;
	v61 =	vmul.f32 v55, v3  }
0x13e: {  	p1 =	slt.u32 s5, $0x380;
	[tilespmem:s28+$0xF3A0] =	vst v4;
	v4 =	vadd.f32 v60, v8;
	v62 =	vmul.f32 v56, v3  }
.Ltmp2:
0x13f: {  	[tilespmem:s28+$0xF3B0] =	vst v5;
	v5 =	vadd.f32 v61, v7;
	v63 =	vmul.f32 v58, v3;
	(pc) =	sbr.rel @p1 .LBB2_3-.Ltmp2, $4  }
0x140: {  	[tilespmem:s28+$0xF3C0] =	vst v4;
	v4 =	vadd.f32 v62, v18  }
0x141: {  	[tilespmem:s28+$0xF3D0] =	vst v5;
	v5 =	vadd.f32 v63, v13  }
0x142: {  	s29 =	sadd.s32 $0x80, s5;
	[tilespmem:s28+$0xF3E0] =	vst v4  }
0x143: {  	s5 =	smov.u32 s29;
	[tilespmem:s28+$0xF3F0] =	vst v5  }
0x144: {  	s5 =	smul.u32 $0xC, s18;
	_ =	sdelay $0x1  }
0x145: {  	s5 =	sadd.s32 s6, s5  }
0x146: {  	s5 =	sshll.u32 s5, $0x9  }
0x147: {  	s24 =	simm.s32 $0xC200;
	p1 =	seq.s32 s18, $0xA;
	s5 =	sadd.s32 s3, s5  }
0x148: {  	[hbm4b:s5+s4] =	stream.linear.scatter [tilespmem:s24], [sflag:$0x4], $0x4000, $0x38;
	[tilespmem:$0x1B280] =	vst v63  }
0x149: {  	s5 =	sadd.s32 @!p1 $0x3, s7  }
0x14a: {  	s24 =	sshll.u32 @!p1 s5, $0x4  }
0x14b: {  	s24 =	sand.u32 @!p1 $0x3FFFFFF0, s24  }
0x14c: {  	v4 =	vld @!p1 [tilespmem:s24+$0x0];
	_ =	sdelay $0x4  }
0x14d: {  	v5 =	vshll.u32 @!p1 v4, $0x3  }
0x14e: {  	v6 =	vlaneseq.u32 @!p1;
	v4 =	vand.u32 @!p1 $0x7, v4;
	v5 =	vand.u32 @!p1 $0xFFFFFFC0, v5  }
0x14f: {  	v7 =	vshrl.u32 @!p1 v6, $0x3;
	v4 =	vor.u32 @!p1 v4, v5;
	v5 =	vand.u32 @!p1 $0x7, v6  }
0x150: {  	v7 =	vmul.u32 @!p1 $0x8, v7;
	v5 =	vperm.xlane @!p1 v4, v5;
	_ =	sdelay $0x1  }
0x151: {  	v5 =	vadd.s32 @!p1 v7, v5;
	_ =	sdelay $0x3  }
0x152: {  	vm1 =	vmmov @!p1 $0xffff;
	s28 =	simm.s32 @!p1 $0x200;
	s24 =	simm.s32 @!p1 $0x0  }
0x153: {  	v6 =	vor.u32 @!p1 $0x8, v6;
	[tilespmem:s28], [sflag:$0x1] =	stream.indirect_vreg.gather @!p1 [hbm4b:s1+s24], $0x80, v5, vm1, $0xb8;
	[tilespmem:$0x1B280] =	vst v63  }
0x154: {  	v4 =	vperm.xlane @!p1 v4, v6;
	s28 =	simm.s32 @!p1 $0xA00  }
0x155: {  	[tilespmem:s28], [sflag:$0x1] =	stream.indirect_vreg.gather @!p1 [hbm4b:s8+s24], $0x80, v5, vm1, $0xb8;
	[tilespmem:$0x1B280] =	vst v63  }
0x156: {  	v4 =	vadd.s32 @!p1 v7, v4;
	s28 =	simm.s32 @!p1 $0x1200  }
0x157: {  	[tilespmem:s28], [sflag:$0x1] =	stream.indirect_vreg.gather @!p1 [hbm4b:s9+s24], $0x80, v5, vm1, $0xb8;
	[tilespmem:$0x1B280] =	vst v63  }
0x158: {  	s28 =	simm.s32 @!p1 $0x1A00  }
0x159: {  	[tilespmem:s28], [sflag:$0x1] =	stream.indirect_vreg.gather @!p1 [hbm4b:s10+s24], $0x80, v5, vm1, $0xb8;
	[tilespmem:$0x1B280] =	vst v63  }
0x15a: {  	s28 =	simm.s32 @!p1 $0x2200  }
0x15b: {  	[tilespmem:s28], [sflag:$0x1] =	stream.indirect_vreg.gather @!p1 [hbm4b:s1+s24], $0x80, v4, vm1, $0xb8;
	[tilespmem:$0x1B280] =	vst v63  }
0x15c: {  	s28 =	simm.s32 @!p1 $0x2A00  }
0x15d: {  	[tilespmem:s28], [sflag:$0x1] =	stream.indirect_vreg.gather @!p1 [hbm4b:s8+s24], $0x80, v4, vm1, $0xb8;
	[tilespmem:$0x1B280] =	vst v63  }
0x15e: {  	s28 =	simm.s32 @!p1 $0x3200  }
0x15f: {  	[tilespmem:s28], [sflag:$0x1] =	stream.indirect_vreg.gather @!p1 [hbm4b:s9+s24], $0x80, v4, vm1, $0xb8;
	[tilespmem:$0x1B280] =	vst v63  }
0x160: {  	p2 =	seq.s32 @!p1 s18, $0x0;
	s5 =	sshll.u32 @!p1 s5, $0x9;
	s28 =	simm.s32 @!p1 $0x3A00  }
0x161: {  	[tilespmem:s28], [sflag:$0x1] =	stream.indirect_vreg.gather @!p1 [hbm4b:s10+s24], $0x80, v4, vm1, $0xb8;
	[tilespmem:$0x1B280] =	vst v63  }
0x162: {  	p2 =	por p1, !p2;
	s5 =	sadd.s32 @!p1 s5, s11;
	s28 =	simm.s32 @!p1 $0x18200  }
0x163: {  	[tilespmem:s28], [sflag:$0x7] =	stream.linear.gather @!p1 [hbm4b:s5+s24], $0x1000, $0x38;
	[tilespmem:$0x1B280] =	vst v63  }
0x164: {  	_ =	swait.ge @p2 [sflag:s12], $0x4000  }
0x165: {  	[sflag:s12] =	ssyncset.done @p2 $0x0  }
0x166: {  	[sflag:s12] =	ssyncadd.s32 @p2 $0xFFFFC000  }
0x167: {  	_ =	swait.ge [sflag:s22], $0x4000  }
0x168: {  	[sflag:s22] =	ssyncset.done $0x0  }
0x169: {  	[sflag:s22] =	ssyncadd.s32 $0xFFFFC000  }
0x16a: {  	_ =	swait.ge [sflag:s23], $0x1000  }
0x16b: {  	[sflag:s23] =	ssyncset.done $0x0  }
0x16c: {  	s5 =	simm.s32 $0x0;
	[sflag:s23] =	ssyncadd.s32 $0xFFFFF000  }
.LBB2_5:
0x16d: {  	s24 =	sshll.u32 s5, $0x3  }
0x16e: {  	s24 =	sand.u32 $0x3FFFFFF8, s24  }
0x16f: {  	v4 =	vld [tilespmem:s24+$0x4200];
	_ =	sdelay $0x1  }
0x170: {  	v5 =	vld [tilespmem:s5+$0x19200];
	_ =	sdelay $0x2  }
0x171: {  	v4 =	vmul.f32 v4, v3;
	_ =	sdelay $0x1  }
0x172: {  	s28 =	sshll.u32 s5, $0x2;
	v4 =	vadd.f32 v4, v5  }
0x173: {  	s28 =	sand.u32 $0x3FFFFFFC, s28  }
0x174: {  	[tilespmem:s28+$0x10200] =	vst v4  }
0x175: {  	v4 =	vld [tilespmem:s24+$0x4280];
	_ =	sdelay $0x1  }
0x176: {  	v6 =	vld [tilespmem:s24+$0x4210];
	_ =	sdelay $0x1  }
0x177: {  	v8 =	vld [tilespmem:s5+$0x19210]  }
0x178: {  	v10 =	vld [tilespmem:s24+$0x4230];
	v4 =	vmul.f32 v4, v3;
	_ =	sdelay $0x1  }
0x179: {  	v11 =	vld [tilespmem:s5+$0x19230];
	v6 =	vmul.f32 v6, v3;
	v4 =	vadd.f32 v4, v5;
	_ =	sdelay $0x1  }
0x17a: {  	v7 =	vld [tilespmem:s24+$0x4220];
	[tilespmem:s28+$0x10280] =	vst v4;
	v4 =	vadd.f32 v6, v8  }
0x17b: {  	v10 =	vmul.f32 v10, v3;
	v42 =	vld [tilespmem:s24+$0x4300]  }
0x17c: {  	v9 =	vld [tilespmem:s5+$0x19220];
	[tilespmem:s28+$0x10210] =	vst v4  }
0x17d: {  	v10 =	vadd.f32 v10, v11;
	v4 =	vld [tilespmem:s24+$0x4290];
	_ =	sdelay $0x1  }
0x17e: {  	v7 =	vmul.f32 v7, v3;
	[tilespmem:s28+$0x10230] =	vst v10  }
0x17f: {  	v19 =	vld [tilespmem:s24+$0x42B0];
	v6 =	vmul.f32 v42, v3  }
0x180: {  	v7 =	vadd.f32 v7, v9  }
0x181: {  	v15 =	vld [tilespmem:s5+$0x19250];
	v6 =	vadd.f32 v6, v5;
	v4 =	vmul.f32 v4, v3  }
0x182: {  	v14 =	vld [tilespmem:s24+$0x4250];
	[tilespmem:s28+$0x10220] =	vst v7  }
0x183: {  	v7 =	vld [tilespmem:s24+$0x42A0];
	[tilespmem:s28+$0x10300] =	vst v6;
	v4 =	vadd.f32 v4, v8  }
0x184: {  	v55 =	vmul.f32 v19, v3;
	v6 =	vld [tilespmem:s24+$0x4380]  }
0x185: {  	v13 =	vld [tilespmem:s5+$0x19240];
	[tilespmem:s28+$0x10290] =	vst v4  }
0x186: {  	v57 =	vadd.f32 v55, v11;
	v4 =	vld [tilespmem:s24+$0x4310]  }
0x187: {  	v18 =	vld [tilespmem:s5+$0x19260];
	v46 =	vmul.f32 v14, v3  }
0x188: {  	v16 =	vld [tilespmem:s24+$0x4260];
	v7 =	vmul.f32 v7, v3;
	[tilespmem:s28+$0x102B0] =	vst v57  }
0x189: {  	v48 =	vadd.f32 v46, v15;
	v63 =	vld [tilespmem:s24+$0x4330];
	v6 =	vmul.f32 v6, v3  }
0x18a: {  	v12 =	vld [tilespmem:s24+$0x4240];
	v7 =	vadd.f32 v7, v9  }
0x18b: {  	v47 =	vld [tilespmem:s5+$0x19270];
	[tilespmem:s28+$0x10250] =	vst v48;
	v5 =	vadd.f32 v6, v5;
	v4 =	vmul.f32 v4, v3  }
0x18c: {  	v17 =	vld [tilespmem:s24+$0x4270];
	[tilespmem:s28+$0x102A0] =	vst v7  }
0x18d: {  	v49 =	vmul.f32 v16, v3;
	v7 =	vld [tilespmem:s24+$0x4320];
	[tilespmem:s28+$0x10380] =	vst v5;
	v5 =	vadd.f32 v4, v8  }
0x18e: {  	v54 =	vld [tilespmem:s24+$0x42D0];
	v16 =	vmul.f32 v63, v3  }
0x18f: {  	v12 =	vmul.f32 v12, v3;
	v53 =	vadd.f32 v49, v18;
	v44 =	vld [tilespmem:s24+$0x4400];
	[tilespmem:s28+$0x10310] =	vst v5  }
0x190: {  	v31 =	vadd.f32 v16, v11;
	v5 =	vld [tilespmem:s24+$0x4390]  }
0x191: {  	v45 =	vadd.f32 v12, v13;
	[tilespmem:s28+$0x10260] =	vst v53;
	v4 =	vld [tilespmem:s5+$0x19600]  }
0x192: {  	v56 =	vld [tilespmem:s24+$0x42E0];
	v43 =	vmul.f32 v7, v3;
	[tilespmem:s28+$0x10330] =	vst v31  }
0x193: {  	[tilespmem:s28+$0x10240] =	vst v45;
	v35 =	vld [tilespmem:s24+$0x43B0]  }
0x194: {  	v50 =	vld [tilespmem:s24+$0x42C0];
	v6 =	vadd.f32 v43, v9;
	v7 =	vmul.f32 v44, v3  }
0x195: {  	v51 =	vmul.f32 v17, v3;
	v5 =	vmul.f32 v5, v3  }
0x196: {  	v61 =	vmul.f32 v54, v3;
	[tilespmem:s28+$0x10320] =	vst v6;
	v7 =	vadd.f32 v7, v4  }
0x197: {  	v22 =	vmul.f32 v56, v3;
	v6 =	vld [tilespmem:s24+$0x43A0];
	v5 =	vadd.f32 v5, v8;
	v8 =	vadd.f32 v51, v47  }
0x198: {  	v21 =	vadd.f32 v61, v15;
	v19 =	vmul.f32 v35, v3;
	[tilespmem:s28+$0x11200] =	vst v7  }
0x199: {  	v25 =	vadd.f32 v22, v18;
	v7 =	vmul.f32 v50, v3;
	[tilespmem:s28+$0x10270] =	vst v8  }
0x19a: {  	[tilespmem:s28+$0x102D0] =	vst v21;
	v40 =	vadd.f32 v19, v11;
	v58 =	vld [tilespmem:s24+$0x42F0]  }
0x19b: {  	[tilespmem:s28+$0x102E0] =	vst v25;
	v27 =	vld [tilespmem:s24+$0x4350];
	v7 =	vadd.f32 v7, v13  }
0x19c: {  	v30 =	vld [tilespmem:s24+$0x4360];
	[tilespmem:s28+$0x103B0] =	vst v40;
	v6 =	vmul.f32 v6, v3  }
0x19d: {  	v45 =	vld [tilespmem:s5+$0x19630];
	[tilespmem:s28+$0x102C0] =	vst v7  }
0x19e: {  	v6 =	vadd.f32 v6, v9;
	v24 =	vld [tilespmem:s24+$0x4340]  }
0x19f: {  	v52 =	vld [tilespmem:s24+$0x4480];
	v10 =	vmul.f32 v58, v3  }
0x1a0: {  	v44 =	vld [tilespmem:s24+$0x4430];
	[tilespmem:s28+$0x103A0] =	vst v6  }
0x1a1: {  	v9 =	vmul.f32 v27, v3;
	v60 =	vld [tilespmem:s24+$0x4420];
	[tilespmem:s28+$0x10390] =	vst v5;
	v10 =	vadd.f32 v10, v47  }
0x1a2: {  	v8 =	vmul.f32 v30, v3;
	v59 =	vld [tilespmem:s24+$0x4410]  }
0x1a3: {  	v9 =	vadd.f32 v9, v15;
	v5 =	vld [tilespmem:s5+$0x19610];
	v12 =	vmul.f32 v24, v3;
	[tilespmem:s28+$0x102F0] =	vst v10  }
0x1a4: {  	v8 =	vadd.f32 v8, v18;
	v62 =	vmul.f32 v52, v3;
	v32 =	vld [tilespmem:s24+$0x4370]  }
0x1a5: {  	v6 =	vld [tilespmem:s5+$0x19620];
	[tilespmem:s28+$0x10350] =	vst v9;
	v33 =	vadd.f32 v12, v13  }
0x1a6: {  	v9 =	vld [tilespmem:s24+$0x43D0];
	[tilespmem:s28+$0x10360] =	vst v8;
	v23 =	vadd.f32 v62, v4  }
0x1a7: {  	v8 =	vld [tilespmem:s24+$0x43E0];
	v17 =	vmul.f32 v59, v3;
	[tilespmem:s28+$0x10340] =	vst v33  }
0x1a8: {  	v11 =	vmul.f32 v44, v3;
	[tilespmem:s28+$0x11280] =	vst v23;
	v37 =	vld [tilespmem:s24+$0x43C0]  }
0x1a9: {  	v17 =	vadd.f32 v17, v5;
	v28 =	vld [tilespmem:s24+$0x4500];
	v16 =	vmul.f32 v32, v3  }
0x1aa: {  	v11 =	vadd.f32 v11, v45;
	v26 =	vmul.f32 v60, v3  }
0x1ab: {  	v9 =	vmul.f32 v9, v3;
	[tilespmem:s28+$0x11210] =	vst v17;
	v38 =	vadd.f32 v16, v47  }
0x1ac: {  	[tilespmem:s28+$0x11230] =	vst v11;
	v29 =	vadd.f32 v26, v6;
	v8 =	vmul.f32 v8, v3;
	v17 =	vld [tilespmem:s24+$0x4490]  }
0x1ad: {  	v52 =	vld [tilespmem:s24+$0x44B0];
	v9 =	vadd.f32 v9, v15;
	v41 =	vmul.f32 v37, v3;
	[tilespmem:s28+$0x10370] =	vst v38  }
0x1ae: {  	[tilespmem:s28+$0x11220] =	vst v29;
	v8 =	vadd.f32 v8, v18;
	v34 =	vmul.f32 v28, v3;
	v42 =	vld [tilespmem:s24+$0x43F0]  }
0x1af: {  	v7 =	vld [tilespmem:s24+$0x44A0];
	[tilespmem:s28+$0x103D0] =	vst v9;
	v43 =	vadd.f32 v41, v13  }
0x1b0: {  	v9 =	vld [tilespmem:s24+$0x4450];
	[tilespmem:s28+$0x103E0] =	vst v8;
	v36 =	vadd.f32 v34, v4  }
0x1b1: {  	v49 =	vld [tilespmem:s24+$0x4460];
	v17 =	vmul.f32 v17, v3;
	[tilespmem:s28+$0x103C0] =	vst v43  }
0x1b2: {  	[tilespmem:s28+$0x11300] =	vst v36;
	v10 =	vld [tilespmem:s24+$0x4440]  }
0x1b3: {  	v17 =	vadd.f32 v17, v5;
	v39 =	vld [tilespmem:s24+$0x4580];
	v12 =	vmul.f32 v42, v3  }
0x1b4: {  	v7 =	vmul.f32 v7, v3;
	v46 =	vld [tilespmem:s5+$0x19640]  }
0x1b5: {  	v50 =	vld [tilespmem:s5+$0x19660];
	[tilespmem:s28+$0x11290] =	vst v17;
	v12 =	vadd.f32 v12, v47  }
0x1b6: {  	v18 =	vmul.f32 v52, v3;
	v7 =	vadd.f32 v7, v6;
	v17 =	vld [tilespmem:s24+$0x4510]  }
0x1b7: {  	v47 =	vld [tilespmem:s5+$0x19650];
	v10 =	vmul.f32 v10, v3;
	[tilespmem:s28+$0x103F0] =	vst v12  }
0x1b8: {  	v59 =	vadd.f32 v18, v45;
	[tilespmem:s28+$0x112A0] =	vst v7;
	v48 =	vmul.f32 v39, v3;
	v12 =	vld [tilespmem:s24+$0x4470]  }
0x1b9: {  	v7 =	vld [tilespmem:s24+$0x4520];
	v53 =	vmul.f32 v49, v3;
	v10 =	vadd.f32 v10, v46  }
0x1ba: {  	v9 =	vmul.f32 v9, v3;
	[tilespmem:s28+$0x112B0] =	vst v59;
	v4 =	vadd.f32 v48, v4;
	v51 =	vld [tilespmem:s5+$0x19670]  }
0x1bb: {  	v63 =	vld [tilespmem:s24+$0x4530];
	v57 =	vadd.f32 v53, v50;
	[tilespmem:s28+$0x11240] =	vst v10  }
0x1bc: {  	v17 =	vmul.f32 v17, v3;
	[tilespmem:s28+$0x11380] =	vst v4;
	v9 =	vadd.f32 v9, v47;
	v55 =	vld [tilespmem:s24+$0x44C0]  }
0x1bd: {  	[tilespmem:s28+$0x11260] =	vst v57;
	v4 =	vld [tilespmem:s5+$0x19A00];
	v12 =	vmul.f32 v12, v3  }
0x1be: {  	v7 =	vmul.f32 v7, v3;
	v54 =	vadd.f32 v17, v5;
	[tilespmem:s28+$0x11250] =	vst v9;
	v9 =	vld [tilespmem:s24+$0x44E0]  }
0x1bf: {  	v56 =	vld [tilespmem:s24+$0x6200];
	v12 =	vadd.f32 v12, v51  }
0x1c0: {  	v7 =	vadd.f32 v7, v6;
	[tilespmem:s28+$0x11310] =	vst v54;
	v58 =	vld [tilespmem:s24+$0x44D0]  }
0x1c1: {  	v16 =	vld [tilespmem:s24+$0x4590];
	v17 =	vmul.f32 v55, v3;
	[tilespmem:s28+$0x11270] =	vst v12  }
0x1c2: {  	[tilespmem:s28+$0x11320] =	vst v7;
	v60 =	vld [tilespmem:s24+$0x44F0]  }
0x1c3: {  	v7 =	vld [tilespmem:s24+$0x45A0];
	v61 =	vadd.f32 v17, v46;
	v9 =	vmul.f32 v9, v3  }
0x1c4: {  	v21 =	vmul.f32 v63, v3  }
0x1c5: {  	v10 =	vmul.f32 v58, v3;
	[tilespmem:s28+$0x112C0] =	vst v61;
	v9 =	vadd.f32 v9, v50  }
0x1c6: {  	v23 =	vadd.f32 v21, v45;
	v19 =	vmul.f32 v56, v3;
	v12 =	vld [tilespmem:s24+$0x4540]  }
0x1c7: {  	v16 =	vmul.f32 v16, v3;
	v10 =	vadd.f32 v10, v47;
	[tilespmem:s28+$0x112E0] =	vst v9;
	v20 =	vmul.f32 v60, v3  }
0x1c8: {  	[tilespmem:s28+$0x11330] =	vst v23;
	v7 =	vmul.f32 v7, v3;
	v62 =	vadd.f32 v19, v4;
	v22 =	vld [tilespmem:s24+$0x4560]  }
0x1c9: {  	v28 =	vld [tilespmem:s24+$0x45B0];
	v5 =	vadd.f32 v16, v5;
	[tilespmem:s28+$0x112D0] =	vst v10;
	v16 =	vadd.f32 v20, v51  }
0x1ca: {  	v6 =	vadd.f32 v7, v6;
	[tilespmem:s28+$0x12200] =	vst v62;
	v10 =	vld [tilespmem:s24+$0x4550]  }
0x1cb: {  	v17 =	vld [tilespmem:s24+$0x6280];
	v12 =	vmul.f32 v12, v3;
	[tilespmem:s28+$0x112F0] =	vst v16  }
0x1cc: {  	[tilespmem:s28+$0x113A0] =	vst v6;
	v16 =	vld [tilespmem:s24+$0x4570]  }
0x1cd: {  	v25 =	vld [tilespmem:s24+$0x6220];
	[tilespmem:s28+$0x11390] =	vst v5;
	v26 =	vadd.f32 v12, v46;
	v7 =	vmul.f32 v22, v3  }
0x1ce: {  	v24 =	vld [tilespmem:s24+$0x6210]  }
0x1cf: {  	v5 =	vld [tilespmem:s5+$0x19A10];
	v10 =	vmul.f32 v10, v3;
	[tilespmem:s28+$0x11340] =	vst v26;
	v7 =	vadd.f32 v7, v50  }
0x1d0: {  	v27 =	vmul.f32 v17, v3;
	v17 =	vmul.f32 v28, v3;
	v31 =	vld [tilespmem:s24+$0x45C0]  }
0x1d1: {  	v6 =	vld [tilespmem:s5+$0x19A20];
	v29 =	vadd.f32 v10, v47;
	[tilespmem:s28+$0x11360] =	vst v7;
	v16 =	vmul.f32 v16, v3  }
0x1d2: {  	v13 =	vadd.f32 v17, v45;
	v36 =	vld [tilespmem:s24+$0x45E0]  }
0x1d3: {  	v18 =	vmul.f32 v24, v3;
	[tilespmem:s28+$0x11350] =	vst v29;
	v16 =	vadd.f32 v16, v51  }
0x1d4: {  	v32 =	vmul.f32 v25, v3;
	[tilespmem:s28+$0x113B0] =	vst v13;
	v33 =	vld [tilespmem:s24+$0x45D0]  }
0x1d5: {  	v18 =	vadd.f32 v18, v5;
	v13 =	vld [tilespmem:s24+$0x6230];
	v12 =	vmul.f32 v31, v3;
	[tilespmem:s28+$0x11370] =	vst v16  }
0x1d6: {  	v35 =	vadd.f32 v32, v6;
	v16 =	vld [tilespmem:s24+$0x45F0]  }
0x1d7: {  	[tilespmem:s28+$0x12210] =	vst v18;
	v38 =	vld [tilespmem:s5+$0x19A30];
	v12 =	vadd.f32 v12, v46;
	v9 =	vmul.f32 v36, v3  }
0x1d8: {  	[tilespmem:s28+$0x12220] =	vst v35;
	v37 =	vld [tilespmem:s24+$0x6290]  }
0x1d9: {  	v7 =	vld [tilespmem:s24+$0x62A0];
	v10 =	vmul.f32 v33, v3;
	[tilespmem:s28+$0x113C0] =	vst v12;
	v8 =	vadd.f32 v9, v50  }
0x1da: {  	v12 =	vld [tilespmem:s24+$0x6240]  }
0x1db: {  	v10 =	vadd.f32 v10, v47;
	v40 =	vld [tilespmem:s5+$0x19A40];
	[tilespmem:s28+$0x113E0] =	vst v8;
	v39 =	vmul.f32 v16, v3  }
0x1dc: {  	v43 =	vmul.f32 v13, v3;
	v8 =	vld [tilespmem:s24+$0x6260]  }
0x1dd: {  	[tilespmem:s28+$0x113D0] =	vst v10;
	v49 =	vld [tilespmem:s5+$0x19A60];
	v42 =	vadd.f32 v39, v51  }
0x1de: {  	v45 =	vadd.f32 v43, v38;
	v41 =	vld [tilespmem:s24+$0x6250]  }
0x1df: {  	v48 =	vmul.f32 v37, v3;
	v44 =	vld [tilespmem:s5+$0x19A50];
	[tilespmem:s28+$0x113F0] =	vst v42  }
0x1e0: {  	v30 =	vadd.f32 v27, v4;
	[tilespmem:s28+$0x12230] =	vst v45;
	v46 =	vmul.f32 v12, v3;
	v47 =	vld [tilespmem:s24+$0x6270]  }
0x1e1: {  	v14 =	vadd.f32 v48, v5;
	v7 =	vmul.f32 v7, v3;
	v52 =	vld [tilespmem:s24+$0x62B0]  }
0x1e2: {  	[tilespmem:s28+$0x12280] =	vst v30;
	v50 =	vadd.f32 v46, v40;
	v8 =	vmul.f32 v8, v3;
	v51 =	vld [tilespmem:s5+$0x19A70]  }
0x1e3: {  	v34 =	vld [tilespmem:s24+$0x6300];
	[tilespmem:s28+$0x12290] =	vst v14;
	v7 =	vadd.f32 v7, v6;
	v9 =	vmul.f32 v41, v3  }
0x1e4: {  	v14 =	vld [tilespmem:s24+$0x6310];
	[tilespmem:s28+$0x12240] =	vst v50;
	v8 =	vadd.f32 v8, v49  }
0x1e5: {  	[tilespmem:s28+$0x122A0] =	vst v7;
	v9 =	vadd.f32 v9, v44;
	v10 =	vld [tilespmem:s24+$0x62C0];
	v12 =	vmul.f32 v47, v3  }
0x1e6: {  	v59 =	vld [tilespmem:s24+$0x6320];
	[tilespmem:s28+$0x12260] =	vst v8  }
0x1e7: {  	v18 =	vmul.f32 v52, v3;
	[tilespmem:s28+$0x12250] =	vst v9;
	v56 =	vld [tilespmem:s24+$0x62E0];
	v12 =	vadd.f32 v12, v51  }
0x1e8: {  	v53 =	vmul.f32 v34, v3;
	v54 =	vld [tilespmem:s24+$0x62D0]  }
0x1e9: {  	v57 =	vadd.f32 v18, v38;
	[tilespmem:s28+$0x12270] =	vst v12  }
0x1ea: {  	v55 =	vadd.f32 v53, v4;
	v10 =	vmul.f32 v10, v3;
	v12 =	vld [tilespmem:s24+$0x62F0]  }
0x1eb: {  	v58 =	vmul.f32 v14, v3;
	[tilespmem:s28+$0x122B0] =	vst v57;
	v14 =	vmul.f32 v59, v3  }
0x1ec: {  	[tilespmem:s28+$0x12300] =	vst v55;
	v63 =	vld [tilespmem:s24+$0x6330];
	v61 =	vadd.f32 v10, v40;
	v9 =	vmul.f32 v56, v3  }
0x1ed: {  	v60 =	vld [tilespmem:s24+$0x6380];
	v14 =	vadd.f32 v14, v6;
	v62 =	vmul.f32 v54, v3  }
0x1ee: {  	[tilespmem:s28+$0x122C0] =	vst v61;
	v25 =	vadd.f32 v9, v49  }
0x1ef: {  	[tilespmem:s28+$0x12320] =	vst v14;
	v21 =	vadd.f32 v62, v44;
	v22 =	vld [tilespmem:s24+$0x6340];
	v23 =	vmul.f32 v12, v3  }
0x1f0: {  	v8 =	vadd.f32 v58, v5;
	v14 =	vld [tilespmem:s24+$0x63A0];
	[tilespmem:s28+$0x122E0] =	vst v25  }
0x1f1: {  	v19 =	vmul.f32 v63, v3;
	[tilespmem:s28+$0x122D0] =	vst v21;
	v7 =	vld [tilespmem:s24+$0x6360];
	v10 =	vadd.f32 v23, v51  }
0x1f2: {  	v26 =	vmul.f32 v60, v3;
	[tilespmem:s28+$0x12310] =	vst v8;
	v27 =	vld [tilespmem:s24+$0x6350]  }
0x1f3: {  	v24 =	vld [tilespmem:s24+$0x6390];
	v28 =	vadd.f32 v19, v38;
	[tilespmem:s28+$0x122F0] =	vst v10  }
0x1f4: {  	v4 =	vadd.f32 v26, v4;
	v8 =	vmul.f32 v22, v3;
	v10 =	vld [tilespmem:s24+$0x6370]  }
0x1f5: {  	[tilespmem:s28+$0x12330] =	vst v28;
	v14 =	vmul.f32 v14, v3  }
0x1f6: {  	[tilespmem:s28+$0x12380] =	vst v4;
	v30 =	vld [tilespmem:s24+$0x63B0];
	v8 =	vadd.f32 v8, v40;
	v7 =	vmul.f32 v7, v3  }
0x1f7: {  	v4 =	vld [tilespmem:s5+$0x19E00];
	v6 =	vadd.f32 v14, v6;
	v29 =	vmul.f32 v27, v3  }
0x1f8: {  	v31 =	vld [tilespmem:s24+$0x6400];
	[tilespmem:s28+$0x12340] =	vst v8;
	v7 =	vadd.f32 v7, v49  }
0x1f9: {  	[tilespmem:s28+$0x123A0] =	vst v6;
	v12 =	vmul.f32 v24, v3;
	v32 =	vadd.f32 v29, v44;
	v33 =	vld [tilespmem:s24+$0x63C0];
	v10 =	vmul.f32 v10, v3  }
0x1fa: {  	v36 =	vld [tilespmem:s24+$0x6420];
	[tilespmem:s28+$0x12360] =	vst v7  }
0x1fb: {  	v5 =	vadd.f32 v12, v5;
	v12 =	vmul.f32 v30, v3;
	[tilespmem:s28+$0x12350] =	vst v32;
	v7 =	vld [tilespmem:s24+$0x63E0];
	v10 =	vadd.f32 v10, v51  }
0x1fc: {  	v8 =	vld [tilespmem:s24+$0x63D0]  }
0x1fd: {  	v35 =	vadd.f32 v12, v38;
	v12 =	vld [tilespmem:s5+$0x19E20];
	[tilespmem:s28+$0x12370] =	vst v10  }
0x1fe: {  	[tilespmem:s28+$0x12390] =	vst v5;
	v9 =	vmul.f32 v33, v3;
	v10 =	vld [tilespmem:s24+$0x63F0]  }
0x1ff: {  	v5 =	vld [tilespmem:s5+$0x19E10]  }
0x200: {  	v34 =	vld [tilespmem:s24+$0x6410];
	[tilespmem:s28+$0x123B0] =	vst v35;
	v37 =	vadd.f32 v9, v40;
	v7 =	vmul.f32 v7, v3  }
0x201: {  	v38 =	vld [tilespmem:s24+$0x6430];
	v8 =	vmul.f32 v8, v3  }
0x202: {  	v9 =	vld [tilespmem:s5+$0x19E30];
	[tilespmem:s28+$0x123C0] =	vst v37;
	v41 =	vadd.f32 v7, v49  }
0x203: {  	v39 =	vadd.f32 v8, v44;
	v8 =	vld [tilespmem:s5+$0x19E40];
	v10 =	vmul.f32 v10, v3  }
0x204: {  	v40 =	vld [tilespmem:s24+$0x6440];
	[tilespmem:s28+$0x123E0] =	vst v41  }
0x205: {  	[tilespmem:s28+$0x123D0] =	vst v39;
	v45 =	vld [tilespmem:s24+$0x6460];
	v10 =	vadd.f32 v10, v51  }
0x206: {  	v42 =	vmul.f32 v31, v3;
	v43 =	vld [tilespmem:s24+$0x6450]  }
0x207: {  	v44 =	vmul.f32 v34, v3;
	v7 =	vld [tilespmem:s5+$0x19E50];
	[tilespmem:s28+$0x123F0] =	vst v10  }
0x208: {  	v46 =	vadd.f32 v42, v4;
	v47 =	vmul.f32 v36, v3;
	v48 =	vld [tilespmem:s24+$0x6470]  }
0x209: {  	v15 =	vmul.f32 v38, v3;
	v6 =	vadd.f32 v44, v5;
	v18 =	vld [tilespmem:s5+$0x19E60]  }
0x20a: {  	[tilespmem:s28+$0x13200] =	vst v46;
	v49 =	vadd.f32 v47, v12;
	v50 =	vmul.f32 v40, v3;
	v13 =	vld [tilespmem:s5+$0x19E70]  }
0x20b: {  	v52 =	vadd.f32 v15, v9;
	[tilespmem:s28+$0x13210] =	vst v6;
	v51 =	vld [tilespmem:s24+$0x6480];
	v53 =	vmul.f32 v43, v3  }
0x20c: {  	[tilespmem:s28+$0x13220] =	vst v49;
	v54 =	vld [tilespmem:s24+$0x6490];
	v55 =	vadd.f32 v50, v8;
	v56 =	vmul.f32 v45, v3  }
0x20d: {  	v57 =	vld [tilespmem:s24+$0x64A0];
	[tilespmem:s28+$0x13230] =	vst v52;
	v58 =	vadd.f32 v53, v7;
	v14 =	vmul.f32 v48, v3  }
0x20e: {  	v59 =	vld [tilespmem:s24+$0x64B0];
	[tilespmem:s28+$0x13240] =	vst v55;
	v60 =	vadd.f32 v56, v18  }
0x20f: {  	v61 =	vld [tilespmem:s24+$0x64C0];
	[tilespmem:s28+$0x13250] =	vst v58;
	v62 =	vadd.f32 v14, v13  }
0x210: {  	v63 =	vmul.f32 v51, v3;
	[tilespmem:s28+$0x13260] =	vst v60;
	v21 =	vld [tilespmem:s24+$0x64D0]  }
0x211: {  	v22 =	vmul.f32 v54, v3;
	v23 =	vld [tilespmem:s24+$0x64E0];
	[tilespmem:s28+$0x13270] =	vst v62  }
0x212: {  	v25 =	vmul.f32 v57, v3;
	v24 =	vadd.f32 v63, v4;
	v26 =	vld [tilespmem:s24+$0x64F0]  }
0x213: {  	v15 =	vmul.f32 v59, v3;
	v10 =	vadd.f32 v22, v5  }
0x214: {  	v27 =	vadd.f32 v25, v12;
	[tilespmem:s28+$0x13280] =	vst v24;
	v11 =	vmul.f32 v61, v3  }
0x215: {  	v29 =	vadd.f32 v15, v9;
	[tilespmem:s28+$0x13290] =	vst v10;
	v28 =	vld [tilespmem:s24+$0x6500];
	v30 =	vmul.f32 v21, v3  }
0x216: {  	[tilespmem:s28+$0x132A0] =	vst v27;
	v31 =	vld [tilespmem:s24+$0x6510];
	v32 =	vadd.f32 v11, v8;
	v33 =	vmul.f32 v23, v3  }
0x217: {  	v34 =	vld [tilespmem:s24+$0x6520];
	[tilespmem:s28+$0x132B0] =	vst v29;
	v35 =	vadd.f32 v30, v7;
	v36 =	vmul.f32 v26, v3  }
0x218: {  	v37 =	vld [tilespmem:s24+$0x6530];
	[tilespmem:s28+$0x132C0] =	vst v32;
	v38 =	vadd.f32 v33, v18  }
0x219: {  	v39 =	vld [tilespmem:s24+$0x6540];
	[tilespmem:s28+$0x132D0] =	vst v35;
	v40 =	vadd.f32 v36, v13  }
0x21a: {  	v14 =	vmul.f32 v28, v3;
	[tilespmem:s28+$0x132E0] =	vst v38;
	v41 =	vld [tilespmem:s24+$0x6550]  }
0x21b: {  	v42 =	vmul.f32 v31, v3;
	v43 =	vld [tilespmem:s24+$0x6560];
	[tilespmem:s28+$0x132F0] =	vst v40  }
0x21c: {  	v45 =	vmul.f32 v34, v3;
	v44 =	vadd.f32 v14, v4;
	v46 =	vld [tilespmem:s24+$0x6570]  }
0x21d: {  	v17 =	vmul.f32 v37, v3;
	v6 =	vadd.f32 v42, v5  }
0x21e: {  	v47 =	vadd.f32 v45, v12;
	[tilespmem:s28+$0x13300] =	vst v44;
	v11 =	vmul.f32 v39, v3  }
0x21f: {  	v49 =	vadd.f32 v17, v9;
	[tilespmem:s28+$0x13310] =	vst v6;
	v48 =	vld [tilespmem:s24+$0x6580];
	v15 =	vmul.f32 v41, v3  }
0x220: {  	[tilespmem:s28+$0x13320] =	vst v47;
	v50 =	vld [tilespmem:s24+$0x6590];
	v11 =	vadd.f32 v11, v8;
	v51 =	vmul.f32 v43, v3  }
0x221: {  	v52 =	vld [tilespmem:s24+$0x65A0];
	[tilespmem:s28+$0x13330] =	vst v49;
	v15 =	vadd.f32 v15, v7;
	v16 =	vmul.f32 v46, v3  }
0x222: {  	v53 =	vld [tilespmem:s24+$0x65B0];
	[tilespmem:s28+$0x13340] =	vst v11;
	v17 =	vadd.f32 v51, v18  }
0x223: {  	v54 =	vld [tilespmem:s24+$0x65C0];
	[tilespmem:s28+$0x13350] =	vst v15;
	v16 =	vadd.f32 v16, v13  }
0x224: {  	v6 =	vmul.f32 v48, v3;
	[tilespmem:s28+$0x13360] =	vst v17;
	v55 =	vld [tilespmem:s24+$0x65D0]  }
0x225: {  	v10 =	vmul.f32 v50, v3;
	v56 =	vld [tilespmem:s24+$0x65E0];
	[tilespmem:s28+$0x13370] =	vst v16  }
0x226: {  	v57 =	vmul.f32 v52, v3;
	v4 =	vadd.f32 v6, v4;
	v58 =	vld [tilespmem:s24+$0x65F0]  }
0x227: {  	v59 =	vmul.f32 v53, v3;
	v5 =	vadd.f32 v10, v5  }
0x228: {  	[tilespmem:s28+$0x13380] =	vst v4;
	v4 =	vadd.f32 v57, v12;
	v60 =	vmul.f32 v54, v3  }
0x229: {  	[tilespmem:s28+$0x13390] =	vst v5;
	v5 =	vadd.f32 v59, v9;
	v61 =	vmul.f32 v55, v3  }
0x22a: {  	p2 =	slt.u32 s5, $0x380;
	[tilespmem:s28+$0x133A0] =	vst v4;
	v4 =	vadd.f32 v60, v8;
	v62 =	vmul.f32 v56, v3  }
.Ltmp3:
0x22b: {  	[tilespmem:s28+$0x133B0] =	vst v5;
	v5 =	vadd.f32 v61, v7;
	v63 =	vmul.f32 v58, v3;
	(pc) =	sbr.rel @p2 .LBB2_5-.Ltmp3, $4  }
0x22c: {  	[tilespmem:s28+$0x133C0] =	vst v4;
	v4 =	vadd.f32 v62, v18  }
0x22d: {  	[tilespmem:s28+$0x133D0] =	vst v5;
	v5 =	vadd.f32 v63, v13  }
0x22e: {  	s29 =	sadd.s32 $0x80, s5;
	[tilespmem:s28+$0x133E0] =	vst v4  }
0x22f: {  	s5 =	smov.u32 s29;
	[tilespmem:s28+$0x133F0] =	vst v5  }
0x230: {  	s5 =	smul.u32 $0xC000, s18  }
.Ltmp4:
0x231: {  	_ = 	snop;
	(pc) =	sbr.rel @p1 .LBB2_10-.Ltmp4, $4  }
0x232: {  	s24 =	sadd.s32 s14, s5  }
0x233: {  	s24 =	sshrl.u32 s24, $0x3  }
0x234: {  	s28 =	simm.s32 $0x10200;
	s24 =	sadd.s32 s3, s24  }
0x235: {  	[hbm4b:s24+s4] =	stream.linear.scatter [tilespmem:s28], [sflag:$0x5], $0x4000, $0x38;
	[tilespmem:$0x1B280] =	vst v63  }
0x236: {  	s24 =	sadd.s32 $0x4, s7  }
0x237: {  	s28 =	sshll.u32 s24, $0x4  }
0x238: {  	s28 =	sand.u32 $0x3FFFFFF0, s28  }
0x239: {  	v4 =	vld [tilespmem:s28+$0x0];
	_ =	sdelay $0x4  }
0x23a: {  	v5 =	vshll.u32 v4, $0x3  }
0x23b: {  	v4 =	vand.u32 $0x7, v4;
	v5 =	vand.u32 $0xFFFFFFC0, v5  }
0x23c: {  	v4 =	vor.u32 v4, v5  }
0x23d: {  	v5 =	vperm.xlane v4, v0;
	_ =	sdelay $0x1  }
0x23e: {  	v5 =	vadd.s32 v1, v5;
	_ =	sdelay $0x3  }
0x23f: {  	s28 =	simm.s32 $0x4200  }
0x240: {  	[tilespmem:s28], [sflag:$0x2] =	stream.indirect_vreg.gather [hbm4b:s1+s4], $0x80, v5, vm0, $0xb8;
	[tilespmem:$0x1B280] =	vst v63  }
0x241: {  	v4 =	vperm.xlane v4, v2  }
0x242: {  	[tilespmem:s30], [sflag:$0x2] =	stream.indirect_vreg.gather [hbm4b:s8+s4], $0x80, v5, vm0, $0xb8;
	[tilespmem:$0x1B280] =	vst v63  }
0x243: {  	v4 =	vadd.s32 v1, v4  }
0x244: {  	[tilespmem:s31], [sflag:$0x2] =	stream.indirect_vreg.gather [hbm4b:s9+s4], $0x80, v5, vm0, $0xb8;
	[tilespmem:$0x1B280] =	vst v63  }
0x245: {  	_ = 	snop  }
0x246: {  	[tilespmem:s2], [sflag:$0x2] =	stream.indirect_vreg.gather [hbm4b:s10+s4], $0x80, v5, vm0, $0xb8;
	[tilespmem:$0x1B280] =	vst v63  }
0x247: {  	_ = 	snop  }
0x248: {  	[tilespmem:s0], [sflag:$0x2] =	stream.indirect_vreg.gather [hbm4b:s1+s4], $0x80, v4, vm0, $0xb8;
	[tilespmem:$0x1B280] =	vst v63  }
0x249: {  	_ = 	snop  }
0x24a: {  	[tilespmem:s17], [sflag:$0x2] =	stream.indirect_vreg.gather [hbm4b:s8+s4], $0x80, v4, vm0, $0xb8;
	[tilespmem:$0x1B280] =	vst v63  }
0x24b: {  	_ = 	snop  }
0x24c: {  	[tilespmem:s19], [sflag:$0x2] =	stream.indirect_vreg.gather [hbm4b:s9+s4], $0x80, v4, vm0, $0xb8;
	[tilespmem:$0x1B280] =	vst v63  }
0x24d: {  	s24 =	sshll.u32 s24, $0x9  }
0x24e: {  	[tilespmem:s20], [sflag:$0x2] =	stream.indirect_vreg.gather [hbm4b:s10+s4], $0x80, v4, vm0, $0xb8;
	[tilespmem:$0x1B280] =	vst v63  }
0x24f: {  	s24 =	sadd.s32 s24, s11  }
0x250: {  	[tilespmem:s21], [sflag:$0x8] =	stream.linear.gather [hbm4b:s24+s4], $0x1000, $0x38;
	[tilespmem:$0x1B280] =	vst v63  }
0x251: {  	s24 =	simm.s32 @!p0 $0x6  }
0x252: {  	_ =	swait.ge @!p0 [sflag:s24], $0x4000  }
0x253: {  	[sflag:s24] =	ssyncset.done @!p0 $0x0  }
0x254: {  	[sflag:s24] =	ssyncadd.s32 @!p0 $0xFFFFC000  }
0x255: {  	_ =	swait.ge [sflag:s13], $0x4000  }
0x256: {  	[sflag:s13] =	ssyncset.done $0x0  }
0x257: {  	[sflag:s13] =	ssyncadd.s32 $0xFFFFC000  }
0x258: {  	_ =	swait.ge [sflag:s16], $0x1000  }
0x259: {  	[sflag:s16] =	ssyncset.done $0x0  }
0x25a: {  	s28 =	simm.s32 $0x0;
	[sflag:s16] =	ssyncadd.s32 $0xFFFFF000  }
.LBB2_8:
0x25b: {  	s24 =	sshll.u32 s28, $0x3  }
0x25c: {  	s29 =	sand.u32 $0x3FFFFFF8, s24  }
0x25d: {  	v4 =	vld [tilespmem:s29+$0x8200];
	_ =	sdelay $0x1  }
0x25e: {  	v5 =	vld [tilespmem:s28+$0x1A200];
	_ =	sdelay $0x2  }
0x25f: {  	v4 =	vmul.f32 v4, v3;
	_ =	sdelay $0x1  }
0x260: {  	s24 =	sshll.u32 s28, $0x2;
	v4 =	vadd.f32 v4, v5  }
0x261: {  	s24 =	sand.u32 $0x3FFFFFFC, s24  }
0x262: {  	[tilespmem:s24+$0x14200] =	vst v4  }
0x263: {  	v4 =	vld [tilespmem:s29+$0x8280];
	_ =	sdelay $0x1  }
0x264: {  	v6 =	vld [tilespmem:s29+$0x8210];
	_ =	sdelay $0x1  }
0x265: {  	v8 =	vld [tilespmem:s28+$0x1A210]  }
0x266: {  	v10 =	vld [tilespmem:s29+$0x8230];
	v4 =	vmul.f32 v4, v3;
	_ =	sdelay $0x1  }
0x267: {  	v11 =	vld [tilespmem:s28+$0x1A230];
	v6 =	vmul.f32 v6, v3;
	v4 =	vadd.f32 v4, v5;
	_ =	sdelay $0x1  }
0x268: {  	v7 =	vld [tilespmem:s29+$0x8220];
	[tilespmem:s24+$0x14280] =	vst v4;
	v4 =	vadd.f32 v6, v8  }
0x269: {  	v10 =	vmul.f32 v10, v3;
	v42 =	vld [tilespmem:s29+$0x8300]  }
0x26a: {  	v9 =	vld [tilespmem:s28+$0x1A220];
	[tilespmem:s24+$0x14210] =	vst v4  }
0x26b: {  	v10 =	vadd.f32 v10, v11;
	v4 =	vld [tilespmem:s29+$0x8290];
	_ =	sdelay $0x1  }
0x26c: {  	v7 =	vmul.f32 v7, v3;
	[tilespmem:s24+$0x14230] =	vst v10  }
0x26d: {  	v19 =	vld [tilespmem:s29+$0x82B0];
	v6 =	vmul.f32 v42, v3  }
0x26e: {  	v7 =	vadd.f32 v7, v9  }
0x26f: {  	v15 =	vld [tilespmem:s28+$0x1A250];
	v6 =	vadd.f32 v6, v5;
	v4 =	vmul.f32 v4, v3  }
0x270: {  	v14 =	vld [tilespmem:s29+$0x8250];
	[tilespmem:s24+$0x14220] =	vst v7  }
0x271: {  	v7 =	vld [tilespmem:s29+$0x82A0];
	[tilespmem:s24+$0x14300] =	vst v6;
	v4 =	vadd.f32 v4, v8  }
0x272: {  	v55 =	vmul.f32 v19, v3;
	v6 =	vld [tilespmem:s29+$0x8380]  }
0x273: {  	v13 =	vld [tilespmem:s28+$0x1A240];
	[tilespmem:s24+$0x14290] =	vst v4  }
0x274: {  	v57 =	vadd.f32 v55, v11;
	v4 =	vld [tilespmem:s29+$0x8310]  }
0x275: {  	v18 =	vld [tilespmem:s28+$0x1A260];
	v46 =	vmul.f32 v14, v3  }
0x276: {  	v16 =	vld [tilespmem:s29+$0x8260];
	v7 =	vmul.f32 v7, v3;
	[tilespmem:s24+$0x142B0] =	vst v57  }
0x277: {  	v48 =	vadd.f32 v46, v15;
	v63 =	vld [tilespmem:s29+$0x8330];
	v6 =	vmul.f32 v6, v3  }
0x278: {  	v12 =	vld [tilespmem:s29+$0x8240];
	v7 =	vadd.f32 v7, v9  }
0x279: {  	v47 =	vld [tilespmem:s28+$0x1A270];
	[tilespmem:s24+$0x14250] =	vst v48;
	v5 =	vadd.f32 v6, v5;
	v4 =	vmul.f32 v4, v3  }
0x27a: {  	v17 =	vld [tilespmem:s29+$0x8270];
	[tilespmem:s24+$0x142A0] =	vst v7  }
0x27b: {  	v49 =	vmul.f32 v16, v3;
	v7 =	vld [tilespmem:s29+$0x8320];
	[tilespmem:s24+$0x14380] =	vst v5;
	v5 =	vadd.f32 v4, v8  }
0x27c: {  	v54 =	vld [tilespmem:s29+$0x82D0];
	v16 =	vmul.f32 v63, v3  }
0x27d: {  	v12 =	vmul.f32 v12, v3;
	v53 =	vadd.f32 v49, v18;
	v44 =	vld [tilespmem:s29+$0x8400];
	[tilespmem:s24+$0x14310] =	vst v5  }
0x27e: {  	v31 =	vadd.f32 v16, v11;
	v5 =	vld [tilespmem:s29+$0x8390]  }
0x27f: {  	v45 =	vadd.f32 v12, v13;
	[tilespmem:s24+$0x14260] =	vst v53;
	v4 =	vld [tilespmem:s28+$0x1A600]  }
0x280: {  	v56 =	vld [tilespmem:s29+$0x82E0];
	v43 =	vmul.f32 v7, v3;
	[tilespmem:s24+$0x14330] =	vst v31  }
0x281: {  	[tilespmem:s24+$0x14240] =	vst v45;
	v35 =	vld [tilespmem:s29+$0x83B0]  }
0x282: {  	v50 =	vld [tilespmem:s29+$0x82C0];
	v6 =	vadd.f32 v43, v9;
	v7 =	vmul.f32 v44, v3  }
0x283: {  	v51 =	vmul.f32 v17, v3;
	v5 =	vmul.f32 v5, v3  }
0x284: {  	v61 =	vmul.f32 v54, v3;
	[tilespmem:s24+$0x14320] =	vst v6;
	v7 =	vadd.f32 v7, v4  }
0x285: {  	v22 =	vmul.f32 v56, v3;
	v6 =	vld [tilespmem:s29+$0x83A0];
	v5 =	vadd.f32 v5, v8;
	v8 =	vadd.f32 v51, v47  }
0x286: {  	v21 =	vadd.f32 v61, v15;
	v19 =	vmul.f32 v35, v3;
	[tilespmem:s24+$0x15200] =	vst v7  }
0x287: {  	v25 =	vadd.f32 v22, v18;
	v7 =	vmul.f32 v50, v3;
	[tilespmem:s24+$0x14270] =	vst v8  }
0x288: {  	[tilespmem:s24+$0x142D0] =	vst v21;
	v40 =	vadd.f32 v19, v11;
	v58 =	vld [tilespmem:s29+$0x82F0]  }
0x289: {  	[tilespmem:s24+$0x142E0] =	vst v25;
	v27 =	vld [tilespmem:s29+$0x8350];
	v7 =	vadd.f32 v7, v13  }
0x28a: {  	v30 =	vld [tilespmem:s29+$0x8360];
	[tilespmem:s24+$0x143B0] =	vst v40;
	v6 =	vmul.f32 v6, v3  }
0x28b: {  	v45 =	vld [tilespmem:s28+$0x1A630];
	[tilespmem:s24+$0x142C0] =	vst v7  }
0x28c: {  	v6 =	vadd.f32 v6, v9;
	v24 =	vld [tilespmem:s29+$0x8340]  }
0x28d: {  	v52 =	vld [tilespmem:s29+$0x8480];
	v10 =	vmul.f32 v58, v3  }
0x28e: {  	v44 =	vld [tilespmem:s29+$0x8430];
	[tilespmem:s24+$0x143A0] =	vst v6  }
0x28f: {  	v9 =	vmul.f32 v27, v3;
	v60 =	vld [tilespmem:s29+$0x8420];
	[tilespmem:s24+$0x14390] =	vst v5;
	v10 =	vadd.f32 v10, v47  }
0x290: {  	v8 =	vmul.f32 v30, v3;
	v59 =	vld [tilespmem:s29+$0x8410]  }
0x291: {  	v9 =	vadd.f32 v9, v15;
	v5 =	vld [tilespmem:s28+$0x1A610];
	v12 =	vmul.f32 v24, v3;
	[tilespmem:s24+$0x142F0] =	vst v10  }
0x292: {  	v8 =	vadd.f32 v8, v18;
	v62 =	vmul.f32 v52, v3;
	v32 =	vld [tilespmem:s29+$0x8370]  }
0x293: {  	v6 =	vld [tilespmem:s28+$0x1A620];
	[tilespmem:s24+$0x14350] =	vst v9;
	v33 =	vadd.f32 v12, v13  }
0x294: {  	v9 =	vld [tilespmem:s29+$0x83D0];
	[tilespmem:s24+$0x14360] =	vst v8;
	v23 =	vadd.f32 v62, v4  }
0x295: {  	v8 =	vld [tilespmem:s29+$0x83E0];
	v17 =	vmul.f32 v59, v3;
	[tilespmem:s24+$0x14340] =	vst v33  }
0x296: {  	v11 =	vmul.f32 v44, v3;
	[tilespmem:s24+$0x15280] =	vst v23;
	v37 =	vld [tilespmem:s29+$0x83C0]  }
0x297: {  	v17 =	vadd.f32 v17, v5;
	v28 =	vld [tilespmem:s29+$0x8500];
	v16 =	vmul.f32 v32, v3  }
0x298: {  	v11 =	vadd.f32 v11, v45;
	v26 =	vmul.f32 v60, v3  }
0x299: {  	v9 =	vmul.f32 v9, v3;
	[tilespmem:s24+$0x15210] =	vst v17;
	v38 =	vadd.f32 v16, v47  }
0x29a: {  	[tilespmem:s24+$0x15230] =	vst v11;
	v29 =	vadd.f32 v26, v6;
	v8 =	vmul.f32 v8, v3;
	v17 =	vld [tilespmem:s29+$0x8490]  }
0x29b: {  	v52 =	vld [tilespmem:s29+$0x84B0];
	v9 =	vadd.f32 v9, v15;
	v41 =	vmul.f32 v37, v3;
	[tilespmem:s24+$0x14370] =	vst v38  }
0x29c: {  	[tilespmem:s24+$0x15220] =	vst v29;
	v8 =	vadd.f32 v8, v18;
	v34 =	vmul.f32 v28, v3;
	v42 =	vld [tilespmem:s29+$0x83F0]  }
0x29d: {  	v7 =	vld [tilespmem:s29+$0x84A0];
	[tilespmem:s24+$0x143D0] =	vst v9;
	v43 =	vadd.f32 v41, v13  }
0x29e: {  	v9 =	vld [tilespmem:s29+$0x8450];
	[tilespmem:s24+$0x143E0] =	vst v8;
	v36 =	vadd.f32 v34, v4  }
0x29f: {  	v49 =	vld [tilespmem:s29+$0x8460];
	v17 =	vmul.f32 v17, v3;
	[tilespmem:s24+$0x143C0] =	vst v43  }
0x2a0: {  	[tilespmem:s24+$0x15300] =	vst v36;
	v10 =	vld [tilespmem:s29+$0x8440]  }
0x2a1: {  	v17 =	vadd.f32 v17, v5;
	v39 =	vld [tilespmem:s29+$0x8580];
	v12 =	vmul.f32 v42, v3  }
0x2a2: {  	v7 =	vmul.f32 v7, v3;
	v46 =	vld [tilespmem:s28+$0x1A640]  }
0x2a3: {  	v50 =	vld [tilespmem:s28+$0x1A660];
	[tilespmem:s24+$0x15290] =	vst v17;
	v12 =	vadd.f32 v12, v47  }
0x2a4: {  	v18 =	vmul.f32 v52, v3;
	v7 =	vadd.f32 v7, v6;
	v17 =	vld [tilespmem:s29+$0x8510]  }
0x2a5: {  	v47 =	vld [tilespmem:s28+$0x1A650];
	v10 =	vmul.f32 v10, v3;
	[tilespmem:s24+$0x143F0] =	vst v12  }
0x2a6: {  	v59 =	vadd.f32 v18, v45;
	[tilespmem:s24+$0x152A0] =	vst v7;
	v48 =	vmul.f32 v39, v3;
	v12 =	vld [tilespmem:s29+$0x8470]  }
0x2a7: {  	v7 =	vld [tilespmem:s29+$0x8520];
	v53 =	vmul.f32 v49, v3;
	v10 =	vadd.f32 v10, v46  }
0x2a8: {  	v9 =	vmul.f32 v9, v3;
	[tilespmem:s24+$0x152B0] =	vst v59;
	v4 =	vadd.f32 v48, v4;
	v51 =	vld [tilespmem:s28+$0x1A670]  }
0x2a9: {  	v63 =	vld [tilespmem:s29+$0x8530];
	v57 =	vadd.f32 v53, v50;
	[tilespmem:s24+$0x15240] =	vst v10  }
0x2aa: {  	v17 =	vmul.f32 v17, v3;
	[tilespmem:s24+$0x15380] =	vst v4;
	v9 =	vadd.f32 v9, v47;
	v55 =	vld [tilespmem:s29+$0x84C0]  }
0x2ab: {  	[tilespmem:s24+$0x15260] =	vst v57;
	v4 =	vld [tilespmem:s28+$0x1AA00];
	v12 =	vmul.f32 v12, v3  }
0x2ac: {  	v7 =	vmul.f32 v7, v3;
	v54 =	vadd.f32 v17, v5;
	[tilespmem:s24+$0x15250] =	vst v9;
	v9 =	vld [tilespmem:s29+$0x84E0]  }
0x2ad: {  	v56 =	vld [tilespmem:s29+$0xA200];
	v12 =	vadd.f32 v12, v51  }
0x2ae: {  	v7 =	vadd.f32 v7, v6;
	[tilespmem:s24+$0x15310] =	vst v54;
	v58 =	vld [tilespmem:s29+$0x84D0]  }
0x2af: {  	v16 =	vld [tilespmem:s29+$0x8590];
	v17 =	vmul.f32 v55, v3;
	[tilespmem:s24+$0x15270] =	vst v12  }
0x2b0: {  	[tilespmem:s24+$0x15320] =	vst v7;
	v60 =	vld [tilespmem:s29+$0x84F0]  }
0x2b1: {  	v7 =	vld [tilespmem:s29+$0x85A0];
	v61 =	vadd.f32 v17, v46;
	v9 =	vmul.f32 v9, v3  }
0x2b2: {  	v21 =	vmul.f32 v63, v3  }
0x2b3: {  	v10 =	vmul.f32 v58, v3;
	[tilespmem:s24+$0x152C0] =	vst v61;
	v9 =	vadd.f32 v9, v50  }
0x2b4: {  	v23 =	vadd.f32 v21, v45;
	v19 =	vmul.f32 v56, v3;
	v12 =	vld [tilespmem:s29+$0x8540]  }
0x2b5: {  	v16 =	vmul.f32 v16, v3;
	v10 =	vadd.f32 v10, v47;
	[tilespmem:s24+$0x152E0] =	vst v9;
	v20 =	vmul.f32 v60, v3  }
0x2b6: {  	[tilespmem:s24+$0x15330] =	vst v23;
	v7 =	vmul.f32 v7, v3;
	v62 =	vadd.f32 v19, v4;
	v22 =	vld [tilespmem:s29+$0x8560]  }
0x2b7: {  	v28 =	vld [tilespmem:s29+$0x85B0];
	v5 =	vadd.f32 v16, v5;
	[tilespmem:s24+$0x152D0] =	vst v10;
	v16 =	vadd.f32 v20, v51  }
0x2b8: {  	v6 =	vadd.f32 v7, v6;
	[tilespmem:s24+$0x16200] =	vst v62;
	v10 =	vld [tilespmem:s29+$0x8550]  }
0x2b9: {  	v17 =	vld [tilespmem:s29+$0xA280];
	v12 =	vmul.f32 v12, v3;
	[tilespmem:s24+$0x152F0] =	vst v16  }
0x2ba: {  	[tilespmem:s24+$0x153A0] =	vst v6;
	v16 =	vld [tilespmem:s29+$0x8570]  }
0x2bb: {  	v25 =	vld [tilespmem:s29+$0xA220];
	[tilespmem:s24+$0x15390] =	vst v5;
	v26 =	vadd.f32 v12, v46;
	v7 =	vmul.f32 v22, v3  }
0x2bc: {  	v24 =	vld [tilespmem:s29+$0xA210]  }
0x2bd: {  	v5 =	vld [tilespmem:s28+$0x1AA10];
	v10 =	vmul.f32 v10, v3;
	[tilespmem:s24+$0x15340] =	vst v26;
	v7 =	vadd.f32 v7, v50  }
0x2be: {  	v27 =	vmul.f32 v17, v3;
	v17 =	vmul.f32 v28, v3;
	v31 =	vld [tilespmem:s29+$0x85C0]  }
0x2bf: {  	v6 =	vld [tilespmem:s28+$0x1AA20];
	v29 =	vadd.f32 v10, v47;
	[tilespmem:s24+$0x15360] =	vst v7;
	v16 =	vmul.f32 v16, v3  }
0x2c0: {  	v13 =	vadd.f32 v17, v45;
	v36 =	vld [tilespmem:s29+$0x85E0]  }
0x2c1: {  	v18 =	vmul.f32 v24, v3;
	[tilespmem:s24+$0x15350] =	vst v29;
	v16 =	vadd.f32 v16, v51  }
0x2c2: {  	v32 =	vmul.f32 v25, v3;
	[tilespmem:s24+$0x153B0] =	vst v13;
	v33 =	vld [tilespmem:s29+$0x85D0]  }
0x2c3: {  	v18 =	vadd.f32 v18, v5;
	v13 =	vld [tilespmem:s29+$0xA230];
	v12 =	vmul.f32 v31, v3;
	[tilespmem:s24+$0x15370] =	vst v16  }
0x2c4: {  	v35 =	vadd.f32 v32, v6;
	v16 =	vld [tilespmem:s29+$0x85F0]  }
0x2c5: {  	[tilespmem:s24+$0x16210] =	vst v18;
	v38 =	vld [tilespmem:s28+$0x1AA30];
	v12 =	vadd.f32 v12, v46;
	v9 =	vmul.f32 v36, v3  }
0x2c6: {  	[tilespmem:s24+$0x16220] =	vst v35;
	v37 =	vld [tilespmem:s29+$0xA290]  }
0x2c7: {  	v7 =	vld [tilespmem:s29+$0xA2A0];
	v10 =	vmul.f32 v33, v3;
	[tilespmem:s24+$0x153C0] =	vst v12;
	v8 =	vadd.f32 v9, v50  }
0x2c8: {  	v12 =	vld [tilespmem:s29+$0xA240]  }
0x2c9: {  	v10 =	vadd.f32 v10, v47;
	v40 =	vld [tilespmem:s28+$0x1AA40];
	[tilespmem:s24+$0x153E0] =	vst v8;
	v39 =	vmul.f32 v16, v3  }
0x2ca: {  	v43 =	vmul.f32 v13, v3;
	v8 =	vld [tilespmem:s29+$0xA260]  }
0x2cb: {  	[tilespmem:s24+$0x153D0] =	vst v10;
	v49 =	vld [tilespmem:s28+$0x1AA60];
	v42 =	vadd.f32 v39, v51  }
0x2cc: {  	v45 =	vadd.f32 v43, v38;
	v41 =	vld [tilespmem:s29+$0xA250]  }
0x2cd: {  	v48 =	vmul.f32 v37, v3;
	v44 =	vld [tilespmem:s28+$0x1AA50];
	[tilespmem:s24+$0x153F0] =	vst v42  }
0x2ce: {  	v30 =	vadd.f32 v27, v4;
	[tilespmem:s24+$0x16230] =	vst v45;
	v46 =	vmul.f32 v12, v3;
	v47 =	vld [tilespmem:s29+$0xA270]  }
0x2cf: {  	v14 =	vadd.f32 v48, v5;
	v7 =	vmul.f32 v7, v3;
	v52 =	vld [tilespmem:s29+$0xA2B0]  }
0x2d0: {  	[tilespmem:s24+$0x16280] =	vst v30;
	v50 =	vadd.f32 v46, v40;
	v8 =	vmul.f32 v8, v3;
	v51 =	vld [tilespmem:s28+$0x1AA70]  }
0x2d1: {  	v34 =	vld [tilespmem:s29+$0xA300];
	[tilespmem:s24+$0x16290] =	vst v14;
	v7 =	vadd.f32 v7, v6;
	v9 =	vmul.f32 v41, v3  }
0x2d2: {  	v14 =	vld [tilespmem:s29+$0xA310];
	[tilespmem:s24+$0x16240] =	vst v50;
	v8 =	vadd.f32 v8, v49  }
0x2d3: {  	[tilespmem:s24+$0x162A0] =	vst v7;
	v9 =	vadd.f32 v9, v44;
	v10 =	vld [tilespmem:s29+$0xA2C0];
	v12 =	vmul.f32 v47, v3  }
0x2d4: {  	v59 =	vld [tilespmem:s29+$0xA320];
	[tilespmem:s24+$0x16260] =	vst v8  }
0x2d5: {  	v18 =	vmul.f32 v52, v3;
	[tilespmem:s24+$0x16250] =	vst v9;
	v56 =	vld [tilespmem:s29+$0xA2E0];
	v12 =	vadd.f32 v12, v51  }
0x2d6: {  	v53 =	vmul.f32 v34, v3;
	v54 =	vld [tilespmem:s29+$0xA2D0]  }
0x2d7: {  	v57 =	vadd.f32 v18, v38;
	[tilespmem:s24+$0x16270] =	vst v12  }
0x2d8: {  	v55 =	vadd.f32 v53, v4;
	v10 =	vmul.f32 v10, v3;
	v12 =	vld [tilespmem:s29+$0xA2F0]  }
0x2d9: {  	v58 =	vmul.f32 v14, v3;
	[tilespmem:s24+$0x162B0] =	vst v57;
	v14 =	vmul.f32 v59, v3  }
0x2da: {  	[tilespmem:s24+$0x16300] =	vst v55;
	v63 =	vld [tilespmem:s29+$0xA330];
	v61 =	vadd.f32 v10, v40;
	v9 =	vmul.f32 v56, v3  }
0x2db: {  	v60 =	vld [tilespmem:s29+$0xA380];
	v14 =	vadd.f32 v14, v6;
	v62 =	vmul.f32 v54, v3  }
0x2dc: {  	[tilespmem:s24+$0x162C0] =	vst v61;
	v25 =	vadd.f32 v9, v49  }
0x2dd: {  	[tilespmem:s24+$0x16320] =	vst v14;
	v21 =	vadd.f32 v62, v44;
	v22 =	vld [tilespmem:s29+$0xA340];
	v23 =	vmul.f32 v12, v3  }
0x2de: {  	v8 =	vadd.f32 v58, v5;
	v14 =	vld [tilespmem:s29+$0xA3A0];
	[tilespmem:s24+$0x162E0] =	vst v25  }
0x2df: {  	v19 =	vmul.f32 v63, v3;
	[tilespmem:s24+$0x162D0] =	vst v21;
	v7 =	vld [tilespmem:s29+$0xA360];
	v10 =	vadd.f32 v23, v51  }
0x2e0: {  	v26 =	vmul.f32 v60, v3;
	[tilespmem:s24+$0x16310] =	vst v8;
	v27 =	vld [tilespmem:s29+$0xA350]  }
0x2e1: {  	v24 =	vld [tilespmem:s29+$0xA390];
	v28 =	vadd.f32 v19, v38;
	[tilespmem:s24+$0x162F0] =	vst v10  }
0x2e2: {  	v4 =	vadd.f32 v26, v4;
	v8 =	vmul.f32 v22, v3;
	v10 =	vld [tilespmem:s29+$0xA370]  }
0x2e3: {  	[tilespmem:s24+$0x16330] =	vst v28;
	v14 =	vmul.f32 v14, v3  }
0x2e4: {  	[tilespmem:s24+$0x16380] =	vst v4;
	v30 =	vld [tilespmem:s29+$0xA3B0];
	v8 =	vadd.f32 v8, v40;
	v7 =	vmul.f32 v7, v3  }
0x2e5: {  	v4 =	vld [tilespmem:s28+$0x1AE00];
	v6 =	vadd.f32 v14, v6;
	v29 =	vmul.f32 v27, v3  }
0x2e6: {  	v31 =	vld [tilespmem:s29+$0xA400];
	[tilespmem:s24+$0x16340] =	vst v8;
	v7 =	vadd.f32 v7, v49  }
0x2e7: {  	[tilespmem:s24+$0x163A0] =	vst v6;
	v12 =	vmul.f32 v24, v3;
	v32 =	vadd.f32 v29, v44;
	v33 =	vld [tilespmem:s29+$0xA3C0];
	v10 =	vmul.f32 v10, v3  }
0x2e8: {  	v36 =	vld [tilespmem:s29+$0xA420];
	[tilespmem:s24+$0x16360] =	vst v7  }
0x2e9: {  	v5 =	vadd.f32 v12, v5;
	v12 =	vmul.f32 v30, v3;
	[tilespmem:s24+$0x16350] =	vst v32;
	v7 =	vld [tilespmem:s29+$0xA3E0];
	v10 =	vadd.f32 v10, v51  }
0x2ea: {  	v8 =	vld [tilespmem:s29+$0xA3D0]  }
0x2eb: {  	v35 =	vadd.f32 v12, v38;
	v12 =	vld [tilespmem:s28+$0x1AE20];
	[tilespmem:s24+$0x16370] =	vst v10  }
0x2ec: {  	[tilespmem:s24+$0x16390] =	vst v5;
	v9 =	vmul.f32 v33, v3;
	v10 =	vld [tilespmem:s29+$0xA3F0]  }
0x2ed: {  	v5 =	vld [tilespmem:s28+$0x1AE10]  }
0x2ee: {  	v34 =	vld [tilespmem:s29+$0xA410];
	[tilespmem:s24+$0x163B0] =	vst v35;
	v37 =	vadd.f32 v9, v40;
	v7 =	vmul.f32 v7, v3  }
0x2ef: {  	v38 =	vld [tilespmem:s29+$0xA430];
	v8 =	vmul.f32 v8, v3  }
0x2f0: {  	v9 =	vld [tilespmem:s28+$0x1AE30];
	[tilespmem:s24+$0x163C0] =	vst v37;
	v41 =	vadd.f32 v7, v49  }
0x2f1: {  	v39 =	vadd.f32 v8, v44;
	v8 =	vld [tilespmem:s28+$0x1AE40];
	v10 =	vmul.f32 v10, v3  }
0x2f2: {  	v40 =	vld [tilespmem:s29+$0xA440];
	[tilespmem:s24+$0x163E0] =	vst v41  }
0x2f3: {  	[tilespmem:s24+$0x163D0] =	vst v39;
	v45 =	vld [tilespmem:s29+$0xA460];
	v10 =	vadd.f32 v10, v51  }
0x2f4: {  	v42 =	vmul.f32 v31, v3;
	v43 =	vld [tilespmem:s29+$0xA450]  }
0x2f5: {  	v44 =	vmul.f32 v34, v3;
	v7 =	vld [tilespmem:s28+$0x1AE50];
	[tilespmem:s24+$0x163F0] =	vst v10  }
0x2f6: {  	v46 =	vadd.f32 v42, v4;
	v47 =	vmul.f32 v36, v3;
	v48 =	vld [tilespmem:s29+$0xA470]  }
0x2f7: {  	v15 =	vmul.f32 v38, v3;
	v6 =	vadd.f32 v44, v5;
	v18 =	vld [tilespmem:s28+$0x1AE60]  }
0x2f8: {  	[tilespmem:s24+$0x17200] =	vst v46;
	v49 =	vadd.f32 v47, v12;
	v50 =	vmul.f32 v40, v3;
	v13 =	vld [tilespmem:s28+$0x1AE70]  }
0x2f9: {  	v52 =	vadd.f32 v15, v9;
	[tilespmem:s24+$0x17210] =	vst v6;
	v51 =	vld [tilespmem:s29+$0xA480];
	v53 =	vmul.f32 v43, v3  }
0x2fa: {  	[tilespmem:s24+$0x17220] =	vst v49;
	v54 =	vld [tilespmem:s29+$0xA490];
	v55 =	vadd.f32 v50, v8;
	v56 =	vmul.f32 v45, v3  }
0x2fb: {  	v57 =	vld [tilespmem:s29+$0xA4A0];
	[tilespmem:s24+$0x17230] =	vst v52;
	v58 =	vadd.f32 v53, v7;
	v14 =	vmul.f32 v48, v3  }
0x2fc: {  	v59 =	vld [tilespmem:s29+$0xA4B0];
	[tilespmem:s24+$0x17240] =	vst v55;
	v60 =	vadd.f32 v56, v18  }
0x2fd: {  	v61 =	vld [tilespmem:s29+$0xA4C0];
	[tilespmem:s24+$0x17250] =	vst v58;
	v62 =	vadd.f32 v14, v13  }
0x2fe: {  	v63 =	vmul.f32 v51, v3;
	[tilespmem:s24+$0x17260] =	vst v60;
	v21 =	vld [tilespmem:s29+$0xA4D0]  }
0x2ff: {  	v22 =	vmul.f32 v54, v3;
	v23 =	vld [tilespmem:s29+$0xA4E0];
	[tilespmem:s24+$0x17270] =	vst v62  }
0x300: {  	v25 =	vmul.f32 v57, v3;
	v24 =	vadd.f32 v63, v4;
	v26 =	vld [tilespmem:s29+$0xA4F0]  }
0x301: {  	v15 =	vmul.f32 v59, v3;
	v10 =	vadd.f32 v22, v5  }
0x302: {  	v27 =	vadd.f32 v25, v12;
	[tilespmem:s24+$0x17280] =	vst v24;
	v11 =	vmul.f32 v61, v3  }
0x303: {  	v29 =	vadd.f32 v15, v9;
	[tilespmem:s24+$0x17290] =	vst v10;
	v28 =	vld [tilespmem:s29+$0xA500];
	v30 =	vmul.f32 v21, v3  }
0x304: {  	[tilespmem:s24+$0x172A0] =	vst v27;
	v31 =	vld [tilespmem:s29+$0xA510];
	v32 =	vadd.f32 v11, v8;
	v33 =	vmul.f32 v23, v3  }
0x305: {  	v34 =	vld [tilespmem:s29+$0xA520];
	[tilespmem:s24+$0x172B0] =	vst v29;
	v35 =	vadd.f32 v30, v7;
	v36 =	vmul.f32 v26, v3  }
0x306: {  	v37 =	vld [tilespmem:s29+$0xA530];
	[tilespmem:s24+$0x172C0] =	vst v32;
	v38 =	vadd.f32 v33, v18  }
0x307: {  	v39 =	vld [tilespmem:s29+$0xA540];
	[tilespmem:s24+$0x172D0] =	vst v35;
	v40 =	vadd.f32 v36, v13  }
0x308: {  	v14 =	vmul.f32 v28, v3;
	[tilespmem:s24+$0x172E0] =	vst v38;
	v41 =	vld [tilespmem:s29+$0xA550]  }
0x309: {  	v42 =	vmul.f32 v31, v3;
	v43 =	vld [tilespmem:s29+$0xA560];
	[tilespmem:s24+$0x172F0] =	vst v40  }
0x30a: {  	v45 =	vmul.f32 v34, v3;
	v44 =	vadd.f32 v14, v4;
	v46 =	vld [tilespmem:s29+$0xA570]  }
0x30b: {  	v17 =	vmul.f32 v37, v3;
	v6 =	vadd.f32 v42, v5  }
0x30c: {  	v47 =	vadd.f32 v45, v12;
	[tilespmem:s24+$0x17300] =	vst v44;
	v11 =	vmul.f32 v39, v3  }
0x30d: {  	v49 =	vadd.f32 v17, v9;
	[tilespmem:s24+$0x17310] =	vst v6;
	v48 =	vld [tilespmem:s29+$0xA580];
	v15 =	vmul.f32 v41, v3  }
0x30e: {  	[tilespmem:s24+$0x17320] =	vst v47;
	v50 =	vld [tilespmem:s29+$0xA590];
	v11 =	vadd.f32 v11, v8;
	v51 =	vmul.f32 v43, v3  }
0x30f: {  	v52 =	vld [tilespmem:s29+$0xA5A0];
	[tilespmem:s24+$0x17330] =	vst v49;
	v15 =	vadd.f32 v15, v7;
	v16 =	vmul.f32 v46, v3  }
0x310: {  	v53 =	vld [tilespmem:s29+$0xA5B0];
	[tilespmem:s24+$0x17340] =	vst v11;
	v17 =	vadd.f32 v51, v18  }
0x311: {  	v54 =	vld [tilespmem:s29+$0xA5C0];
	[tilespmem:s24+$0x17350] =	vst v15;
	v16 =	vadd.f32 v16, v13  }
0x312: {  	v6 =	vmul.f32 v48, v3;
	[tilespmem:s24+$0x17360] =	vst v17;
	v55 =	vld [tilespmem:s29+$0xA5D0]  }
0x313: {  	v10 =	vmul.f32 v50, v3;
	v56 =	vld [tilespmem:s29+$0xA5E0];
	[tilespmem:s24+$0x17370] =	vst v16  }
0x314: {  	v57 =	vmul.f32 v52, v3;
	v4 =	vadd.f32 v6, v4;
	v58 =	vld [tilespmem:s29+$0xA5F0]  }
0x315: {  	v59 =	vmul.f32 v53, v3;
	v5 =	vadd.f32 v10, v5  }
0x316: {  	[tilespmem:s24+$0x17380] =	vst v4;
	v4 =	vadd.f32 v57, v12;
	v60 =	vmul.f32 v54, v3  }
0x317: {  	[tilespmem:s24+$0x17390] =	vst v5;
	v5 =	vadd.f32 v59, v9;
	v61 =	vmul.f32 v55, v3  }
0x318: {  	p0 =	slt.u32 s28, $0x380;
	[tilespmem:s24+$0x173A0] =	vst v4;
	v4 =	vadd.f32 v60, v8;
	v62 =	vmul.f32 v56, v3  }
.Ltmp5:
0x319: {  	[tilespmem:s24+$0x173B0] =	vst v5;
	v5 =	vadd.f32 v61, v7;
	v63 =	vmul.f32 v58, v3;
	(pc) =	sbr.rel @p0 .LBB2_8-.Ltmp5, $4  }
0x31a: {  	[tilespmem:s24+$0x173C0] =	vst v4;
	v4 =	vadd.f32 v62, v18  }
0x31b: {  	[tilespmem:s24+$0x173D0] =	vst v5;
	v5 =	vadd.f32 v63, v13  }
0x31c: {  	s29 =	sadd.s32 $0x80, s28;
	[tilespmem:s24+$0x173E0] =	vst v4  }
0x31d: {  	s28 =	smov.u32 s29;
	[tilespmem:s24+$0x173F0] =	vst v5  }
0x31e: {  	s5 =	sadd.s32 s15, s5  }
0x31f: {  	s5 =	sshrl.u32 s5, $0x3  }
0x320: {  	s24 =	simm.s32 $0x14200;
	p0 =	sgt.u32 s18, $0x8;
	s5 =	sadd.s32 s3, s5  }
0x321: {  	[hbm4b:s5+s4] =	stream.linear.scatter [tilespmem:s24], [sflag:$0x6], $0x4000, $0x38;
	[tilespmem:$0x1B280] =	vst v63  }
0x322: {  	s5 =	sadd.s32 @!p0 $0x5, s7  }
0x323: {  	s7 =	sshll.u32 @!p0 s5, $0x4  }
0x324: {  	s7 =	sand.u32 @!p0 $0x3FFFFFF0, s7  }
0x325: {  	v4 =	vld @!p0 [tilespmem:s7+$0x0];
	_ =	sdelay $0x4  }
0x326: {  	v5 =	vshll.u32 @!p0 v4, $0x3  }
0x327: {  	v6 =	vlaneseq.u32 @!p0;
	v4 =	vand.u32 @!p0 $0x7, v4;
	v5 =	vand.u32 @!p0 $0xFFFFFFC0, v5  }
0x328: {  	v7 =	vshrl.u32 @!p0 v6, $0x3;
	v4 =	vor.u32 @!p0 v4, v5;
	v5 =	vand.u32 @!p0 $0x7, v6  }
0x329: {  	v7 =	vmul.u32 @!p0 $0x8, v7;
	v5 =	vperm.xlane @!p0 v4, v5;
	_ =	sdelay $0x1  }
0x32a: {  	v5 =	vadd.s32 @!p0 v7, v5;
	_ =	sdelay $0x3  }
0x32b: {  	vm1 =	vmmov @!p0 $0xffff;
	s24 =	simm.s32 @!p0 $0x8200;
	s7 =	simm.s32 @!p0 $0x0  }
0x32c: {  	v6 =	vor.u32 @!p0 $0x8, v6;
	[tilespmem:s24], [sflag:$0x3] =	stream.indirect_vreg.gather @!p0 [hbm4b:s1+s7], $0x80, v5, vm1, $0xb8;
	[tilespmem:$0x1B280] =	vst v63  }
0x32d: {  	v4 =	vperm.xlane @!p0 v4, v6;
	s24 =	simm.s32 @!p0 $0x8A00  }
0x32e: {  	[tilespmem:s24], [sflag:$0x3] =	stream.indirect_vreg.gather @!p0 [hbm4b:s8+s7], $0x80, v5, vm1, $0xb8;
	[tilespmem:$0x1B280] =	vst v63  }
0x32f: {  	v4 =	vadd.s32 @!p0 v7, v4;
	s24 =	simm.s32 @!p0 $0x9200  }
0x330: {  	[tilespmem:s24], [sflag:$0x3] =	stream.indirect_vreg.gather @!p0 [hbm4b:s9+s7], $0x80, v5, vm1, $0xb8;
	[tilespmem:$0x1B280] =	vst v63  }
0x331: {  	s24 =	simm.s32 @!p0 $0x9A00  }
0x332: {  	[tilespmem:s24], [sflag:$0x3] =	stream.indirect_vreg.gather @!p0 [hbm4b:s10+s7], $0x80, v5, vm1, $0xb8;
	[tilespmem:$0x1B280] =	vst v63  }
0x333: {  	s24 =	simm.s32 @!p0 $0xA200  }
0x334: {  	[tilespmem:s24], [sflag:$0x3] =	stream.indirect_vreg.gather @!p0 [hbm4b:s1+s7], $0x80, v4, vm1, $0xb8;
	[tilespmem:$0x1B280] =	vst v63  }
0x335: {  	s24 =	simm.s32 @!p0 $0xAA00  }
0x336: {  	[tilespmem:s24], [sflag:$0x3] =	stream.indirect_vreg.gather @!p0 [hbm4b:s8+s7], $0x80, v4, vm1, $0xb8;
	[tilespmem:$0x1B280] =	vst v63  }
0x337: {  	s24 =	simm.s32 @!p0 $0xB200  }
0x338: {  	[tilespmem:s24], [sflag:$0x3] =	stream.indirect_vreg.gather @!p0 [hbm4b:s9+s7], $0x80, v4, vm1, $0xb8;
	[tilespmem:$0x1B280] =	vst v63  }
0x339: {  	s5 =	sshll.u32 @!p0 s5, $0x9;
	s24 =	simm.s32 @!p0 $0xBA00  }
0x33a: {  	[tilespmem:s24], [sflag:$0x3] =	stream.indirect_vreg.gather @!p0 [hbm4b:s10+s7], $0x80, v4, vm1, $0xb8;
	[tilespmem:$0x1B280] =	vst v63  }
0x33b: {  	s18 =	sadd.s32 $0x1, s18;
	s5 =	sadd.s32 @!p0 s5, s11;
	s24 =	simm.s32 @!p0 $0x1A200  }
0x33c: {  	[tilespmem:s24], [sflag:$0x9] =	stream.linear.gather @!p0 [hbm4b:s5+s7], $0x1000, $0x38;
	[tilespmem:$0x1B280] =	vst v63  }
0x33d: {  	p0 =	sne.s32 s18, $0xB  }
.Ltmp6:
0x33e: {  	_ = 	snop;
	(pc) =	sbr.rel @p0 .LBB2_2-.Ltmp6, $4  }
.Ltmp7:
0x33f: {  	_ = 	snop;
	(pc) =	sbr.rel @!p0 .LBB2_10-.Ltmp7, $4  }
0x340: {  	_ = 	snop  }
0x341: {  	_ = 	snop  }
0x342: {  	_ = 	snop  }
0x343: {  	_ = 	snop  }
.LBB2_11:
0x344: {  	_ =	sfence.sel $0x180000  }
0x345: {  	[bflag:$0x0] =	sbarrier.arrive $0xFFFF  }
0x346: {  	_ =	strace $0x90000047  }
0x347: {  	s0 =	stileid.u32;
	[bflag:$0x2] =	sbarrier.arrive $0xFFFF  }
0x348: {  	p0 =	sne.s32 s0, $0x0;
	s0 =	rddreg [dreg:$0x4]  }
0x349: {  	s0 =	sadd.s32 @!p0 $0x100000, s0  }
0x34a: {  	[sflag:s0] =	ssyncadd.tile.s32 @!p0 $0x1;
	_ =	shalt  }
.Lfunc_end2:
_tile_overlayer_lowered:
.L_overlay_start_2:
0x34b: {  	(tag) =	ssettag $0x2  }
0x34c: {  	s0 =	rddreg [dreg:$0x0];
	s2 =	stileid.u32  }
0x34d: {  	s1 =	rddreg [dreg:$0x1];
	p0 =	sne.s32 s2, $0x0  }
0x34e: {  	s3 =	rddreg [dreg:$0x2];
	[bflag:$0x3] =	sbarrier.arrive $0xFFFF;
	s2 =	simm.s32 @!p0 $0x1C0A  }
0x34f: {  	[timem:s3], [sflag:s2] =	dma.local @!p0 [hbm:s0], s1  }
0x350: {  	s0 =	simm.s32 @!p0 $0xA  }
0x351: {  	_ =	swait.ge @!p0 [sflag:s0], s1  }
0x352: {  	s1 =	ssub.s32 @!p0 $0x0, s1;
	[sflag:s0] =	ssyncset.done @!p0 $0x0  }
0x353: {  	[sflag:s0] =	ssyncadd.s32 @!p0 s1  }
0x354: {  	[bflag:$0x3] =	sbarrier.arrive $0xFFFF  }
0x355: {  	_ =	shalt  }

</sc_bundles>
